<compile_context>
chip_gen: v7x
topology: tpu7x:2x2x1
jax: 0.10.2.dev20260603
libtpu: 0.0.44.dev20260713+nightly
codegen_flags: <defaults>
</compile_context>

<pallas_src>
import functools

import jax
import jax.numpy as jnp
from jax import lax
from jax.experimental import pallas as pl
from jax.experimental.pallas import tpu as pltpu
from jax.experimental.pallas import tpu_sc as plsc

NN = 10000
F = 128
FH = F // 2
E = 320000
NC, NS = 2, 16
NPAD = 10240
RPT = NPAD // NS
K = 128
EPAD = 327680
NDUMMY = EPAD - E
EPT = EPAD // NS
NCHUNK = EPT // K
CROWS = EPAD // K
EPT_D = EPAD // (NC * NS)
NCHUNK_D = EPT_D // K
GCH_D = 5
NGRP_D = NCHUNK_D // GCH_D

_mesh = plsc.VectorSubcoreMesh(core_axis_name="c", subcore_axis_name="s")


@functools.partial(
    pl.kernel,
    out_type=jax.ShapeDtypeStruct((NC, NPAD, 16), jnp.float32),
    mesh=_mesh,
    scratch_types=[
        pltpu.VMEM((NCHUNK_D, K), jnp.int32),
        pltpu.VMEM((K, 16), jnp.float32),
        pltpu.VMEM((RPT, 16), jnp.float32),
        pltpu.VMEM_SHARED((NPAD, 16), jnp.float32),
        pltpu.SemaphoreType.DMA,
        pltpu.SemaphoreType.DMA,
        pltpu.SemaphoreType.DMA,
        pltpu.SemaphoreType.DMA,
    ],
    compiler_params=pltpu.CompilerParams(use_tc_tiling_on_sc=False),
)
def _deg_kernel(dst_hbm, out_hbm, dblk, ones_v, cbuf, acc_sh,
                ss0, ss1, ss2, ss3):
    c = lax.axis_index("c")
    s = lax.axis_index("s")
    one_row = jnp.ones((16,), jnp.float32)
    zero_row = jnp.zeros((16,), jnp.float32)

    def fill_ones(i, carry):
        ones_v[i] = one_row
        return carry

    lax.fori_loop(0, K, fill_ones, 0)

    def fill_zero(i, carry):
        cbuf[i] = zero_row
        return carry

    lax.fori_loop(0, RPT, fill_zero, 0)
    pltpu.sync_copy(cbuf, acc_sh.at[pl.ds(s * RPT, RPT)])
    plsc.subcore_barrier()
    NBD = 4
    sem_s = (ss0, ss1, ss2, ss3)
    pltpu.sync_copy(dst_hbm.at[pl.ds((c * NS + s) * NCHUNK_D, NCHUNK_D)],
                    dblk)

    def scatter(i, b):
        return pltpu.async_copy(ones_v, acc_sh.at[dblk.at[i]], sem_s[b],
                                add=True)

    def wait_s(b):
        pltpu.make_async_copy(out_hbm.at[0, pl.ds(0, K)], ones_v,
                              sem_s[b]).wait()

    for b in range(NBD):
        scatter(b, b)

    def body(u, carry):
        for b in range(NBD):
            wait_s(b)
            scatter(u * NBD + b, b)
        return carry

    lax.fori_loop(1, NCHUNK_D // NBD, body, 0)
    for b in range(NBD):
        wait_s(b)
    plsc.subcore_barrier()
    pltpu.sync_copy(acc_sh.at[pl.ds(s * RPT, RPT)], cbuf)
    pltpu.sync_copy(cbuf, out_hbm.at[c, pl.ds(s * RPT, RPT)])


@functools.partial(
    pl.kernel,
    out_type=jax.ShapeDtypeStruct((NC, NPAD, FH), jnp.float32),
    mesh=_mesh,
    scratch_types=[
        pltpu.VMEM((NCHUNK, K), jnp.int32),
        pltpu.VMEM((NCHUNK, K), jnp.int32),
        pltpu.VMEM((K, FH), jnp.float32),
        pltpu.VMEM((K, FH), jnp.float32),
        pltpu.VMEM((K, FH), jnp.float32),
        pltpu.VMEM((K, FH), jnp.float32),
        pltpu.VMEM((RPT // 4, FH), jnp.float32),
        pltpu.VMEM_SHARED((NPAD, FH), jnp.float32),
        pltpu.SemaphoreType.DMA,
        pltpu.SemaphoreType.DMA,
        pltpu.SemaphoreType.DMA,
        pltpu.SemaphoreType.DMA,
        pltpu.SemaphoreType.DMA,
        pltpu.SemaphoreType.DMA,
        pltpu.SemaphoreType.DMA,
        pltpu.SemaphoreType.DMA,
    ],
    compiler_params=pltpu.CompilerParams(use_tc_tiling_on_sc=False),
)
def _agg_kernel(y_hbm, src_hbm, dst_hbm, out_hbm,
                sblk, dblk, rows0, rows1, rows2, rows3, cbuf, acc_sh,
                sg0, sg1, sg2, sg3, ss0, ss1, ss2, ss3):
    c = lax.axis_index("c")
    s = lax.axis_index("s")
    NB = 4
    rows = (rows0, rows1, rows2, rows3)
    sem_g = (sg0, sg1, sg2, sg3)
    sem_s = (ss0, ss1, ss2, ss3)
    zero_row = jnp.zeros((16,), jnp.float32)

    def fill_zero(i, carry):
        for j in range(FH // 16):
            cbuf[i, pl.ds(j * 16, 16)] = zero_row
        return carry

    lax.fori_loop(0, RPT // 4, fill_zero, 0)
    for h in range(4):
        pltpu.sync_copy(cbuf, acc_sh.at[pl.ds(s * RPT + h * (RPT // 4),
                                              RPT // 4)])
    plsc.subcore_barrier()

    pltpu.sync_copy(src_hbm.at[pl.ds(s * NCHUNK, NCHUNK)], sblk)
    pltpu.sync_copy(dst_hbm.at[pl.ds(s * NCHUNK, NCHUNK)], dblk)

    def gather(i, b):
        return pltpu.async_copy(y_hbm.at[c].at[sblk.at[i]], rows[b], sem_g[b])

    def scatter(i, b):
        return pltpu.async_copy(rows[b], acc_sh.at[dblk.at[i]], sem_s[b],
                                add=True)

    def wait_g(b):
        pltpu.make_async_copy(y_hbm.at[c].at[pl.ds(0, K)], rows[b],
                              sem_g[b]).wait()

    def wait_s(b):
        pltpu.make_async_copy(y_hbm.at[c].at[pl.ds(0, K)], rows[b],
                              sem_s[b]).wait()

    for b in range(NB):
        gather(b, b)
        if b >= 1:
            wait_g(b - 1)
            scatter(b - 1, b - 1)

    def body(u, carry):
        for b in range(NB):
            i = u * NB + b
            wait_s(b)
            gather(i, b)
            bp = (b - 1) % NB
            wait_g(bp)
            scatter(i - 1, bp)
        return carry

    lax.fori_loop(1, NCHUNK // NB, body, 0)

    wait_g(NB - 1)
    scatter(NCHUNK - 1, NB - 1)
    for b in range(NB):
        wait_s(b)
    plsc.subcore_barrier()
    for h in range(4):
        off = s * RPT + h * (RPT // 4)
        pltpu.sync_copy(acc_sh.at[pl.ds(off, RPT // 4)], cbuf)
        pltpu.sync_copy(cbuf, out_hbm.at[c, pl.ds(off, RPT // 4)])


R = 1280
GRID = NPAD // R


def _dis(degp_ref):
    deg = degp_ref[0, :, 0:1] + degp_ref[1, :, 0:1] + 1.0
    return lax.rsqrt(deg)


def _split_store(ref, val):
    ref[0] = val[:, :FH]
    ref[1] = val[:, FH:]


def _pre_body(x_ref, w_ref, degp_ref, y_ref):
    xw = jnp.dot(x_ref[...], w_ref[...], preferred_element_type=jnp.float32)
    _split_store(y_ref, xw * _dis(degp_ref))


_pre = pl.pallas_call(
    _pre_body,
    grid=(GRID,),
    in_specs=[
        pl.BlockSpec((R, F), lambda i: (i, 0)),
        pl.BlockSpec((F, F), lambda i: (0, 0)),
        pl.BlockSpec((NC, R, 16), lambda i: (0, i, 0)),
    ],
    out_specs=pl.BlockSpec((NC, R, FH), lambda i: (0, i, 0)),
    out_shape=jax.ShapeDtypeStruct((NC, NPAD, FH), jnp.float32),
)


def _cat(ref):
    return jnp.concatenate([ref[0], ref[1]], axis=-1)


def _mid_body(aggp_ref, y1_ref, degp_ref, b1_ref, w2_ref, y2_ref):
    dis = _dis(degp_ref)
    agg = _cat(aggp_ref) + _cat(y1_ref)
    h = jnp.maximum(dis * agg + b1_ref[...], 0.0)
    y2 = jnp.dot(h, w2_ref[...], preferred_element_type=jnp.float32) * dis
    _split_store(y2_ref, y2)


_mid = pl.pallas_call(
    _mid_body,
    grid=(GRID,),
    in_specs=[
        pl.BlockSpec((NC, R, FH), lambda i: (0, i, 0)),
        pl.BlockSpec((NC, R, FH), lambda i: (0, i, 0)),
        pl.BlockSpec((NC, R, 16), lambda i: (0, i, 0)),
        pl.BlockSpec((1, F), lambda i: (0, 0)),
        pl.BlockSpec((F, F), lambda i: (0, 0)),
    ],
    out_specs=pl.BlockSpec((NC, R, FH), lambda i: (0, i, 0)),
    out_shape=jax.ShapeDtypeStruct((NC, NPAD, FH), jnp.float32),
)


def _fin_body(aggp_ref, y2_ref, degp_ref, b2_ref, out_ref):
    agg = _cat(aggp_ref) + _cat(y2_ref)
    out_ref[...] = _dis(degp_ref) * agg + b2_ref[...]


_fin = pl.pallas_call(
    _fin_body,
    grid=(GRID,),
    in_specs=[
        pl.BlockSpec((NC, R, FH), lambda i: (0, i, 0)),
        pl.BlockSpec((NC, R, FH), lambda i: (0, i, 0)),
        pl.BlockSpec((NC, R, 16), lambda i: (0, i, 0)),
        pl.BlockSpec((1, F), lambda i: (0, 0)),
    ],
    out_specs=pl.BlockSpec((R, F), lambda i: (i, 0)),
    out_shape=jax.ShapeDtypeStruct((NPAD, F), jnp.float32),
)


def kernel(x, edge_index, W1, b1, W2, b2):
    pad_idx = NN + (jnp.arange(NDUMMY, dtype=jnp.int32) % (NPAD - NN))
    src = jnp.concatenate([edge_index[0].astype(jnp.int32), pad_idx])
    dst = jnp.concatenate([edge_index[1].astype(jnp.int32), pad_idx])
    xpad = jnp.pad(x.astype(jnp.float32), ((0, NPAD - NN), (0, 0)))

    src2 = src.reshape(CROWS, K)
    dst2 = dst.reshape(CROWS, K)

    degp = _deg_kernel(dst2)
    y1 = _pre(xpad, W1.astype(jnp.float32), degp)
    agg1 = _agg_kernel(y1, src2, dst2)
    y2 = _mid(agg1, y1, degp, b1.reshape(1, F).astype(jnp.float32),
              W2.astype(jnp.float32))
    agg2 = _agg_kernel(y2, src2, dst2)
    out = _fin(agg2, y2, degp, b2.reshape(1, F).astype(jnp.float32))
    return out[:NN]

# --- scband reference (transcript-rebuilt; emitter-appended) ---
"""Pipeline reference for scband-gcnmodel-17171279249959 (READ-ONLY COPY).

The authoritative reference and input builder live on the scoring server;
editing this copy changes nothing except your own understanding.
"""

import jax, jax.numpy as jnp
import numpy as np

N_NODES = 10000


def gcn_conv(x, edge_index, W, b):
    n = x.shape[0]
    src = edge_index[0]
    dst = edge_index[1]
    # add self loops (PyG GCNConv default)
    loop = jnp.arange(n, dtype=edge_index.dtype)
    src = jnp.concatenate([src, loop])
    dst = jnp.concatenate([dst, loop])
    # symmetric normalization: deg computed over destination nodes
    deg = jnp.zeros((n,), dtype=x.dtype).at[dst].add(1.0)
    deg_inv_sqrt = jnp.where(deg > 0, deg ** -0.5, 0.0)
    norm = deg_inv_sqrt[src] * deg_inv_sqrt[dst]
    xw = x @ W
    msg = xw[src] * norm[:, None]
    out = jnp.zeros((n, W.shape[1]), dtype=x.dtype).at[dst].add(msg)
    return out + b


def setup_inputs(seed: int = 0) -> dict:
    key = jax.random.key(seed)
    k1, k2, k3, k4, k5, k6 = jax.random.split(key, 6)
    in_c, hid_c, out_c = 128, 128, 128
    x = jax.random.normal(k1, (N_NODES, in_c), dtype=jnp.float32)
    edge_index = jax.random.randint(k2, (2, 320000), 0, N_NODES, dtype=jnp.int64)
    s1 = 1.0 / np.sqrt(in_c)
    s2 = 1.0 / np.sqrt(hid_c)
    W1 = jax.random.uniform(k3, (in_c, hid_c), dtype=jnp.float32, minval=-s1, maxval=s1)
    b1 = jax.random.uniform(k4, (hid_c,), dtype=jnp.float32, minval=-s1, maxval=s1)
    W2 = jax.random.uniform(k5, (hid_c, out_c), dtype=jnp.float32, minval=-s2, maxval=s2)
    b2 = jax.random.uniform(k6, (out_c,), dtype=jnp.float32, minval=-s2, maxval=s2)
    return {"x": x, "edge_index": edge_index, "W1": W1, "b1": b1, "W2": W2, "b2": b2}


def reference(x, edge_index, W1, b1, W2, b2):
    h = gcn_conv(x, edge_index, W1, b1)
    h = jax.nn.relu(h)
    out = gcn_conv(h, edge_index, W2, b2)
    return out

if __name__ == "__main__":
    import jax
    _d = setup_inputs()
    print(jax.jit(kernel)(*tuple(_d.values())))

</pallas_src>

<mosaic_0001>
#map = affine_map<(d0, d1) -> (0, 0, 0)>
#map1 = affine_map<(d0, d1) -> (0, 0)>
module attributes {stable_mosaic.version = 14 : i64} {
  func.func @_agg_kernel(%arg0: i32, %arg1: i32, %arg2: memref<2x10240x64xf32, #tpu.memory_space<hbm>>, %arg3: memref<2560x128xi32, #tpu.memory_space<hbm>>, %arg4: memref<2560x128xi32, #tpu.memory_space<hbm>>, %arg5: memref<2x10240x64xf32, #tpu.memory_space<hbm>>, %arg6: memref<160x128xi32, #tpu.memory_space<vmem>>, %arg7: memref<160x128xi32, #tpu.memory_space<vmem>>, %arg8: memref<128x64xf32, #tpu.memory_space<vmem>>, %arg9: memref<128x64xf32, #tpu.memory_space<vmem>>, %arg10: memref<128x64xf32, #tpu.memory_space<vmem>>, %arg11: memref<128x64xf32, #tpu.memory_space<vmem>>, %arg12: memref<160x64xf32, #tpu.memory_space<vmem>>, %arg13: memref<10240x64xf32, #tpu.memory_space<vmem_shared>>, %arg14: memref<!tpu.dma_semaphore, #tpu.memory_space<semaphore_mem>>, %arg15: memref<!tpu.dma_semaphore, #tpu.memory_space<semaphore_mem>>, %arg16: memref<!tpu.dma_semaphore, #tpu.memory_space<semaphore_mem>>, %arg17: memref<!tpu.dma_semaphore, #tpu.memory_space<semaphore_mem>>, %arg18: memref<!tpu.dma_semaphore, #tpu.memory_space<semaphore_mem>>, %arg19: memref<!tpu.dma_semaphore, #tpu.memory_space<semaphore_mem>>, %arg20: memref<!tpu.dma_semaphore, #tpu.memory_space<semaphore_mem>>, %arg21: memref<!tpu.dma_semaphore, #tpu.memory_space<semaphore_mem>>) attributes {dimension_semantics = [#tpu.dimension_semantics<core_parallel>, #tpu.dimension_semantics<subcore_parallel>], iteration_bounds = array<i64: 2, 16>, scalar_prefetch = 0 : i64, scratch_operands = 16 : i64, tpu.core_type = #tpu.core_type<sc_vector_subcore>, window_params = [{transform_indices = #map}, {transform_indices = #map1}, {transform_indices = #map1}, {transform_indices = #map}]} {
    %broadcast_in_dim3A = arith.constant 0.000000e+00 : f32
    %broadcast_in_dim3A_0 = vector.broadcast %broadcast_in_dim3A : f32 to vector<16xf32>
    %scan3A = arith.constant 0 : i32
    %scan3A_1 = arith.constant 0 : i32
    %scan3A_2 = arith.constant 160 : i32
    %scan3A_3 = arith.addi %scan3A_1, %scan3A_2 : i32
    %scan3A_4 = arith.constant 1 : i32
    scf.for %scan3A_229 = %scan3A_1 to %scan3A_3 step %scan3A_4  : i32 {
      %swap3A = arith.index_cast %scan3A_229 : i32 to index
      %swap3A_230 = arith.constant 0 : index
      %swap3A_231 = tpu.vector_load %arg12[%swap3A, %swap3A_230] {strides = array<i32>} : memref<160x64xf32, #tpu.memory_space<vmem>>, vector<1x16xf32>,
      %swap3A_232 = vector.shape_cast %swap3A_231 : vector<1x16xf32> to vector<16xf32>
      %swap3A_233 = vector.shape_cast %broadcast_in_dim3A_0 : vector<16xf32> to vector<1x16xf32>
      tpu.vector_store %arg12[%swap3A, %swap3A_230], %swap3A_233 {strides = array<i32>} : memref<160x64xf32, #tpu.memory_space<vmem>>, vector<1x16xf32>,
      %swap3A_234 = arith.index_cast %scan3A_229 : i32 to index
      %swap3A_235 = arith.constant 16 : index
      %swap3A_236 = tpu.vector_load %arg12[%swap3A_234, %swap3A_235] {strides = array<i32>} : memref<160x64xf32, #tpu.memory_space<vmem>>, vector<1x16xf32>,
      %swap3A_237 = vector.shape_cast %swap3A_236 : vector<1x16xf32> to vector<16xf32>
      %swap3A_238 = vector.shape_cast %broadcast_in_dim3A_0 : vector<16xf32> to vector<1x16xf32>
      tpu.vector_store %arg12[%swap3A_234, %swap3A_235], %swap3A_238 {strides = array<i32>} : memref<160x64xf32, #tpu.memory_space<vmem>>, vector<1x16xf32>,
      %swap3A_239 = arith.index_cast %scan3A_229 : i32 to index
      %swap3A_240 = arith.constant 32 : index
      %swap3A_241 = tpu.vector_load %arg12[%swap3A_239, %swap3A_240] {strides = array<i32>} : memref<160x64xf32, #tpu.memory_space<vmem>>, vector<1x16xf32>,
      %swap3A_242 = vector.shape_cast %swap3A_241 : vector<1x16xf32> to vector<16xf32>
      %swap3A_243 = vector.shape_cast %broadcast_in_dim3A_0 : vector<16xf32> to vector<1x16xf32>
      tpu.vector_store %arg12[%swap3A_239, %swap3A_240], %swap3A_243 {strides = array<i32>} : memref<160x64xf32, #tpu.memory_space<vmem>>, vector<1x16xf32>,
      %swap3A_244 = arith.index_cast %scan3A_229 : i32 to index
      %swap3A_245 = arith.constant 48 : index
      %swap3A_246 = tpu.vector_load %arg12[%swap3A_244, %swap3A_245] {strides = array<i32>} : memref<160x64xf32, #tpu.memory_space<vmem>>, vector<1x16xf32>,
      %swap3A_247 = vector.shape_cast %swap3A_246 : vector<1x16xf32> to vector<16xf32>
      %swap3A_248 = vector.shape_cast %broadcast_in_dim3A_0 : vector<16xf32> to vector<1x16xf32>
      tpu.vector_store %arg12[%swap3A_244, %swap3A_245], %swap3A_248 {strides = array<i32>} : memref<160x64xf32, #tpu.memory_space<vmem>>, vector<1x16xf32>,
    }
    %scan3A_5 = arith.constant 160 : i32
    %mul3A = arith.constant 640 : i32
    %mul3A_6 = arith.muli %arg1, %mul3A : i32
    %add3A = arith.constant 0 : i32
    %add3A_7 = arith.addi %mul3A_6, %add3A : i32
    "tpu.region"() ({
      %run_scoped3A = tpu.sem_alloc : memref<!tpu.dma_semaphore, #tpu.memory_space<semaphore_mem>>
      %dma_start3A_229 = arith.constant 0 : i32
      %dma_start3A_230 = tpu.memref_slice %arg13[%add3A_7, %dma_start3A_229] : memref<10240x64xf32, #tpu.memory_space<vmem_shared>> -> memref<160x64xf32, #tpu.memory_space<vmem_shared>>
      %dma_start3A_231 = arith.constant 0 : i32
      %dma_start3A_232 = tpu.memref_slice %arg13[%add3A_7, %dma_start3A_231] : memref<10240x64xf32, #tpu.memory_space<vmem_shared>> -> memref<160x64xf32, #tpu.memory_space<vmem_shared>>
      tpu.enqueue_dma source(%arg12 : memref<160x64xf32, #tpu.memory_space<vmem>>) target(%dma_start3A_232 : memref<160x64xf32, #tpu.memory_space<vmem_shared>>) target_semaphore(%run_scoped3A : memref<!tpu.dma_semaphore, #tpu.memory_space<semaphore_mem>>)
      %dma_wait3A_233 = arith.constant 0 : i32
      %dma_wait3A_234 = tpu.memref_slice %arg13[%add3A_7, %dma_wait3A_233] : memref<10240x64xf32, #tpu.memory_space<vmem_shared>> -> memref<160x64xf32, #tpu.memory_space<vmem_shared>>
      %dma_wait3A_235 = arith.constant 0 : i32
      %dma_wait3A_236 = tpu.memref_slice %arg13[%add3A_7, %dma_wait3A_235] : memref<10240x64xf32, #tpu.memory_space<vmem_shared>> -> memref<160x64xf32, #tpu.memory_space<vmem_shared>>
      tpu.wait_dma2 semaphore(%run_scoped3A : memref<!tpu.dma_semaphore, #tpu.memory_space<semaphore_mem>>) src(%arg12 : memref<160x64xf32, #tpu.memory_space<vmem>>) dst(%dma_wait3A_236 : memref<160x64xf32, #tpu.memory_space<vmem_shared>>)
      tpu.yield
    }) : () -> ()
    %mul3A_8 = arith.constant 640 : i32
    %mul3A_9 = arith.muli %arg1, %mul3A_8 : i32
    %add3A_10 = arith.constant 160 : i32
    %add3A_11 = arith.addi %mul3A_9, %add3A_10 : i32
    "tpu.region"() ({
      %run_scoped3A = tpu.sem_alloc : memref<!tpu.dma_semaphore, #tpu.memory_space<semaphore_mem>>
      %dma_start3A_229 = arith.constant 0 : i32
      %dma_start3A_230 = tpu.memref_slice %arg13[%add3A_11, %dma_start3A_229] : memref<10240x64xf32, #tpu.memory_space<vmem_shared>> -> memref<160x64xf32, #tpu.memory_space<vmem_shared>>
      %dma_start3A_231 = arith.constant 0 : i32
      %dma_start3A_232 = tpu.memref_slice %arg13[%add3A_11, %dma_start3A_231] : memref<10240x64xf32, #tpu.memory_space<vmem_shared>> -> memref<160x64xf32, #tpu.memory_space<vmem_shared>>
      tpu.enqueue_dma source(%arg12 : memref<160x64xf32, #tpu.memory_space<vmem>>) target(%dma_start3A_232 : memref<160x64xf32, #tpu.memory_space<vmem_shared>>) target_semaphore(%run_scoped3A : memref<!tpu.dma_semaphore, #tpu.memory_space<semaphore_mem>>)
      %dma_wait3A_233 = arith.constant 0 : i32
      %dma_wait3A_234 = tpu.memref_slice %arg13[%add3A_11, %dma_wait3A_233] : memref<10240x64xf32, #tpu.memory_space<vmem_shared>> -> memref<160x64xf32, #tpu.memory_space<vmem_shared>>
      %dma_wait3A_235 = arith.constant 0 : i32
      %dma_wait3A_236 = tpu.memref_slice %arg13[%add3A_11, %dma_wait3A_235] : memref<10240x64xf32, #tpu.memory_space<vmem_shared>> -> memref<160x64xf32, #tpu.memory_space<vmem_shared>>
      tpu.wait_dma2 semaphore(%run_scoped3A : memref<!tpu.dma_semaphore, #tpu.memory_space<semaphore_mem>>) src(%arg12 : memref<160x64xf32, #tpu.memory_space<vmem>>) dst(%dma_wait3A_236 : memref<160x64xf32, #tpu.memory_space<vmem_shared>>)
      tpu.yield
    }) : () -> ()
    %mul3A_12 = arith.constant 640 : i32
    %mul3A_13 = arith.muli %arg1, %mul3A_12 : i32
    %add3A_14 = arith.constant 320 : i32
    %add3A_15 = arith.addi %mul3A_13, %add3A_14 : i32
    "tpu.region"() ({
      %run_scoped3A = tpu.sem_alloc : memref<!tpu.dma_semaphore, #tpu.memory_space<semaphore_mem>>
      %dma_start3A_229 = arith.constant 0 : i32
      %dma_start3A_230 = tpu.memref_slice %arg13[%add3A_15, %dma_start3A_229] : memref<10240x64xf32, #tpu.memory_space<vmem_shared>> -> memref<160x64xf32, #tpu.memory_space<vmem_shared>>
      %dma_start3A_231 = arith.constant 0 : i32
      %dma_start3A_232 = tpu.memref_slice %arg13[%add3A_15, %dma_start3A_231] : memref<10240x64xf32, #tpu.memory_space<vmem_shared>> -> memref<160x64xf32, #tpu.memory_space<vmem_shared>>
      tpu.enqueue_dma source(%arg12 : memref<160x64xf32, #tpu.memory_space<vmem>>) target(%dma_start3A_232 : memref<160x64xf32, #tpu.memory_space<vmem_shared>>) target_semaphore(%run_scoped3A : memref<!tpu.dma_semaphore, #tpu.memory_space<semaphore_mem>>)
      %dma_wait3A_233 = arith.constant 0 : i32
      %dma_wait3A_234 = tpu.memref_slice %arg13[%add3A_15, %dma_wait3A_233] : memref<10240x64xf32, #tpu.memory_space<vmem_shared>> -> memref<160x64xf32, #tpu.memory_space<vmem_shared>>
      %dma_wait3A_235 = arith.constant 0 : i32
      %dma_wait3A_236 = tpu.memref_slice %arg13[%add3A_15, %dma_wait3A_235] : memref<10240x64xf32, #tpu.memory_space<vmem_shared>> -> memref<160x64xf32, #tpu.memory_space<vmem_shared>>
      tpu.wait_dma2 semaphore(%run_scoped3A : memref<!tpu.dma_semaphore, #tpu.memory_space<semaphore_mem>>) src(%arg12 : memref<160x64xf32, #tpu.memory_space<vmem>>) dst(%dma_wait3A_236 : memref<160x64xf32, #tpu.memory_space<vmem_shared>>)
      tpu.yield
    }) : () -> ()
    %mul3A_16 = arith.constant 640 : i32
    %mul3A_17 = arith.muli %arg1, %mul3A_16 : i32
    %add3A_18 = arith.constant 480 : i32
    %add3A_19 = arith.addi %mul3A_17, %add3A_18 : i32
    "tpu.region"() ({
      %run_scoped3A = tpu.sem_alloc : memref<!tpu.dma_semaphore, #tpu.memory_space<semaphore_mem>>
      %dma_start3A_229 = arith.constant 0 : i32
      %dma_start3A_230 = tpu.memref_slice %arg13[%add3A_19, %dma_start3A_229] : memref<10240x64xf32, #tpu.memory_space<vmem_shared>> -> memref<160x64xf32, #tpu.memory_space<vmem_shared>>
      %dma_start3A_231 = arith.constant 0 : i32
      %dma_start3A_232 = tpu.memref_slice %arg13[%add3A_19, %dma_start3A_231] : memref<10240x64xf32, #tpu.memory_space<vmem_shared>> -> memref<160x64xf32, #tpu.memory_space<vmem_shared>>
      tpu.enqueue_dma source(%arg12 : memref<160x64xf32, #tpu.memory_space<vmem>>) target(%dma_start3A_232 : memref<160x64xf32, #tpu.memory_space<vmem_shared>>) target_semaphore(%run_scoped3A : memref<!tpu.dma_semaphore, #tpu.memory_space<semaphore_mem>>)
      %dma_wait3A_233 = arith.constant 0 : i32
      %dma_wait3A_234 = tpu.memref_slice %arg13[%add3A_19, %dma_wait3A_233] : memref<10240x64xf32, #tpu.memory_space<vmem_shared>> -> memref<160x64xf32, #tpu.memory_space<vmem_shared>>
      %dma_wait3A_235 = arith.constant 0 : i32
      %dma_wait3A_236 = tpu.memref_slice %arg13[%add3A_19, %dma_wait3A_235] : memref<10240x64xf32, #tpu.memory_space<vmem_shared>> -> memref<160x64xf32, #tpu.memory_space<vmem_shared>>
      tpu.wait_dma2 semaphore(%run_scoped3A : memref<!tpu.dma_semaphore, #tpu.memory_space<semaphore_mem>>) src(%arg12 : memref<160x64xf32, #tpu.memory_space<vmem>>) dst(%dma_wait3A_236 : memref<160x64xf32, #tpu.memory_space<vmem_shared>>)
      tpu.yield
    }) : () -> ()
    %barrier3A = arith.constant 0 : index
    tpu.barrier barrier_id(%barrier3A)
    %mul3A_20 = arith.constant 160 : i32
    %mul3A_21 = arith.muli %arg1, %mul3A_20 : i32
    "tpu.region"() ({
      %run_scoped3A = tpu.sem_alloc : memref<!tpu.dma_semaphore, #tpu.memory_space<semaphore_mem>>
      %dma_start3A_229 = arith.constant 0 : i32
      %dma_start3A_230 = tpu.memref_slice %arg3[%mul3A_21, %dma_start3A_229] : memref<2560x128xi32, #tpu.memory_space<hbm>> -> memref<160x128xi32, #tpu.memory_space<hbm>>
      %dma_start3A_231 = arith.constant 0 : i32
      %dma_start3A_232 = tpu.memref_slice %arg3[%mul3A_21, %dma_start3A_231] : memref<2560x128xi32, #tpu.memory_space<hbm>> -> memref<160x128xi32, #tpu.memory_space<hbm>>
      tpu.enqueue_dma source(%dma_start3A_232 : memref<160x128xi32, #tpu.memory_space<hbm>>) target(%arg6 : memref<160x128xi32, #tpu.memory_space<vmem>>) target_semaphore(%run_scoped3A : memref<!tpu.dma_semaphore, #tpu.memory_space<semaphore_mem>>)
      %dma_wait3A_233 = arith.constant 0 : i32
      %dma_wait3A_234 = tpu.memref_slice %arg3[%mul3A_21, %dma_wait3A_233] : memref<2560x128xi32, #tpu.memory_space<hbm>> -> memref<160x128xi32, #tpu.memory_space<hbm>>
      %dma_wait3A_235 = arith.constant 0 : i32
      %dma_wait3A_236 = tpu.memref_slice %arg3[%mul3A_21, %dma_wait3A_235] : memref<2560x128xi32, #tpu.memory_space<hbm>> -> memref<160x128xi32, #tpu.memory_space<hbm>>
      tpu.wait_dma2 semaphore(%run_scoped3A : memref<!tpu.dma_semaphore, #tpu.memory_space<semaphore_mem>>) src(%dma_wait3A_236 : memref<160x128xi32, #tpu.memory_space<hbm>>) dst(%arg6 : memref<160x128xi32, #tpu.memory_space<vmem>>)
      tpu.yield
    }) : () -> ()
    %mul3A_22 = arith.constant 160 : i32
    %mul3A_23 = arith.muli %arg1, %mul3A_22 : i32
    "tpu.region"() ({
      %run_scoped3A = tpu.sem_alloc : memref<!tpu.dma_semaphore, #tpu.memory_space<semaphore_mem>>
      %dma_start3A_229 = arith.constant 0 : i32
      %dma_start3A_230 = tpu.memref_slice %arg4[%mul3A_23, %dma_start3A_229] : memref<2560x128xi32, #tpu.memory_space<hbm>> -> memref<160x128xi32, #tpu.memory_space<hbm>>
      %dma_start3A_231 = arith.constant 0 : i32
      %dma_start3A_232 = tpu.memref_slice %arg4[%mul3A_23, %dma_start3A_231] : memref<2560x128xi32, #tpu.memory_space<hbm>> -> memref<160x128xi32, #tpu.memory_space<hbm>>
      tpu.enqueue_dma source(%dma_start3A_232 : memref<160x128xi32, #tpu.memory_space<hbm>>) target(%arg7 : memref<160x128xi32, #tpu.memory_space<vmem>>) target_semaphore(%run_scoped3A : memref<!tpu.dma_semaphore, #tpu.memory_space<semaphore_mem>>)
      %dma_wait3A_233 = arith.constant 0 : i32
      %dma_wait3A_234 = tpu.memref_slice %arg4[%mul3A_23, %dma_wait3A_233] : memref<2560x128xi32, #tpu.memory_space<hbm>> -> memref<160x128xi32, #tpu.memory_space<hbm>>
      %dma_wait3A_235 = arith.constant 0 : i32
      %dma_wait3A_236 = tpu.memref_slice %arg4[%mul3A_23, %dma_wait3A_235] : memref<2560x128xi32, #tpu.memory_space<hbm>> -> memref<160x128xi32, #tpu.memory_space<hbm>>
      tpu.wait_dma2 semaphore(%run_scoped3A : memref<!tpu.dma_semaphore, #tpu.memory_space<semaphore_mem>>) src(%dma_wait3A_236 : memref<160x128xi32, #tpu.memory_space<hbm>>) dst(%arg7 : memref<160x128xi32, #tpu.memory_space<vmem>>)
      tpu.yield
    }) : () -> ()
    %dma_start3A = arith.constant 0 : i32
    %dma_start3A_24 = arith.constant 0 : i32
    %dma_start3A_25 = tpu.memref_slice %arg6[%dma_start3A, %dma_start3A_24] : memref<160x128xi32, #tpu.memory_space<vmem>> -> memref<1x128xi32, #tpu.memory_space<vmem>>
    %dma_start3A_26 = tpu.memref_squeeze %dma_start3A_25 : memref<1x128xi32, #tpu.memory_space<vmem>> -> memref<128xi32, #tpu.memory_space<vmem>>
    %dma_start3A_27 = arith.constant 0 : i32
    %dma_start3A_28 = arith.constant 0 : i32
    %dma_start3A_29 = tpu.memref_slice %arg2[%arg0, %dma_start3A_27, %dma_start3A_28] : memref<2x10240x64xf32, #tpu.memory_space<hbm>> -> memref<1x10240x64xf32, #tpu.memory_space<hbm>>
    %dma_start3A_30 = tpu.memref_squeeze %dma_start3A_29 : memref<1x10240x64xf32, #tpu.memory_space<hbm>> -> memref<10240x64xf32, #tpu.memory_space<hbm>>
    %dma_start3A_31 = arith.constant 0 : i32
    %dma_start3A_32 = arith.constant 0 : i32
    %dma_start3A_33 = tpu.memref_slice %dma_start3A_30[%dma_start3A_31, %dma_start3A_32] : memref<10240x64xf32, #tpu.memory_space<hbm>> -> memref<10240x64xf32, #tpu.memory_space<hbm>>
    tpu.enqueue_indirect_dma source(%dma_start3A_33 : memref<10240x64xf32, #tpu.memory_space<hbm>>) target(%arg8 : memref<128x64xf32, #tpu.memory_space<vmem>>) offsets(%dma_start3A_26 : memref<128xi32, #tpu.memory_space<vmem>>) semaphore(%arg14 : memref<!tpu.dma_semaphore, #tpu.memory_space<semaphore_mem>>)
    %dma_start3A_34 = arith.constant 1 : i32
    %dma_start3A_35 = arith.constant 0 : i32
    %dma_start3A_36 = tpu.memref_slice %arg6[%dma_start3A_34, %dma_start3A_35] : memref<160x128xi32, #tpu.memory_space<vmem>> -> memref<1x128xi32, #tpu.memory_space<vmem>>
    %dma_start3A_37 = tpu.memref_squeeze %dma_start3A_36 : memref<1x128xi32, #tpu.memory_space<vmem>> -> memref<128xi32, #tpu.memory_space<vmem>>
    %dma_start3A_38 = arith.constant 0 : i32
    %dma_start3A_39 = arith.constant 0 : i32
    %dma_start3A_40 = tpu.memref_slice %arg2[%arg0, %dma_start3A_38, %dma_start3A_39] : memref<2x10240x64xf32, #tpu.memory_space<hbm>> -> memref<1x10240x64xf32, #tpu.memory_space<hbm>>
    %dma_start3A_41 = tpu.memref_squeeze %dma_start3A_40 : memref<1x10240x64xf32, #tpu.memory_space<hbm>> -> memref<10240x64xf32, #tpu.memory_space<hbm>>
    %dma_start3A_42 = arith.constant 0 : i32
    %dma_start3A_43 = arith.constant 0 : i32
    %dma_start3A_44 = tpu.memref_slice %dma_start3A_41[%dma_start3A_42, %dma_start3A_43] : memref<10240x64xf32, #tpu.memory_space<hbm>> -> memref<10240x64xf32, #tpu.memory_space<hbm>>
    tpu.enqueue_indirect_dma source(%dma_start3A_44 : memref<10240x64xf32, #tpu.memory_space<hbm>>) target(%arg9 : memref<128x64xf32, #tpu.memory_space<vmem>>) offsets(%dma_start3A_37 : memref<128xi32, #tpu.memory_space<vmem>>) semaphore(%arg15 : memref<!tpu.dma_semaphore, #tpu.memory_space<semaphore_mem>>)
    %dma_wait3A = arith.constant 0 : i32
    %dma_wait3A_45 = arith.constant 0 : i32
    %dma_wait3A_46 = tpu.memref_slice %arg2[%arg0, %dma_wait3A, %dma_wait3A_45] : memref<2x10240x64xf32, #tpu.memory_space<hbm>> -> memref<1x10240x64xf32, #tpu.memory_space<hbm>>
    %dma_wait3A_47 = tpu.memref_squeeze %dma_wait3A_46 : memref<1x10240x64xf32, #tpu.memory_space<hbm>> -> memref<10240x64xf32, #tpu.memory_space<hbm>>
    %dma_wait3A_48 = arith.constant 0 : i32
    %dma_wait3A_49 = arith.constant 0 : i32
    %dma_wait3A_50 = tpu.memref_slice %dma_wait3A_47[%dma_wait3A_48, %dma_wait3A_49] : memref<10240x64xf32, #tpu.memory_space<hbm>> -> memref<128x64xf32, #tpu.memory_space<hbm>>
    %dma_wait3A_51 = arith.constant 0 : i32
    %dma_wait3A_52 = arith.constant 0 : i32
    %dma_wait3A_53 = tpu.memref_slice %arg2[%arg0, %dma_wait3A_51, %dma_wait3A_52] : memref<2x10240x64xf32, #tpu.memory_space<hbm>> -> memref<1x10240x64xf32, #tpu.memory_space<hbm>>
    %dma_wait3A_54 = tpu.memref_squeeze %dma_wait3A_53 : memref<1x10240x64xf32, #tpu.memory_space<hbm>> -> memref<10240x64xf32, #tpu.memory_space<hbm>>
    %dma_wait3A_55 = arith.constant 0 : i32
    %dma_wait3A_56 = arith.constant 0 : i32
    %dma_wait3A_57 = tpu.memref_slice %dma_wait3A_54[%dma_wait3A_55, %dma_wait3A_56] : memref<10240x64xf32, #tpu.memory_space<hbm>> -> memref<128x64xf32, #tpu.memory_space<hbm>>
    tpu.wait_dma2 semaphore(%arg14 : memref<!tpu.dma_semaphore, #tpu.memory_space<semaphore_mem>>) src(%dma_wait3A_57 : memref<128x64xf32, #tpu.memory_space<hbm>>) dst(%arg8 : memref<128x64xf32, #tpu.memory_space<vmem>>)
    %dma_start3A_58 = arith.constant 0 : i32
    %dma_start3A_59 = arith.constant 0 : i32
    %dma_start3A_60 = tpu.memref_slice %arg7[%dma_start3A_58, %dma_start3A_59] : memref<160x128xi32, #tpu.memory_space<vmem>> -> memref<1x128xi32, #tpu.memory_space<vmem>>
    %dma_start3A_61 = tpu.memref_squeeze %dma_start3A_60 : memref<1x128xi32, #tpu.memory_space<vmem>> -> memref<128xi32, #tpu.memory_space<vmem>>
    %dma_start3A_62 = arith.constant 0 : i32
    %dma_start3A_63 = arith.constant 0 : i32
    %dma_start3A_64 = tpu.memref_slice %arg13[%dma_start3A_62, %dma_start3A_63] : memref<10240x64xf32, #tpu.memory_space<vmem_shared>> -> memref<10240x64xf32, #tpu.memory_space<vmem_shared>>
    tpu.enqueue_indirect_dma source(%arg8 : memref<128x64xf32, #tpu.memory_space<vmem>>) target(%dma_start3A_64 : memref<10240x64xf32, #tpu.memory_space<vmem_shared>>) offsets(%dma_start3A_61 : memref<128xi32, #tpu.memory_space<vmem>>) semaphore(%arg18 : memref<!tpu.dma_semaphore, #tpu.memory_space<semaphore_mem>>) {add = true}
    %dma_start3A_65 = arith.constant 2 : i32
    %dma_start3A_66 = arith.constant 0 : i32
    %dma_start3A_67 = tpu.memref_slice %arg6[%dma_start3A_65, %dma_start3A_66] : memref<160x128xi32, #tpu.memory_space<vmem>> -> memref<1x128xi32, #tpu.memory_space<vmem>>
    %dma_start3A_68 = tpu.memref_squeeze %dma_start3A_67 : memref<1x128xi32, #tpu.memory_space<vmem>> -> memref<128xi32, #tpu.memory_space<vmem>>
    %dma_start3A_69 = arith.constant 0 : i32
    %dma_start3A_70 = arith.constant 0 : i32
    %dma_start3A_71 = tpu.memref_slice %arg2[%arg0, %dma_start3A_69, %dma_start3A_70] : memref<2x10240x64xf32, #tpu.memory_space<hbm>> -> memref<1x10240x64xf32, #tpu.memory_space<hbm>>
    %dma_start3A_72 = tpu.memref_squeeze %dma_start3A_71 : memref<1x10240x64xf32, #tpu.memory_space<hbm>> -> memref<10240x64xf32, #tpu.memory_space<hbm>>
    %dma_start3A_73 = arith.constant 0 : i32
    %dma_start3A_74 = arith.constant 0 : i32
    %dma_start3A_75 = tpu.memref_slice %dma_start3A_72[%dma_start3A_73, %dma_start3A_74] : memref<10240x64xf32, #tpu.memory_space<hbm>> -> memref<10240x64xf32, #tpu.memory_space<hbm>>
    tpu.enqueue_indirect_dma source(%dma_start3A_75 : memref<10240x64xf32, #tpu.memory_space<hbm>>) target(%arg10 : memref<128x64xf32, #tpu.memory_space<vmem>>) offsets(%dma_start3A_68 : memref<128xi32, #tpu.memory_space<vmem>>) semaphore(%arg16 : memref<!tpu.dma_semaphore, #tpu.memory_space<semaphore_mem>>)
    %dma_wait3A_76 = arith.constant 0 : i32
    %dma_wait3A_77 = arith.constant 0 : i32
    %dma_wait3A_78 = tpu.memref_slice %arg2[%arg0, %dma_wait3A_76, %dma_wait3A_77] : memref<2x10240x64xf32, #tpu.memory_space<hbm>> -> memref<1x10240x64xf32, #tpu.memory_space<hbm>>
    %dma_wait3A_79 = tpu.memref_squeeze %dma_wait3A_78 : memref<1x10240x64xf32, #tpu.memory_space<hbm>> -> memref<10240x64xf32, #tpu.memory_space<hbm>>
    %dma_wait3A_80 = arith.constant 0 : i32
    %dma_wait3A_81 = arith.constant 0 : i32
    %dma_wait3A_82 = tpu.memref_slice %dma_wait3A_79[%dma_wait3A_80, %dma_wait3A_81] : memref<10240x64xf32, #tpu.memory_space<hbm>> -> memref<128x64xf32, #tpu.memory_space<hbm>>
    %dma_wait3A_83 = arith.constant 0 : i32
    %dma_wait3A_84 = arith.constant 0 : i32
    %dma_wait3A_85 = tpu.memref_slice %arg2[%arg0, %dma_wait3A_83, %dma_wait3A_84] : memref<2x10240x64xf32, #tpu.memory_space<hbm>> -> memref<1x10240x64xf32, #tpu.memory_space<hbm>>
    %dma_wait3A_86 = tpu.memref_squeeze %dma_wait3A_85 : memref<1x10240x64xf32, #tpu.memory_space<hbm>> -> memref<10240x64xf32, #tpu.memory_space<hbm>>
    %dma_wait3A_87 = arith.constant 0 : i32
    %dma_wait3A_88 = arith.constant 0 : i32
    %dma_wait3A_89 = tpu.memref_slice %dma_wait3A_86[%dma_wait3A_87, %dma_wait3A_88] : memref<10240x64xf32, #tpu.memory_space<hbm>> -> memref<128x64xf32, #tpu.memory_space<hbm>>
    tpu.wait_dma2 semaphore(%arg15 : memref<!tpu.dma_semaphore, #tpu.memory_space<semaphore_mem>>) src(%dma_wait3A_89 : memref<128x64xf32, #tpu.memory_space<hbm>>) dst(%arg9 : memref<128x64xf32, #tpu.memory_space<vmem>>)
    %dma_start3A_90 = arith.constant 1 : i32
    %dma_start3A_91 = arith.constant 0 : i32
    %dma_start3A_92 = tpu.memref_slice %arg7[%dma_start3A_90, %dma_start3A_91] : memref<160x128xi32, #tpu.memory_space<vmem>> -> memref<1x128xi32, #tpu.memory_space<vmem>>
    %dma_start3A_93 = tpu.memref_squeeze %dma_start3A_92 : memref<1x128xi32, #tpu.memory_space<vmem>> -> memref<128xi32, #tpu.memory_space<vmem>>
    %dma_start3A_94 = arith.constant 0 : i32
    %dma_start3A_95 = arith.constant 0 : i32
    %dma_start3A_96 = tpu.memref_slice %arg13[%dma_start3A_94, %dma_start3A_95] : memref<10240x64xf32, #tpu.memory_space<vmem_shared>> -> memref<10240x64xf32, #tpu.memory_space<vmem_shared>>
    tpu.enqueue_indirect_dma source(%arg9 : memref<128x64xf32, #tpu.memory_space<vmem>>) target(%dma_start3A_96 : memref<10240x64xf32, #tpu.memory_space<vmem_shared>>) offsets(%dma_start3A_93 : memref<128xi32, #tpu.memory_space<vmem>>) semaphore(%arg19 : memref<!tpu.dma_semaphore, #tpu.memory_space<semaphore_mem>>) {add = true}
    %dma_start3A_97 = arith.constant 3 : i32
    %dma_start3A_98 = arith.constant 0 : i32
    %dma_start3A_99 = tpu.memref_slice %arg6[%dma_start3A_97, %dma_start3A_98] : memref<160x128xi32, #tpu.memory_space<vmem>> -> memref<1x128xi32, #tpu.memory_space<vmem>>
    %dma_start3A_100 = tpu.memref_squeeze %dma_start3A_99 : memref<1x128xi32, #tpu.memory_space<vmem>> -> memref<128xi32, #tpu.memory_space<vmem>>
    %dma_start3A_101 = arith.constant 0 : i32
    %dma_start3A_102 = arith.constant 0 : i32
    %dma_start3A_103 = tpu.memref_slice %arg2[%arg0, %dma_start3A_101, %dma_start3A_102] : memref<2x10240x64xf32, #tpu.memory_space<hbm>> -> memref<1x10240x64xf32, #tpu.memory_space<hbm>>
    %dma_start3A_104 = tpu.memref_squeeze %dma_start3A_103 : memref<1x10240x64xf32, #tpu.memory_space<hbm>> -> memref<10240x64xf32, #tpu.memory_space<hbm>>
    %dma_start3A_105 = arith.constant 0 : i32
    %dma_start3A_106 = arith.constant 0 : i32
    %dma_start3A_107 = tpu.memref_slice %dma_start3A_104[%dma_start3A_105, %dma_start3A_106] : memref<10240x64xf32, #tpu.memory_space<hbm>> -> memref<10240x64xf32, #tpu.memory_space<hbm>>
    tpu.enqueue_indirect_dma source(%dma_start3A_107 : memref<10240x64xf32, #tpu.memory_space<hbm>>) target(%arg11 : memref<128x64xf32, #tpu.memory_space<vmem>>) offsets(%dma_start3A_100 : memref<128xi32, #tpu.memory_space<vmem>>) semaphore(%arg17 : memref<!tpu.dma_semaphore, #tpu.memory_space<semaphore_mem>>)
    %dma_wait3A_108 = arith.constant 0 : i32
    %dma_wait3A_109 = arith.constant 0 : i32
    %dma_wait3A_110 = tpu.memref_slice %arg2[%arg0, %dma_wait3A_108, %dma_wait3A_109] : memref<2x10240x64xf32, #tpu.memory_space<hbm>> -> memref<1x10240x64xf32, #tpu.memory_space<hbm>>
    %dma_wait3A_111 = tpu.memref_squeeze %dma_wait3A_110 : memref<1x10240x64xf32, #tpu.memory_space<hbm>> -> memref<10240x64xf32, #tpu.memory_space<hbm>>
    %dma_wait3A_112 = arith.constant 0 : i32
    %dma_wait3A_113 = arith.constant 0 : i32
    %dma_wait3A_114 = tpu.memref_slice %dma_wait3A_111[%dma_wait3A_112, %dma_wait3A_113] : memref<10240x64xf32, #tpu.memory_space<hbm>> -> memref<128x64xf32, #tpu.memory_space<hbm>>
    %dma_wait3A_115 = arith.constant 0 : i32
    %dma_wait3A_116 = arith.constant 0 : i32
    %dma_wait3A_117 = tpu.memref_slice %arg2[%arg0, %dma_wait3A_115, %dma_wait3A_116] : memref<2x10240x64xf32, #tpu.memory_space<hbm>> -> memref<1x10240x64xf32, #tpu.memory_space<hbm>>
    %dma_wait3A_118 = tpu.memref_squeeze %dma_wait3A_117 : memref<1x10240x64xf32, #tpu.memory_space<hbm>> -> memref<10240x64xf32, #tpu.memory_space<hbm>>
    %dma_wait3A_119 = arith.constant 0 : i32
    %dma_wait3A_120 = arith.constant 0 : i32
    %dma_wait3A_121 = tpu.memref_slice %dma_wait3A_118[%dma_wait3A_119, %dma_wait3A_120] : memref<10240x64xf32, #tpu.memory_space<hbm>> -> memref<128x64xf32, #tpu.memory_space<hbm>>
    tpu.wait_dma2 semaphore(%arg16 : memref<!tpu.dma_semaphore, #tpu.memory_space<semaphore_mem>>) src(%dma_wait3A_121 : memref<128x64xf32, #tpu.memory_space<hbm>>) dst(%arg10 : memref<128x64xf32, #tpu.memory_space<vmem>>)
    %dma_start3A_122 = arith.constant 2 : i32
    %dma_start3A_123 = arith.constant 0 : i32
    %dma_start3A_124 = tpu.memref_slice %arg7[%dma_start3A_122, %dma_start3A_123] : memref<160x128xi32, #tpu.memory_space<vmem>> -> memref<1x128xi32, #tpu.memory_space<vmem>>
    %dma_start3A_125 = tpu.memref_squeeze %dma_start3A_124 : memref<1x128xi32, #tpu.memory_space<vmem>> -> memref<128xi32, #tpu.memory_space<vmem>>
    %dma_start3A_126 = arith.constant 0 : i32
    %dma_start3A_127 = arith.constant 0 : i32
    %dma_start3A_128 = tpu.memref_slice %arg13[%dma_start3A_126, %dma_start3A_127] : memref<10240x64xf32, #tpu.memory_space<vmem_shared>> -> memref<10240x64xf32, #tpu.memory_space<vmem_shared>>
    tpu.enqueue_indirect_dma source(%arg10 : memref<128x64xf32, #tpu.memory_space<vmem>>) target(%dma_start3A_128 : memref<10240x64xf32, #tpu.memory_space<vmem_shared>>) offsets(%dma_start3A_125 : memref<128xi32, #tpu.memory_space<vmem>>) semaphore(%arg20 : memref<!tpu.dma_semaphore, #tpu.memory_space<semaphore_mem>>) {add = true}
    %scan3A_129 = arith.constant 0 : i32
    %scan3A_130 = arith.constant 1 : i32
    %scan3A_131 = arith.constant 39 : i32
    %scan3A_132 = arith.addi %scan3A_130, %scan3A_131 : i32
    %scan3A_133 = arith.constant 1 : i32
    scf.for %scan3A_229 = %scan3A_130 to %scan3A_132 step %scan3A_133  : i32 {
      %mul3A_230 = arith.constant 4 : i32
      %mul3A_231 = arith.muli %scan3A_229, %mul3A_230 : i32
      %add3A_232 = arith.constant 0 : i32
      %add3A_233 = arith.addi %mul3A_231, %add3A_232 : i32
      %dma_wait3A_234 = arith.constant 0 : i32
      %dma_wait3A_235 = arith.constant 0 : i32
      %dma_wait3A_236 = tpu.memref_slice %arg2[%arg0, %dma_wait3A_234, %dma_wait3A_235] : memref<2x10240x64xf32, #tpu.memory_space<hbm>> -> memref<1x10240x64xf32, #tpu.memory_space<hbm>>
      %dma_wait3A_237 = tpu.memref_squeeze %dma_wait3A_236 : memref<1x10240x64xf32, #tpu.memory_space<hbm>> -> memref<10240x64xf32, #tpu.memory_space<hbm>>
      %dma_wait3A_238 = arith.constant 0 : i32
      %dma_wait3A_239 = arith.constant 0 : i32
      %dma_wait3A_240 = tpu.memref_slice %dma_wait3A_237[%dma_wait3A_238, %dma_wait3A_239] : memref<10240x64xf32, #tpu.memory_space<hbm>> -> memref<128x64xf32, #tpu.memory_space<hbm>>
      %dma_wait3A_241 = arith.constant 0 : i32
      %dma_wait3A_242 = arith.constant 0 : i32
      %dma_wait3A_243 = tpu.memref_slice %arg2[%arg0, %dma_wait3A_241, %dma_wait3A_242] : memref<2x10240x64xf32, #tpu.memory_space<hbm>> -> memref<1x10240x64xf32, #tpu.memory_space<hbm>>
      %dma_wait3A_244 = tpu.memref_squeeze %dma_wait3A_243 : memref<1x10240x64xf32, #tpu.memory_space<hbm>> -> memref<10240x64xf32, #tpu.memory_space<hbm>>
      %dma_wait3A_245 = arith.constant 0 : i32
      %dma_wait3A_246 = arith.constant 0 : i32
      %dma_wait3A_247 = tpu.memref_slice %dma_wait3A_244[%dma_wait3A_245, %dma_wait3A_246] : memref<10240x64xf32, #tpu.memory_space<hbm>> -> memref<128x64xf32, #tpu.memory_space<hbm>>
      tpu.wait_dma2 semaphore(%arg18 : memref<!tpu.dma_semaphore, #tpu.memory_space<semaphore_mem>>) src(%dma_wait3A_247 : memref<128x64xf32, #tpu.memory_space<hbm>>) dst(%arg8 : memref<128x64xf32, #tpu.memory_space<vmem>>)
      %dma_start3A_248 = arith.constant 0 : i32
      %dma_start3A_249 = tpu.memref_slice %arg6[%add3A_233, %dma_start3A_248] : memref<160x128xi32, #tpu.memory_space<vmem>> -> memref<1x128xi32, #tpu.memory_space<vmem>>
      %dma_start3A_250 = tpu.memref_squeeze %dma_start3A_249 : memref<1x128xi32, #tpu.memory_space<vmem>> -> memref<128xi32, #tpu.memory_space<vmem>>
      %dma_start3A_251 = arith.constant 0 : i32
      %dma_start3A_252 = arith.constant 0 : i32
      %dma_start3A_253 = tpu.memref_slice %arg2[%arg0, %dma_start3A_251, %dma_start3A_252] : memref<2x10240x64xf32, #tpu.memory_space<hbm>> -> memref<1x10240x64xf32, #tpu.memory_space<hbm>>
      %dma_start3A_254 = tpu.memref_squeeze %dma_start3A_253 : memref<1x10240x64xf32, #tpu.memory_space<hbm>> -> memref<10240x64xf32, #tpu.memory_space<hbm>>
      %dma_start3A_255 = arith.constant 0 : i32
      %dma_start3A_256 = arith.constant 0 : i32
      %dma_start3A_257 = tpu.memref_slice %dma_start3A_254[%dma_start3A_255, %dma_start3A_256] : memref<10240x64xf32, #tpu.memory_space<hbm>> -> memref<10240x64xf32, #tpu.memory_space<hbm>>
      tpu.enqueue_indirect_dma source(%dma_start3A_257 : memref<10240x64xf32, #tpu.memory_space<hbm>>) target(%arg8 : memref<128x64xf32, #tpu.memory_space<vmem>>) offsets(%dma_start3A_250 : memref<128xi32, #tpu.memory_space<vmem>>) semaphore(%arg14 : memref<!tpu.dma_semaphore, #tpu.memory_space<semaphore_mem>>)
      %dma_wait3A_258 = arith.constant 0 : i32
      %dma_wait3A_259 = arith.constant 0 : i32
      %dma_wait3A_260 = tpu.memref_slice %arg2[%arg0, %dma_wait3A_258, %dma_wait3A_259] : memref<2x10240x64xf32, #tpu.memory_space<hbm>> -> memref<1x10240x64xf32, #tpu.memory_space<hbm>>
      %dma_wait3A_261 = tpu.memref_squeeze %dma_wait3A_260 : memref<1x10240x64xf32, #tpu.memory_space<hbm>> -> memref<10240x64xf32, #tpu.memory_space<hbm>>
      %dma_wait3A_262 = arith.constant 0 : i32
      %dma_wait3A_263 = arith.constant 0 : i32
      %dma_wait3A_264 = tpu.memref_slice %dma_wait3A_261[%dma_wait3A_262, %dma_wait3A_263] : memref<10240x64xf32, #tpu.memory_space<hbm>> -> memref<128x64xf32, #tpu.memory_space<hbm>>
      %dma_wait3A_265 = arith.constant 0 : i32
      %dma_wait3A_266 = arith.constant 0 : i32
      %dma_wait3A_267 = tpu.memref_slice %arg2[%arg0, %dma_wait3A_265, %dma_wait3A_266] : memref<2x10240x64xf32, #tpu.memory_space<hbm>> -> memref<1x10240x64xf32, #tpu.memory_space<hbm>>
      %dma_wait3A_268 = tpu.memref_squeeze %dma_wait3A_267 : memref<1x10240x64xf32, #tpu.memory_space<hbm>> -> memref<10240x64xf32, #tpu.memory_space<hbm>>
      %dma_wait3A_269 = arith.constant 0 : i32
      %dma_wait3A_270 = arith.constant 0 : i32
      %dma_wait3A_271 = tpu.memref_slice %dma_wait3A_268[%dma_wait3A_269, %dma_wait3A_270] : memref<10240x64xf32, #tpu.memory_space<hbm>> -> memref<128x64xf32, #tpu.memory_space<hbm>>
      tpu.wait_dma2 semaphore(%arg17 : memref<!tpu.dma_semaphore, #tpu.memory_space<semaphore_mem>>) src(%dma_wait3A_271 : memref<128x64xf32, #tpu.memory_space<hbm>>) dst(%arg11 : memref<128x64xf32, #tpu.memory_space<vmem>>)
      %sub3A = arith.constant 1 : i32
      %sub3A_272 = arith.subi %add3A_233, %sub3A : i32
      %dma_start3A_273 = arith.constant 0 : i32
      %dma_start3A_274 = tpu.memref_slice %arg7[%sub3A_272, %dma_start3A_273] : memref<160x128xi32, #tpu.memory_space<vmem>> -> memref<1x128xi32, #tpu.memory_space<vmem>>
      %dma_start3A_275 = tpu.memref_squeeze %dma_start3A_274 : memref<1x128xi32, #tpu.memory_space<vmem>> -> memref<128xi32, #tpu.memory_space<vmem>>
      %dma_start3A_276 = arith.constant 0 : i32
      %dma_start3A_277 = arith.constant 0 : i32
      %dma_start3A_278 = tpu.memref_slice %arg13[%dma_start3A_276, %dma_start3A_277] : memref<10240x64xf32, #tpu.memory_space<vmem_shared>> -> memref<10240x64xf32, #tpu.memory_space<vmem_shared>>
      tpu.enqueue_indirect_dma source(%arg11 : memref<128x64xf32, #tpu.memory_space<vmem>>) target(%dma_start3A_278 : memref<10240x64xf32, #tpu.memory_space<vmem_shared>>) offsets(%dma_start3A_275 : memref<128xi32, #tpu.memory_space<vmem>>) semaphore(%arg21 : memref<!tpu.dma_semaphore, #tpu.memory_space<semaphore_mem>>) {add = true}
      %mul3A_279 = arith.constant 4 : i32
      %mul3A_280 = arith.muli %scan3A_229, %mul3A_279 : i32
      %add3A_281 = arith.constant 1 : i32
      %add3A_282 = arith.addi %mul3A_280, %add3A_281 : i32
      %dma_wait3A_283 = arith.constant 0 : i32
      %dma_wait3A_284 = arith.constant 0 : i32
      %dma_wait3A_285 = tpu.memref_slice %arg2[%arg0, %dma_wait3A_283, %dma_wait3A_284] : memref<2x10240x64xf32, #tpu.memory_space<hbm>> -> memref<1x10240x64xf32, #tpu.memory_space<hbm>>
      %dma_wait3A_286 = tpu.memref_squeeze %dma_wait3A_285 : memref<1x10240x64xf32, #tpu.memory_space<hbm>> -> memref<10240x64xf32, #tpu.memory_space<hbm>>
      %dma_wait3A_287 = arith.constant 0 : i32
      %dma_wait3A_288 = arith.constant 0 : i32
      %dma_wait3A_289 = tpu.memref_slice %dma_wait3A_286[%dma_wait3A_287, %dma_wait3A_288] : memref<10240x64xf32, #tpu.memory_space<hbm>> -> memref<128x64xf32, #tpu.memory_space<hbm>>
      %dma_wait3A_290 = arith.constant 0 : i32
      %dma_wait3A_291 = arith.constant 0 : i32
      %dma_wait3A_292 = tpu.memref_slice %arg2[%arg0, %dma_wait3A_290, %dma_wait3A_291] : memref<2x10240x64xf32, #tpu.memory_space<hbm>> -> memref<1x10240x64xf32, #tpu.memory_space<hbm>>
      %dma_wait3A_293 = tpu.memref_squeeze %dma_wait3A_292 : memref<1x10240x64xf32, #tpu.memory_space<hbm>> -> memref<10240x64xf32, #tpu.memory_space<hbm>>
      %dma_wait3A_294 = arith.constant 0 : i32
      %dma_wait3A_295 = arith.constant 0 : i32
      %dma_wait3A_296 = tpu.memref_slice %dma_wait3A_293[%dma_wait3A_294, %dma_wait3A_295] : memref<10240x64xf32, #tpu.memory_space<hbm>> -> memref<128x64xf32, #tpu.memory_space<hbm>>
      tpu.wait_dma2 semaphore(%arg19 : memref<!tpu.dma_semaphore, #tpu.memory_space<semaphore_mem>>) src(%dma_wait3A_296 : memref<128x64xf32, #tpu.memory_space<hbm>>) dst(%arg9 : memref<128x64xf32, #tpu.memory_space<vmem>>)
      %dma_start3A_297 = arith.constant 0 : i32
      %dma_start3A_298 = tpu.memref_slice %arg6[%add3A_282, %dma_start3A_297] : memref<160x128xi32, #tpu.memory_space<vmem>> -> memref<1x128xi32, #tpu.memory_space<vmem>>
      %dma_start3A_299 = tpu.memref_squeeze %dma_start3A_298 : memref<1x128xi32, #tpu.memory_space<vmem>> -> memref<128xi32, #tpu.memory_space<vmem>>
      %dma_start3A_300 = arith.constant 0 : i32
      %dma_start3A_301 = arith.constant 0 : i32
      %dma_start3A_302 = tpu.memref_slice %arg2[%arg0, %dma_start3A_300, %dma_start3A_301] : memref<2x10240x64xf32, #tpu.memory_space<hbm>> -> memref<1x10240x64xf32, #tpu.memory_space<hbm>>
      %dma_start3A_303 = tpu.memref_squeeze %dma_start3A_302 : memref<1x10240x64xf32, #tpu.memory_space<hbm>> -> memref<10240x64xf32, #tpu.memory_space<hbm>>
      %dma_start3A_304 = arith.constant 0 : i32
      %dma_start3A_305 = arith.constant 0 : i32
      %dma_start3A_306 = tpu.memref_slice %dma_start3A_303[%dma_start3A_304, %dma_start3A_305] : memref<10240x64xf32, #tpu.memory_space<hbm>> -> memref<10240x64xf32, #tpu.memory_space<hbm>>
      tpu.enqueue_indirect_dma source(%dma_start3A_306 : memref<10240x64xf32, #tpu.memory_space<hbm>>) target(%arg9 : memref<128x64xf32, #tpu.memory_space<vmem>>) offsets(%dma_start3A_299 : memref<128xi32, #tpu.memory_space<vmem>>) semaphore(%arg15 : memref<!tpu.dma_semaphore, #tpu.memory_space<semaphore_mem>>)
      %dma_wait3A_307 = arith.constant 0 : i32
      %dma_wait3A_308 = arith.constant 0 : i32
      %dma_wait3A_309 = tpu.memref_slice %arg2[%arg0, %dma_wait3A_307, %dma_wait3A_308] : memref<2x10240x64xf32, #tpu.memory_space<hbm>> -> memref<1x10240x64xf32, #tpu.memory_space<hbm>>
      %dma_wait3A_310 = tpu.memref_squeeze %dma_wait3A_309 : memref<1x10240x64xf32, #tpu.memory_space<hbm>> -> memref<10240x64xf32, #tpu.memory_space<hbm>>
      %dma_wait3A_311 = arith.constant 0 : i32
      %dma_wait3A_312 = arith.constant 0 : i32
      %dma_wait3A_313 = tpu.memref_slice %dma_wait3A_310[%dma_wait3A_311, %dma_wait3A_312] : memref<10240x64xf32, #tpu.memory_space<hbm>> -> memref<128x64xf32, #tpu.memory_space<hbm>>
      %dma_wait3A_314 = arith.constant 0 : i32
      %dma_wait3A_315 = arith.constant 0 : i32
      %dma_wait3A_316 = tpu.memref_slice %arg2[%arg0, %dma_wait3A_314, %dma_wait3A_315] : memref<2x10240x64xf32, #tpu.memory_space<hbm>> -> memref<1x10240x64xf32, #tpu.memory_space<hbm>>
      %dma_wait3A_317 = tpu.memref_squeeze %dma_wait3A_316 : memref<1x10240x64xf32, #tpu.memory_space<hbm>> -> memref<10240x64xf32, #tpu.memory_space<hbm>>
      %dma_wait3A_318 = arith.constant 0 : i32
      %dma_wait3A_319 = arith.constant 0 : i32
      %dma_wait3A_320 = tpu.memref_slice %dma_wait3A_317[%dma_wait3A_318, %dma_wait3A_319] : memref<10240x64xf32, #tpu.memory_space<hbm>> -> memref<128x64xf32, #tpu.memory_space<hbm>>
      tpu.wait_dma2 semaphore(%arg14 : memref<!tpu.dma_semaphore, #tpu.memory_space<semaphore_mem>>) src(%dma_wait3A_320 : memref<128x64xf32, #tpu.memory_space<hbm>>) dst(%arg8 : memref<128x64xf32, #tpu.memory_space<vmem>>)
      %sub3A_321 = arith.constant 1 : i32
      %sub3A_322 = arith.subi %add3A_282, %sub3A_321 : i32
      %dma_start3A_323 = arith.constant 0 : i32
      %dma_start3A_324 = tpu.memref_slice %arg7[%sub3A_322, %dma_start3A_323] : memref<160x128xi32, #tpu.memory_space<vmem>> -> memref<1x128xi32, #tpu.memory_space<vmem>>
      %dma_start3A_325 = tpu.memref_squeeze %dma_start3A_324 : memref<1x128xi32, #tpu.memory_space<vmem>> -> memref<128xi32, #tpu.memory_space<vmem>>
      %dma_start3A_326 = arith.constant 0 : i32
      %dma_start3A_327 = arith.constant 0 : i32
      %dma_start3A_328 = tpu.memref_slice %arg13[%dma_start3A_326, %dma_start3A_327] : memref<10240x64xf32, #tpu.memory_space<vmem_shared>> -> memref<10240x64xf32, #tpu.memory_space<vmem_shared>>
      tpu.enqueue_indirect_dma source(%arg8 : memref<128x64xf32, #tpu.memory_space<vmem>>) target(%dma_start3A_328 : memref<10240x64xf32, #tpu.memory_space<vmem_shared>>) offsets(%dma_start3A_325 : memref<128xi32, #tpu.memory_space<vmem>>) semaphore(%arg18 : memref<!tpu.dma_semaphore, #tpu.memory_space<semaphore_mem>>) {add = true}
      %mul3A_329 = arith.constant 4 : i32
      %mul3A_330 = arith.muli %scan3A_229, %mul3A_329 : i32
      %add3A_331 = arith.constant 2 : i32
      %add3A_332 = arith.addi %mul3A_330, %add3A_331 : i32
      %dma_wait3A_333 = arith.constant 0 : i32
      %dma_wait3A_334 = arith.constant 0 : i32
      %dma_wait3A_335 = tpu.memref_slice %arg2[%arg0, %dma_wait3A_333, %dma_wait3A_334] : memref<2x10240x64xf32, #tpu.memory_space<hbm>> -> memref<1x10240x64xf32, #tpu.memory_space<hbm>>
      %dma_wait3A_336 = tpu.memref_squeeze %dma_wait3A_335 : memref<1x10240x64xf32, #tpu.memory_space<hbm>> -> memref<10240x64xf32, #tpu.memory_space<hbm>>
      %dma_wait3A_337 = arith.constant 0 : i32
      %dma_wait3A_338 = arith.constant 0 : i32
      %dma_wait3A_339 = tpu.memref_slice %dma_wait3A_336[%dma_wait3A_337, %dma_wait3A_338] : memref<10240x64xf32, #tpu.memory_space<hbm>> -> memref<128x64xf32, #tpu.memory_space<hbm>>
      %dma_wait3A_340 = arith.constant 0 : i32
      %dma_wait3A_341 = arith.constant 0 : i32
      %dma_wait3A_342 = tpu.memref_slice %arg2[%arg0, %dma_wait3A_340, %dma_wait3A_341] : memref<2x10240x64xf32, #tpu.memory_space<hbm>> -> memref<1x10240x64xf32, #tpu.memory_space<hbm>>
      %dma_wait3A_343 = tpu.memref_squeeze %dma_wait3A_342 : memref<1x10240x64xf32, #tpu.memory_space<hbm>> -> memref<10240x64xf32, #tpu.memory_space<hbm>>
      %dma_wait3A_344 = arith.constant 0 : i32
      %dma_wait3A_345 = arith.constant 0 : i32
      %dma_wait3A_346 = tpu.memref_slice %dma_wait3A_343[%dma_wait3A_344, %dma_wait3A_345] : memref<10240x64xf32, #tpu.memory_space<hbm>> -> memref<128x64xf32, #tpu.memory_space<hbm>>
      tpu.wait_dma2 semaphore(%arg20 : memref<!tpu.dma_semaphore, #tpu.memory_space<semaphore_mem>>) src(%dma_wait3A_346 : memref<128x64xf32, #tpu.memory_space<hbm>>) dst(%arg10 : memref<128x64xf32, #tpu.memory_space<vmem>>)
      %dma_start3A_347 = arith.constant 0 : i32
      %dma_start3A_348 = tpu.memref_slice %arg6[%add3A_332, %dma_start3A_347] : memref<160x128xi32, #tpu.memory_space<vmem>> -> memref<1x128xi32, #tpu.memory_space<vmem>>
      %dma_start3A_349 = tpu.memref_squeeze %dma_start3A_348 : memref<1x128xi32, #tpu.memory_space<vmem>> -> memref<128xi32, #tpu.memory_space<vmem>>
      %dma_start3A_350 = arith.constant 0 : i32
      %dma_start3A_351 = arith.constant 0 : i32
      %dma_start3A_352 = tpu.memref_slice %arg2[%arg0, %dma_start3A_350, %dma_start3A_351] : memref<2x10240x64xf32, #tpu.memory_space<hbm>> -> memref<1x10240x64xf32, #tpu.memory_space<hbm>>
      %dma_start3A_353 = tpu.memref_squeeze %dma_start3A_352 : memref<1x10240x64xf32, #tpu.memory_space<hbm>> -> memref<10240x64xf32, #tpu.memory_space<hbm>>
      %dma_start3A_354 = arith.constant 0 : i32
      %dma_start3A_355 = arith.constant 0 : i32
      %dma_start3A_356 = tpu.memref_slice %dma_start3A_353[%dma_start3A_354, %dma_start3A_355] : memref<10240x64xf32, #tpu.memory_space<hbm>> -> memref<10240x64xf32, #tpu.memory_space<hbm>>
      tpu.enqueue_indirect_dma source(%dma_start3A_356 : memref<10240x64xf32, #tpu.memory_space<hbm>>) target(%arg10 : memref<128x64xf32, #tpu.memory_space<vmem>>) offsets(%dma_start3A_349 : memref<128xi32, #tpu.memory_space<vmem>>) semaphore(%arg16 : memref<!tpu.dma_semaphore, #tpu.memory_space<semaphore_mem>>)
      %dma_wait3A_357 = arith.constant 0 : i32
      %dma_wait3A_358 = arith.constant 0 : i32
      %dma_wait3A_359 = tpu.memref_slice %arg2[%arg0, %dma_wait3A_357, %dma_wait3A_358] : memref<2x10240x64xf32, #tpu.memory_space<hbm>> -> memref<1x10240x64xf32, #tpu.memory_space<hbm>>
      %dma_wait3A_360 = tpu.memref_squeeze %dma_wait3A_359 : memref<1x10240x64xf32, #tpu.memory_space<hbm>> -> memref<10240x64xf32, #tpu.memory_space<hbm>>
      %dma_wait3A_361 = arith.constant 0 : i32
      %dma_wait3A_362 = arith.constant 0 : i32
      %dma_wait3A_363 = tpu.memref_slice %dma_wait3A_360[%dma_wait3A_361, %dma_wait3A_362] : memref<10240x64xf32, #tpu.memory_space<hbm>> -> memref<128x64xf32, #tpu.memory_space<hbm>>
      %dma_wait3A_364 = arith.constant 0 : i32
      %dma_wait3A_365 = arith.constant 0 : i32
      %dma_wait3A_366 = tpu.memref_slice %arg2[%arg0, %dma_wait3A_364, %dma_wait3A_365] : memref<2x10240x64xf32, #tpu.memory_space<hbm>> -> memref<1x10240x64xf32, #tpu.memory_space<hbm>>
      %dma_wait3A_367 = tpu.memref_squeeze %dma_wait3A_366 : memref<1x10240x64xf32, #tpu.memory_space<hbm>> -> memref<10240x64xf32, #tpu.memory_space<hbm>>
      %dma_wait3A_368 = arith.constant 0 : i32
      %dma_wait3A_369 = arith.constant 0 : i32
      %dma_wait3A_370 = tpu.memref_slice %dma_wait3A_367[%dma_wait3A_368, %dma_wait3A_369] : memref<10240x64xf32, #tpu.memory_space<hbm>> -> memref<128x64xf32, #tpu.memory_space<hbm>>
      tpu.wait_dma2 semaphore(%arg15 : memref<!tpu.dma_semaphore, #tpu.memory_space<semaphore_mem>>) src(%dma_wait3A_370 : memref<128x64xf32, #tpu.memory_space<hbm>>) dst(%arg9 : memref<128x64xf32, #tpu.memory_space<vmem>>)
      %sub3A_371 = arith.constant 1 : i32
      %sub3A_372 = arith.subi %add3A_332, %sub3A_371 : i32
      %dma_start3A_373 = arith.constant 0 : i32
      %dma_start3A_374 = tpu.memref_slice %arg7[%sub3A_372, %dma_start3A_373] : memref<160x128xi32, #tpu.memory_space<vmem>> -> memref<1x128xi32, #tpu.memory_space<vmem>>
      %dma_start3A_375 = tpu.memref_squeeze %dma_start3A_374 : memref<1x128xi32, #tpu.memory_space<vmem>> -> memref<128xi32, #tpu.memory_space<vmem>>
      %dma_start3A_376 = arith.constant 0 : i32
      %dma_start3A_377 = arith.constant 0 : i32
      %dma_start3A_378 = tpu.memref_slice %arg13[%dma_start3A_376, %dma_start3A_377] : memref<10240x64xf32, #tpu.memory_space<vmem_shared>> -> memref<10240x64xf32, #tpu.memory_space<vmem_shared>>
      tpu.enqueue_indirect_dma source(%arg9 : memref<128x64xf32, #tpu.memory_space<vmem>>) target(%dma_start3A_378 : memref<10240x64xf32, #tpu.memory_space<vmem_shared>>) offsets(%dma_start3A_375 : memref<128xi32, #tpu.memory_space<vmem>>) semaphore(%arg19 : memref<!tpu.dma_semaphore, #tpu.memory_space<semaphore_mem>>) {add = true}
      %mul3A_379 = arith.constant 4 : i32
      %mul3A_380 = arith.muli %scan3A_229, %mul3A_379 : i32
      %add3A_381 = arith.constant 3 : i32
      %add3A_382 = arith.addi %mul3A_380, %add3A_381 : i32
      %dma_wait3A_383 = arith.constant 0 : i32
      %dma_wait3A_384 = arith.constant 0 : i32
      %dma_wait3A_385 = tpu.memref_slice %arg2[%arg0, %dma_wait3A_383, %dma_wait3A_384] : memref<2x10240x64xf32, #tpu.memory_space<hbm>> -> memref<1x10240x64xf32, #tpu.memory_space<hbm>>
      %dma_wait3A_386 = tpu.memref_squeeze %dma_wait3A_385 : memref<1x10240x64xf32, #tpu.memory_space<hbm>> -> memref<10240x64xf32, #tpu.memory_space<hbm>>
      %dma_wait3A_387 = arith.constant 0 : i32
      %dma_wait3A_388 = arith.constant 0 : i32
      %dma_wait3A_389 = tpu.memref_slice %dma_wait3A_386[%dma_wait3A_387, %dma_wait3A_388] : memref<10240x64xf32, #tpu.memory_space<hbm>> -> memref<128x64xf32, #tpu.memory_space<hbm>>
      %dma_wait3A_390 = arith.constant 0 : i32
      %dma_wait3A_391 = arith.constant 0 : i32
      %dma_wait3A_392 = tpu.memref_slice %arg2[%arg0, %dma_wait3A_390, %dma_wait3A_391] : memref<2x10240x64xf32, #tpu.memory_space<hbm>> -> memref<1x10240x64xf32, #tpu.memory_space<hbm>>
      %dma_wait3A_393 = tpu.memref_squeeze %dma_wait3A_392 : memref<1x10240x64xf32, #tpu.memory_space<hbm>> -> memref<10240x64xf32, #tpu.memory_space<hbm>>
      %dma_wait3A_394 = arith.constant 0 : i32
      %dma_wait3A_395 = arith.constant 0 : i32
      %dma_wait3A_396 = tpu.memref_slice %dma_wait3A_393[%dma_wait3A_394, %dma_wait3A_395] : memref<10240x64xf32, #tpu.memory_space<hbm>> -> memref<128x64xf32, #tpu.memory_space<hbm>>
      tpu.wait_dma2 semaphore(%arg21 : memref<!tpu.dma_semaphore, #tpu.memory_space<semaphore_mem>>) src(%dma_wait3A_396 : memref<128x64xf32, #tpu.memory_space<hbm>>) dst(%arg11 : memref<128x64xf32, #tpu.memory_space<vmem>>)
      %dma_start3A_397 = arith.constant 0 : i32
      %dma_start3A_398 = tpu.memref_slice %arg6[%add3A_382, %dma_start3A_397] : memref<160x128xi32, #tpu.memory_space<vmem>> -> memref<1x128xi32, #tpu.memory_space<vmem>>
      %dma_start3A_399 = tpu.memref_squeeze %dma_start3A_398 : memref<1x128xi32, #tpu.memory_space<vmem>> -> memref<128xi32, #tpu.memory_space<vmem>>
      %dma_start3A_400 = arith.constant 0 : i32
      %dma_start3A_401 = arith.constant 0 : i32
      %dma_start3A_402 = tpu.memref_slice %arg2[%arg0, %dma_start3A_400, %dma_start3A_401] : memref<2x10240x64xf32, #tpu.memory_space<hbm>> -> memref<1x10240x64xf32, #tpu.memory_space<hbm>>
      %dma_start3A_403 = tpu.memref_squeeze %dma_start3A_402 : memref<1x10240x64xf32, #tpu.memory_space<hbm>> -> memref<10240x64xf32, #tpu.memory_space<hbm>>
      %dma_start3A_404 = arith.constant 0 : i32
      %dma_start3A_405 = arith.constant 0 : i32
      %dma_start3A_406 = tpu.memref_slice %dma_start3A_403[%dma_start3A_404, %dma_start3A_405] : memref<10240x64xf32, #tpu.memory_space<hbm>> -> memref<10240x64xf32, #tpu.memory_space<hbm>>
      tpu.enqueue_indirect_dma source(%dma_start3A_406 : memref<10240x64xf32, #tpu.memory_space<hbm>>) target(%arg11 : memref<128x64xf32, #tpu.memory_space<vmem>>) offsets(%dma_start3A_399 : memref<128xi32, #tpu.memory_space<vmem>>) semaphore(%arg17 : memref<!tpu.dma_semaphore, #tpu.memory_space<semaphore_mem>>)
      %dma_wait3A_407 = arith.constant 0 : i32
      %dma_wait3A_408 = arith.constant 0 : i32
      %dma_wait3A_409 = tpu.memref_slice %arg2[%arg0, %dma_wait3A_407, %dma_wait3A_408] : memref<2x10240x64xf32, #tpu.memory_space<hbm>> -> memref<1x10240x64xf32, #tpu.memory_space<hbm>>
      %dma_wait3A_410 = tpu.memref_squeeze %dma_wait3A_409 : memref<1x10240x64xf32, #tpu.memory_space<hbm>> -> memref<10240x64xf32, #tpu.memory_space<hbm>>
      %dma_wait3A_411 = arith.constant 0 : i32
      %dma_wait3A_412 = arith.constant 0 : i32
      %dma_wait3A_413 = tpu.memref_slice %dma_wait3A_410[%dma_wait3A_411, %dma_wait3A_412] : memref<10240x64xf32, #tpu.memory_space<hbm>> -> memref<128x64xf32, #tpu.memory_space<hbm>>
      %dma_wait3A_414 = arith.constant 0 : i32
      %dma_wait3A_415 = arith.constant 0 : i32
      %dma_wait3A_416 = tpu.memref_slice %arg2[%arg0, %dma_wait3A_414, %dma_wait3A_415] : memref<2x10240x64xf32, #tpu.memory_space<hbm>> -> memref<1x10240x64xf32, #tpu.memory_space<hbm>>
      %dma_wait3A_417 = tpu.memref_squeeze %dma_wait3A_416 : memref<1x10240x64xf32, #tpu.memory_space<hbm>> -> memref<10240x64xf32, #tpu.memory_space<hbm>>
      %dma_wait3A_418 = arith.constant 0 : i32
      %dma_wait3A_419 = arith.constant 0 : i32
      %dma_wait3A_420 = tpu.memref_slice %dma_wait3A_417[%dma_wait3A_418, %dma_wait3A_419] : memref<10240x64xf32, #tpu.memory_space<hbm>> -> memref<128x64xf32, #tpu.memory_space<hbm>>
      tpu.wait_dma2 semaphore(%arg16 : memref<!tpu.dma_semaphore, #tpu.memory_space<semaphore_mem>>) src(%dma_wait3A_420 : memref<128x64xf32, #tpu.memory_space<hbm>>) dst(%arg10 : memref<128x64xf32, #tpu.memory_space<vmem>>)
      %sub3A_421 = arith.constant 1 : i32
      %sub3A_422 = arith.subi %add3A_382, %sub3A_421 : i32
      %dma_start3A_423 = arith.constant 0 : i32
      %dma_start3A_424 = tpu.memref_slice %arg7[%sub3A_422, %dma_start3A_423] : memref<160x128xi32, #tpu.memory_space<vmem>> -> memref<1x128xi32, #tpu.memory_space<vmem>>
      %dma_start3A_425 = tpu.memref_squeeze %dma_start3A_424 : memref<1x128xi32, #tpu.memory_space<vmem>> -> memref<128xi32, #tpu.memory_space<vmem>>
      %dma_start3A_426 = arith.constant 0 : i32
      %dma_start3A_427 = arith.constant 0 : i32
      %dma_start3A_428 = tpu.memref_slice %arg13[%dma_start3A_426, %dma_start3A_427] : memref<10240x64xf32, #tpu.memory_space<vmem_shared>> -> memref<10240x64xf32, #tpu.memory_space<vmem_shared>>
      tpu.enqueue_indirect_dma source(%arg10 : memref<128x64xf32, #tpu.memory_space<vmem>>) target(%dma_start3A_428 : memref<10240x64xf32, #tpu.memory_space<vmem_shared>>) offsets(%dma_start3A_425 : memref<128xi32, #tpu.memory_space<vmem>>) semaphore(%arg20 : memref<!tpu.dma_semaphore, #tpu.memory_space<semaphore_mem>>) {add = true}
    }
    %scan3A_134 = arith.constant 39 : i32
    %dma_wait3A_135 = arith.constant 0 : i32
    %dma_wait3A_136 = arith.constant 0 : i32
    %dma_wait3A_137 = tpu.memref_slice %arg2[%arg0, %dma_wait3A_135, %dma_wait3A_136] : memref<2x10240x64xf32, #tpu.memory_space<hbm>> -> memref<1x10240x64xf32, #tpu.memory_space<hbm>>
    %dma_wait3A_138 = tpu.memref_squeeze %dma_wait3A_137 : memref<1x10240x64xf32, #tpu.memory_space<hbm>> -> memref<10240x64xf32, #tpu.memory_space<hbm>>
    %dma_wait3A_139 = arith.constant 0 : i32
    %dma_wait3A_140 = arith.constant 0 : i32
    %dma_wait3A_141 = tpu.memref_slice %dma_wait3A_138[%dma_wait3A_139, %dma_wait3A_140] : memref<10240x64xf32, #tpu.memory_space<hbm>> -> memref<128x64xf32, #tpu.memory_space<hbm>>
    %dma_wait3A_142 = arith.constant 0 : i32
    %dma_wait3A_143 = arith.constant 0 : i32
    %dma_wait3A_144 = tpu.memref_slice %arg2[%arg0, %dma_wait3A_142, %dma_wait3A_143] : memref<2x10240x64xf32, #tpu.memory_space<hbm>> -> memref<1x10240x64xf32, #tpu.memory_space<hbm>>
    %dma_wait3A_145 = tpu.memref_squeeze %dma_wait3A_144 : memref<1x10240x64xf32, #tpu.memory_space<hbm>> -> memref<10240x64xf32, #tpu.memory_space<hbm>>
    %dma_wait3A_146 = arith.constant 0 : i32
    %dma_wait3A_147 = arith.constant 0 : i32
    %dma_wait3A_148 = tpu.memref_slice %dma_wait3A_145[%dma_wait3A_146, %dma_wait3A_147] : memref<10240x64xf32, #tpu.memory_space<hbm>> -> memref<128x64xf32, #tpu.memory_space<hbm>>
    tpu.wait_dma2 semaphore(%arg17 : memref<!tpu.dma_semaphore, #tpu.memory_space<semaphore_mem>>) src(%dma_wait3A_148 : memref<128x64xf32, #tpu.memory_space<hbm>>) dst(%arg11 : memref<128x64xf32, #tpu.memory_space<vmem>>)
    %dma_start3A_149 = arith.constant 159 : i32
    %dma_start3A_150 = arith.constant 0 : i32
    %dma_start3A_151 = tpu.memref_slice %arg7[%dma_start3A_149, %dma_start3A_150] : memref<160x128xi32, #tpu.memory_space<vmem>> -> memref<1x128xi32, #tpu.memory_space<vmem>>
    %dma_start3A_152 = tpu.memref_squeeze %dma_start3A_151 : memref<1x128xi32, #tpu.memory_space<vmem>> -> memref<128xi32, #tpu.memory_space<vmem>>
    %dma_start3A_153 = arith.constant 0 : i32
    %dma_start3A_154 = arith.constant 0 : i32
    %dma_start3A_155 = tpu.memref_slice %arg13[%dma_start3A_153, %dma_start3A_154] : memref<10240x64xf32, #tpu.memory_space<vmem_shared>> -> memref<10240x64xf32, #tpu.memory_space<vmem_shared>>
    tpu.enqueue_indirect_dma source(%arg11 : memref<128x64xf32, #tpu.memory_space<vmem>>) target(%dma_start3A_155 : memref<10240x64xf32, #tpu.memory_space<vmem_shared>>) offsets(%dma_start3A_152 : memref<128xi32, #tpu.memory_space<vmem>>) semaphore(%arg21 : memref<!tpu.dma_semaphore, #tpu.memory_space<semaphore_mem>>) {add = true}
    %dma_wait3A_156 = arith.constant 0 : i32
    %dma_wait3A_157 = arith.constant 0 : i32
    %dma_wait3A_158 = tpu.memref_slice %arg2[%arg0, %dma_wait3A_156, %dma_wait3A_157] : memref<2x10240x64xf32, #tpu.memory_space<hbm>> -> memref<1x10240x64xf32, #tpu.memory_space<hbm>>
    %dma_wait3A_159 = tpu.memref_squeeze %dma_wait3A_158 : memref<1x10240x64xf32, #tpu.memory_space<hbm>> -> memref<10240x64xf32, #tpu.memory_space<hbm>>
    %dma_wait3A_160 = arith.constant 0 : i32
    %dma_wait3A_161 = arith.constant 0 : i32
    %dma_wait3A_162 = tpu.memref_slice %dma_wait3A_159[%dma_wait3A_160, %dma_wait3A_161] : memref<10240x64xf32, #tpu.memory_space<hbm>> -> memref<128x64xf32, #tpu.memory_space<hbm>>
    %dma_wait3A_163 = arith.constant 0 : i32
    %dma_wait3A_164 = arith.constant 0 : i32
    %dma_wait3A_165 = tpu.memref_slice %arg2[%arg0, %dma_wait3A_163, %dma_wait3A_164] : memref<2x10240x64xf32, #tpu.memory_space<hbm>> -> memref<1x10240x64xf32, #tpu.memory_space<hbm>>
    %dma_wait3A_166 = tpu.memref_squeeze %dma_wait3A_165 : memref<1x10240x64xf32, #tpu.memory_space<hbm>> -> memref<10240x64xf32, #tpu.memory_space<hbm>>
    %dma_wait3A_167 = arith.constant 0 : i32
    %dma_wait3A_168 = arith.constant 0 : i32
    %dma_wait3A_169 = tpu.memref_slice %dma_wait3A_166[%dma_wait3A_167, %dma_wait3A_168] : memref<10240x64xf32, #tpu.memory_space<hbm>> -> memref<128x64xf32, #tpu.memory_space<hbm>>
    tpu.wait_dma2 semaphore(%arg18 : memref<!tpu.dma_semaphore, #tpu.memory_space<semaphore_mem>>) src(%dma_wait3A_169 : memref<128x64xf32, #tpu.memory_space<hbm>>) dst(%arg8 : memref<128x64xf32, #tpu.memory_space<vmem>>)
    %dma_wait3A_170 = arith.constant 0 : i32
    %dma_wait3A_171 = arith.constant 0 : i32
    %dma_wait3A_172 = tpu.memref_slice %arg2[%arg0, %dma_wait3A_170, %dma_wait3A_171] : memref<2x10240x64xf32, #tpu.memory_space<hbm>> -> memref<1x10240x64xf32, #tpu.memory_space<hbm>>
    %dma_wait3A_173 = tpu.memref_squeeze %dma_wait3A_172 : memref<1x10240x64xf32, #tpu.memory_space<hbm>> -> memref<10240x64xf32, #tpu.memory_space<hbm>>
    %dma_wait3A_174 = arith.constant 0 : i32
    %dma_wait3A_175 = arith.constant 0 : i32
    %dma_wait3A_176 = tpu.memref_slice %dma_wait3A_173[%dma_wait3A_174, %dma_wait3A_175] : memref<10240x64xf32, #tpu.memory_space<hbm>> -> memref<128x64xf32, #tpu.memory_space<hbm>>
    %dma_wait3A_177 = arith.constant 0 : i32
    %dma_wait3A_178 = arith.constant 0 : i32
    %dma_wait3A_179 = tpu.memref_slice %arg2[%arg0, %dma_wait3A_177, %dma_wait3A_178] : memref<2x10240x64xf32, #tpu.memory_space<hbm>> -> memref<1x10240x64xf32, #tpu.memory_space<hbm>>
    %dma_wait3A_180 = tpu.memref_squeeze %dma_wait3A_179 : memref<1x10240x64xf32, #tpu.memory_space<hbm>> -> memref<10240x64xf32, #tpu.memory_space<hbm>>
    %dma_wait3A_181 = arith.constant 0 : i32
    %dma_wait3A_182 = arith.constant 0 : i32
    %dma_wait3A_183 = tpu.memref_slice %dma_wait3A_180[%dma_wait3A_181, %dma_wait3A_182] : memref<10240x64xf32, #tpu.memory_space<hbm>> -> memref<128x64xf32, #tpu.memory_space<hbm>>
    tpu.wait_dma2 semaphore(%arg19 : memref<!tpu.dma_semaphore, #tpu.memory_space<semaphore_mem>>) src(%dma_wait3A_183 : memref<128x64xf32, #tpu.memory_space<hbm>>) dst(%arg9 : memref<128x64xf32, #tpu.memory_space<vmem>>)
    %dma_wait3A_184 = arith.constant 0 : i32
    %dma_wait3A_185 = arith.constant 0 : i32
    %dma_wait3A_186 = tpu.memref_slice %arg2[%arg0, %dma_wait3A_184, %dma_wait3A_185] : memref<2x10240x64xf32, #tpu.memory_space<hbm>> -> memref<1x10240x64xf32, #tpu.memory_space<hbm>>
    %dma_wait3A_187 = tpu.memref_squeeze %dma_wait3A_186 : memref<1x10240x64xf32, #tpu.memory_space<hbm>> -> memref<10240x64xf32, #tpu.memory_space<hbm>>
    %dma_wait3A_188 = arith.constant 0 : i32
    %dma_wait3A_189 = arith.constant 0 : i32
    %dma_wait3A_190 = tpu.memref_slice %dma_wait3A_187[%dma_wait3A_188, %dma_wait3A_189] : memref<10240x64xf32, #tpu.memory_space<hbm>> -> memref<128x64xf32, #tpu.memory_space<hbm>>
    %dma_wait3A_191 = arith.constant 0 : i32
    %dma_wait3A_192 = arith.constant 0 : i32
    %dma_wait3A_193 = tpu.memref_slice %arg2[%arg0, %dma_wait3A_191, %dma_wait3A_192] : memref<2x10240x64xf32, #tpu.memory_space<hbm>> -> memref<1x10240x64xf32, #tpu.memory_space<hbm>>
    %dma_wait3A_194 = tpu.memref_squeeze %dma_wait3A_193 : memref<1x10240x64xf32, #tpu.memory_space<hbm>> -> memref<10240x64xf32, #tpu.memory_space<hbm>>
    %dma_wait3A_195 = arith.constant 0 : i32
    %dma_wait3A_196 = arith.constant 0 : i32
    %dma_wait3A_197 = tpu.memref_slice %dma_wait3A_194[%dma_wait3A_195, %dma_wait3A_196] : memref<10240x64xf32, #tpu.memory_space<hbm>> -> memref<128x64xf32, #tpu.memory_space<hbm>>
    tpu.wait_dma2 semaphore(%arg20 : memref<!tpu.dma_semaphore, #tpu.memory_space<semaphore_mem>>) src(%dma_wait3A_197 : memref<128x64xf32, #tpu.memory_space<hbm>>) dst(%arg10 : memref<128x64xf32, #tpu.memory_space<vmem>>)
    %dma_wait3A_198 = arith.constant 0 : i32
    %dma_wait3A_199 = arith.constant 0 : i32
    %dma_wait3A_200 = tpu.memref_slice %arg2[%arg0, %dma_wait3A_198, %dma_wait3A_199] : memref<2x10240x64xf32, #tpu.memory_space<hbm>> -> memref<1x10240x64xf32, #tpu.memory_space<hbm>>
    %dma_wait3A_201 = tpu.memref_squeeze %dma_wait3A_200 : memref<1x10240x64xf32, #tpu.memory_space<hbm>> -> memref<10240x64xf32, #tpu.memory_space<hbm>>
    %dma_wait3A_202 = arith.constant 0 : i32
    %dma_wait3A_203 = arith.constant 0 : i32
    %dma_wait3A_204 = tpu.memref_slice %dma_wait3A_201[%dma_wait3A_202, %dma_wait3A_203] : memref<10240x64xf32, #tpu.memory_space<hbm>> -> memref<128x64xf32, #tpu.memory_space<hbm>>
    %dma_wait3A_205 = arith.constant 0 : i32
    %dma_wait3A_206 = arith.constant 0 : i32
    %dma_wait3A_207 = tpu.memref_slice %arg2[%arg0, %dma_wait3A_205, %dma_wait3A_206] : memref<2x10240x64xf32, #tpu.memory_space<hbm>> -> memref<1x10240x64xf32, #tpu.memory_space<hbm>>
    %dma_wait3A_208 = tpu.memref_squeeze %dma_wait3A_207 : memref<1x10240x64xf32, #tpu.memory_space<hbm>> -> memref<10240x64xf32, #tpu.memory_space<hbm>>
    %dma_wait3A_209 = arith.constant 0 : i32
    %dma_wait3A_210 = arith.constant 0 : i32
    %dma_wait3A_211 = tpu.memref_slice %dma_wait3A_208[%dma_wait3A_209, %dma_wait3A_210] : memref<10240x64xf32, #tpu.memory_space<hbm>> -> memref<128x64xf32, #tpu.memory_space<hbm>>
    tpu.wait_dma2 semaphore(%arg21 : memref<!tpu.dma_semaphore, #tpu.memory_space<semaphore_mem>>) src(%dma_wait3A_211 : memref<128x64xf32, #tpu.memory_space<hbm>>) dst(%arg11 : memref<128x64xf32, #tpu.memory_space<vmem>>)
    %barrier3A_212 = arith.constant 0 : index
    tpu.barrier barrier_id(%barrier3A_212)
    %mul3A_213 = arith.constant 640 : i32
    %mul3A_214 = arith.muli %arg1, %mul3A_213 : i32
    %add3A_215 = arith.constant 0 : i32
    %add3A_216 = arith.addi %mul3A_214, %add3A_215 : i32
    "tpu.region"() ({
      %run_scoped3A = tpu.sem_alloc : memref<!tpu.dma_semaphore, #tpu.memory_space<semaphore_mem>>
      %dma_start3A_229 = arith.constant 0 : i32
      %dma_start3A_230 = tpu.memref_slice %arg13[%add3A_216, %dma_start3A_229] : memref<10240x64xf32, #tpu.memory_space<vmem_shared>> -> memref<160x64xf32, #tpu.memory_space<vmem_shared>>
      %dma_start3A_231 = arith.constant 0 : i32
      %dma_start3A_232 = tpu.memref_slice %arg13[%add3A_216, %dma_start3A_231] : memref<10240x64xf32, #tpu.memory_space<vmem_shared>> -> memref<160x64xf32, #tpu.memory_space<vmem_shared>>
      tpu.enqueue_dma source(%dma_start3A_232 : memref<160x64xf32, #tpu.memory_space<vmem_shared>>) target(%arg12 : memref<160x64xf32, #tpu.memory_space<vmem>>) target_semaphore(%run_scoped3A : memref<!tpu.dma_semaphore, #tpu.memory_space<semaphore_mem>>)
      %dma_wait3A_233 = arith.constant 0 : i32
      %dma_wait3A_234 = tpu.memref_slice %arg13[%add3A_216, %dma_wait3A_233] : memref<10240x64xf32, #tpu.memory_space<vmem_shared>> -> memref<160x64xf32, #tpu.memory_space<vmem_shared>>
      %dma_wait3A_235 = arith.constant 0 : i32
      %dma_wait3A_236 = tpu.memref_slice %arg13[%add3A_216, %dma_wait3A_235] : memref<10240x64xf32, #tpu.memory_space<vmem_shared>> -> memref<160x64xf32, #tpu.memory_space<vmem_shared>>
      tpu.wait_dma2 semaphore(%run_scoped3A : memref<!tpu.dma_semaphore, #tpu.memory_space<semaphore_mem>>) src(%dma_wait3A_236 : memref<160x64xf32, #tpu.memory_space<vmem_shared>>) dst(%arg12 : memref<160x64xf32, #tpu.memory_space<vmem>>)
      tpu.yield
    }) : () -> ()
    "tpu.region"() ({
      %run_scoped3A = tpu.sem_alloc : memref<!tpu.dma_semaphore, #tpu.memory_space<semaphore_mem>>
      %dma_start3A_229 = arith.constant 0 : i32
      %dma_start3A_230 = tpu.memref_slice %arg5[%arg0, %add3A_216, %dma_start3A_229] : memref<2x10240x64xf32, #tpu.memory_space<hbm>> -> memref<1x160x64xf32, #tpu.memory_space<hbm>>
      %dma_start3A_231 = tpu.memref_squeeze %dma_start3A_230 : memref<1x160x64xf32, #tpu.memory_space<hbm>> -> memref<160x64xf32, #tpu.memory_space<hbm>>
      %dma_start3A_232 = arith.constant 0 : i32
      %dma_start3A_233 = tpu.memref_slice %arg5[%arg0, %add3A_216, %dma_start3A_232] : memref<2x10240x64xf32, #tpu.memory_space<hbm>> -> memref<1x160x64xf32, #tpu.memory_space<hbm>>
      %dma_start3A_234 = tpu.memref_squeeze %dma_start3A_233 : memref<1x160x64xf32, #tpu.memory_space<hbm>> -> memref<160x64xf32, #tpu.memory_space<hbm>>
      tpu.enqueue_dma source(%arg12 : memref<160x64xf32, #tpu.memory_space<vmem>>) target(%dma_start3A_234 : memref<160x64xf32, #tpu.memory_space<hbm>>) target_semaphore(%run_scoped3A : memref<!tpu.dma_semaphore, #tpu.memory_space<semaphore_mem>>)
      %dma_wait3A_235 = arith.constant 0 : i32
      %dma_wait3A_236 = tpu.memref_slice %arg5[%arg0, %add3A_216, %dma_wait3A_235] : memref<2x10240x64xf32, #tpu.memory_space<hbm>> -> memref<1x160x64xf32, #tpu.memory_space<hbm>>
      %dma_wait3A_237 = tpu.memref_squeeze %dma_wait3A_236 : memref<1x160x64xf32, #tpu.memory_space<hbm>> -> memref<160x64xf32, #tpu.memory_space<hbm>>
      %dma_wait3A_238 = arith.constant 0 : i32
      %dma_wait3A_239 = tpu.memref_slice %arg5[%arg0, %add3A_216, %dma_wait3A_238] : memref<2x10240x64xf32, #tpu.memory_space<hbm>> -> memref<1x160x64xf32, #tpu.memory_space<hbm>>
      %dma_wait3A_240 = tpu.memref_squeeze %dma_wait3A_239 : memref<1x160x64xf32, #tpu.memory_space<hbm>> -> memref<160x64xf32, #tpu.memory_space<hbm>>
      tpu.wait_dma2 semaphore(%run_scoped3A : memref<!tpu.dma_semaphore, #tpu.memory_space<semaphore_mem>>) src(%arg12 : memref<160x64xf32, #tpu.memory_space<vmem>>) dst(%dma_wait3A_240 : memref<160x64xf32, #tpu.memory_space<hbm>>)
      tpu.yield
    }) : () -> ()
    %mul3A_217 = arith.constant 640 : i32
    %mul3A_218 = arith.muli %arg1, %mul3A_217 : i32
    %add3A_219 = arith.constant 160 : i32
    %add3A_220 = arith.addi %mul3A_218, %add3A_219 : i32
    "tpu.region"() ({
      %run_scoped3A = tpu.sem_alloc : memref<!tpu.dma_semaphore, #tpu.memory_space<semaphore_mem>>
      %dma_start3A_229 = arith.constant 0 : i32
      %dma_start3A_230 = tpu.memref_slice %arg13[%add3A_220, %dma_start3A_229] : memref<10240x64xf32, #tpu.memory_space<vmem_shared>> -> memref<160x64xf32, #tpu.memory_space<vmem_shared>>
      %dma_start3A_231 = arith.constant 0 : i32
      %dma_start3A_232 = tpu.memref_slice %arg13[%add3A_220, %dma_start3A_231] : memref<10240x64xf32, #tpu.memory_space<vmem_shared>> -> memref<160x64xf32, #tpu.memory_space<vmem_shared>>
      tpu.enqueue_dma source(%dma_start3A_232 : memref<160x64xf32, #tpu.memory_space<vmem_shared>>) target(%arg12 : memref<160x64xf32, #tpu.memory_space<vmem>>) target_semaphore(%run_scoped3A : memref<!tpu.dma_semaphore, #tpu.memory_space<semaphore_mem>>)
      %dma_wait3A_233 = arith.constant 0 : i32
      %dma_wait3A_234 = tpu.memref_slice %arg13[%add3A_220, %dma_wait3A_233] : memref<10240x64xf32, #tpu.memory_space<vmem_shared>> -> memref<160x64xf32, #tpu.memory_space<vmem_shared>>
      %dma_wait3A_235 = arith.constant 0 : i32
      %dma_wait3A_236 = tpu.memref_slice %arg13[%add3A_220, %dma_wait3A_235] : memref<10240x64xf32, #tpu.memory_space<vmem_shared>> -> memref<160x64xf32, #tpu.memory_space<vmem_shared>>
      tpu.wait_dma2 semaphore(%run_scoped3A : memref<!tpu.dma_semaphore, #tpu.memory_space<semaphore_mem>>) src(%dma_wait3A_236 : memref<160x64xf32, #tpu.memory_space<vmem_shared>>) dst(%arg12 : memref<160x64xf32, #tpu.memory_space<vmem>>)
      tpu.yield
    }) : () -> ()
    "tpu.region"() ({
      %run_scoped3A = tpu.sem_alloc : memref<!tpu.dma_semaphore, #tpu.memory_space<semaphore_mem>>
      %dma_start3A_229 = arith.constant 0 : i32
      %dma_start3A_230 = tpu.memref_slice %arg5[%arg0, %add3A_220, %dma_start3A_229] : memref<2x10240x64xf32, #tpu.memory_space<hbm>> -> memref<1x160x64xf32, #tpu.memory_space<hbm>>
      %dma_start3A_231 = tpu.memref_squeeze %dma_start3A_230 : memref<1x160x64xf32, #tpu.memory_space<hbm>> -> memref<160x64xf32, #tpu.memory_space<hbm>>
      %dma_start3A_232 = arith.constant 0 : i32
      %dma_start3A_233 = tpu.memref_slice %arg5[%arg0, %add3A_220, %dma_start3A_232] : memref<2x10240x64xf32, #tpu.memory_space<hbm>> -> memref<1x160x64xf32, #tpu.memory_space<hbm>>
      %dma_start3A_234 = tpu.memref_squeeze %dma_start3A_233 : memref<1x160x64xf32, #tpu.memory_space<hbm>> -> memref<160x64xf32, #tpu.memory_space<hbm>>
      tpu.enqueue_dma source(%arg12 : memref<160x64xf32, #tpu.memory_space<vmem>>) target(%dma_start3A_234 : memref<160x64xf32, #tpu.memory_space<hbm>>) target_semaphore(%run_scoped3A : memref<!tpu.dma_semaphore, #tpu.memory_space<semaphore_mem>>)
      %dma_wait3A_235 = arith.constant 0 : i32
      %dma_wait3A_236 = tpu.memref_slice %arg5[%arg0, %add3A_220, %dma_wait3A_235] : memref<2x10240x64xf32, #tpu.memory_space<hbm>> -> memref<1x160x64xf32, #tpu.memory_space<hbm>>
      %dma_wait3A_237 = tpu.memref_squeeze %dma_wait3A_236 : memref<1x160x64xf32, #tpu.memory_space<hbm>> -> memref<160x64xf32, #tpu.memory_space<hbm>>
      %dma_wait3A_238 = arith.constant 0 : i32
      %dma_wait3A_239 = tpu.memref_slice %arg5[%arg0, %add3A_220, %dma_wait3A_238] : memref<2x10240x64xf32, #tpu.memory_space<hbm>> -> memref<1x160x64xf32, #tpu.memory_space<hbm>>
      %dma_wait3A_240 = tpu.memref_squeeze %dma_wait3A_239 : memref<1x160x64xf32, #tpu.memory_space<hbm>> -> memref<160x64xf32, #tpu.memory_space<hbm>>
      tpu.wait_dma2 semaphore(%run_scoped3A : memref<!tpu.dma_semaphore, #tpu.memory_space<semaphore_mem>>) src(%arg12 : memref<160x64xf32, #tpu.memory_space<vmem>>) dst(%dma_wait3A_240 : memref<160x64xf32, #tpu.memory_space<hbm>>)
      tpu.yield
    }) : () -> ()
    %mul3A_221 = arith.constant 640 : i32
    %mul3A_222 = arith.muli %arg1, %mul3A_221 : i32
    %add3A_223 = arith.constant 320 : i32
    %add3A_224 = arith.addi %mul3A_222, %add3A_223 : i32
    "tpu.region"() ({
      %run_scoped3A = tpu.sem_alloc : memref<!tpu.dma_semaphore, #tpu.memory_space<semaphore_mem>>
      %dma_start3A_229 = arith.constant 0 : i32
      %dma_start3A_230 = tpu.memref_slice %arg13[%add3A_224, %dma_start3A_229] : memref<10240x64xf32, #tpu.memory_space<vmem_shared>> -> memref<160x64xf32, #tpu.memory_space<vmem_shared>>
      %dma_start3A_231 = arith.constant 0 : i32
      %dma_start3A_232 = tpu.memref_slice %arg13[%add3A_224, %dma_start3A_231] : memref<10240x64xf32, #tpu.memory_space<vmem_shared>> -> memref<160x64xf32, #tpu.memory_space<vmem_shared>>
      tpu.enqueue_dma source(%dma_start3A_232 : memref<160x64xf32, #tpu.memory_space<vmem_shared>>) target(%arg12 : memref<160x64xf32, #tpu.memory_space<vmem>>) target_semaphore(%run_scoped3A : memref<!tpu.dma_semaphore, #tpu.memory_space<semaphore_mem>>)
      %dma_wait3A_233 = arith.constant 0 : i32
      %dma_wait3A_234 = tpu.memref_slice %arg13[%add3A_224, %dma_wait3A_233] : memref<10240x64xf32, #tpu.memory_space<vmem_shared>> -> memref<160x64xf32, #tpu.memory_space<vmem_shared>>
      %dma_wait3A_235 = arith.constant 0 : i32
      %dma_wait3A_236 = tpu.memref_slice %arg13[%add3A_224, %dma_wait3A_235] : memref<10240x64xf32, #tpu.memory_space<vmem_shared>> -> memref<160x64xf32, #tpu.memory_space<vmem_shared>>
      tpu.wait_dma2 semaphore(%run_scoped3A : memref<!tpu.dma_semaphore, #tpu.memory_space<semaphore_mem>>) src(%dma_wait3A_236 : memref<160x64xf32, #tpu.memory_space<vmem_shared>>) dst(%arg12 : memref<160x64xf32, #tpu.memory_space<vmem>>)
      tpu.yield
    }) : () -> ()
    "tpu.region"() ({
      %run_scoped3A = tpu.sem_alloc : memref<!tpu.dma_semaphore, #tpu.memory_space<semaphore_mem>>
      %dma_start3A_229 = arith.constant 0 : i32
      %dma_start3A_230 = tpu.memref_slice %arg5[%arg0, %add3A_224, %dma_start3A_229] : memref<2x10240x64xf32, #tpu.memory_space<hbm>> -> memref<1x160x64xf32, #tpu.memory_space<hbm>>
      %dma_start3A_231 = tpu.memref_squeeze %dma_start3A_230 : memref<1x160x64xf32, #tpu.memory_space<hbm>> -> memref<160x64xf32, #tpu.memory_space<hbm>>
      %dma_start3A_232 = arith.constant 0 : i32
      %dma_start3A_233 = tpu.memref_slice %arg5[%arg0, %add3A_224, %dma_start3A_232] : memref<2x10240x64xf32, #tpu.memory_space<hbm>> -> memref<1x160x64xf32, #tpu.memory_space<hbm>>
      %dma_start3A_234 = tpu.memref_squeeze %dma_start3A_233 : memref<1x160x64xf32, #tpu.memory_space<hbm>> -> memref<160x64xf32, #tpu.memory_space<hbm>>
      tpu.enqueue_dma source(%arg12 : memref<160x64xf32, #tpu.memory_space<vmem>>) target(%dma_start3A_234 : memref<160x64xf32, #tpu.memory_space<hbm>>) target_semaphore(%run_scoped3A : memref<!tpu.dma_semaphore, #tpu.memory_space<semaphore_mem>>)
      %dma_wait3A_235 = arith.constant 0 : i32
      %dma_wait3A_236 = tpu.memref_slice %arg5[%arg0, %add3A_224, %dma_wait3A_235] : memref<2x10240x64xf32, #tpu.memory_space<hbm>> -> memref<1x160x64xf32, #tpu.memory_space<hbm>>
      %dma_wait3A_237 = tpu.memref_squeeze %dma_wait3A_236 : memref<1x160x64xf32, #tpu.memory_space<hbm>> -> memref<160x64xf32, #tpu.memory_space<hbm>>
      %dma_wait3A_238 = arith.constant 0 : i32
      %dma_wait3A_239 = tpu.memref_slice %arg5[%arg0, %add3A_224, %dma_wait3A_238] : memref<2x10240x64xf32, #tpu.memory_space<hbm>> -> memref<1x160x64xf32, #tpu.memory_space<hbm>>
      %dma_wait3A_240 = tpu.memref_squeeze %dma_wait3A_239 : memref<1x160x64xf32, #tpu.memory_space<hbm>> -> memref<160x64xf32, #tpu.memory_space<hbm>>
      tpu.wait_dma2 semaphore(%run_scoped3A : memref<!tpu.dma_semaphore, #tpu.memory_space<semaphore_mem>>) src(%arg12 : memref<160x64xf32, #tpu.memory_space<vmem>>) dst(%dma_wait3A_240 : memref<160x64xf32, #tpu.memory_space<hbm>>)
      tpu.yield
    }) : () -> ()
    %mul3A_225 = arith.constant 640 : i32
    %mul3A_226 = arith.muli %arg1, %mul3A_225 : i32
    %add3A_227 = arith.constant 480 : i32
    %add3A_228 = arith.addi %mul3A_226, %add3A_227 : i32
    "tpu.region"() ({
      %run_scoped3A = tpu.sem_alloc : memref<!tpu.dma_semaphore, #tpu.memory_space<semaphore_mem>>
      %dma_start3A_229 = arith.constant 0 : i32
      %dma_start3A_230 = tpu.memref_slice %arg13[%add3A_228, %dma_start3A_229] : memref<10240x64xf32, #tpu.memory_space<vmem_shared>> -> memref<160x64xf32, #tpu.memory_space<vmem_shared>>
      %dma_start3A_231 = arith.constant 0 : i32
      %dma_start3A_232 = tpu.memref_slice %arg13[%add3A_228, %dma_start3A_231] : memref<10240x64xf32, #tpu.memory_space<vmem_shared>> -> memref<160x64xf32, #tpu.memory_space<vmem_shared>>
      tpu.enqueue_dma source(%dma_start3A_232 : memref<160x64xf32, #tpu.memory_space<vmem_shared>>) target(%arg12 : memref<160x64xf32, #tpu.memory_space<vmem>>) target_semaphore(%run_scoped3A : memref<!tpu.dma_semaphore, #tpu.memory_space<semaphore_mem>>)
      %dma_wait3A_233 = arith.constant 0 : i32
      %dma_wait3A_234 = tpu.memref_slice %arg13[%add3A_228, %dma_wait3A_233] : memref<10240x64xf32, #tpu.memory_space<vmem_shared>> -> memref<160x64xf32, #tpu.memory_space<vmem_shared>>
      %dma_wait3A_235 = arith.constant 0 : i32
      %dma_wait3A_236 = tpu.memref_slice %arg13[%add3A_228, %dma_wait3A_235] : memref<10240x64xf32, #tpu.memory_space<vmem_shared>> -> memref<160x64xf32, #tpu.memory_space<vmem_shared>>
      tpu.wait_dma2 semaphore(%run_scoped3A : memref<!tpu.dma_semaphore, #tpu.memory_space<semaphore_mem>>) src(%dma_wait3A_236 : memref<160x64xf32, #tpu.memory_space<vmem_shared>>) dst(%arg12 : memref<160x64xf32, #tpu.memory_space<vmem>>)
      tpu.yield
    }) : () -> ()
    "tpu.region"() ({
      %run_scoped3A = tpu.sem_alloc : memref<!tpu.dma_semaphore, #tpu.memory_space<semaphore_mem>>
      %dma_start3A_229 = arith.constant 0 : i32
      %dma_start3A_230 = tpu.memref_slice %arg5[%arg0, %add3A_228, %dma_start3A_229] : memref<2x10240x64xf32, #tpu.memory_space<hbm>> -> memref<1x160x64xf32, #tpu.memory_space<hbm>>
      %dma_start3A_231 = tpu.memref_squeeze %dma_start3A_230 : memref<1x160x64xf32, #tpu.memory_space<hbm>> -> memref<160x64xf32, #tpu.memory_space<hbm>>
      %dma_start3A_232 = arith.constant 0 : i32
      %dma_start3A_233 = tpu.memref_slice %arg5[%arg0, %add3A_228, %dma_start3A_232] : memref<2x10240x64xf32, #tpu.memory_space<hbm>> -> memref<1x160x64xf32, #tpu.memory_space<hbm>>
      %dma_start3A_234 = tpu.memref_squeeze %dma_start3A_233 : memref<1x160x64xf32, #tpu.memory_space<hbm>> -> memref<160x64xf32, #tpu.memory_space<hbm>>
      tpu.enqueue_dma source(%arg12 : memref<160x64xf32, #tpu.memory_space<vmem>>) target(%dma_start3A_234 : memref<160x64xf32, #tpu.memory_space<hbm>>) target_semaphore(%run_scoped3A : memref<!tpu.dma_semaphore, #tpu.memory_space<semaphore_mem>>)
      %dma_wait3A_235 = arith.constant 0 : i32
      %dma_wait3A_236 = tpu.memref_slice %arg5[%arg0, %add3A_228, %dma_wait3A_235] : memref<2x10240x64xf32, #tpu.memory_space<hbm>> -> memref<1x160x64xf32, #tpu.memory_space<hbm>>
      %dma_wait3A_237 = tpu.memref_squeeze %dma_wait3A_236 : memref<1x160x64xf32, #tpu.memory_space<hbm>> -> memref<160x64xf32, #tpu.memory_space<hbm>>
      %dma_wait3A_238 = arith.constant 0 : i32
      %dma_wait3A_239 = tpu.memref_slice %arg5[%arg0, %add3A_228, %dma_wait3A_238] : memref<2x10240x64xf32, #tpu.memory_space<hbm>> -> memref<1x160x64xf32, #tpu.memory_space<hbm>>
      %dma_wait3A_240 = tpu.memref_squeeze %dma_wait3A_239 : memref<1x160x64xf32, #tpu.memory_space<hbm>> -> memref<160x64xf32, #tpu.memory_space<hbm>>
      tpu.wait_dma2 semaphore(%run_scoped3A : memref<!tpu.dma_semaphore, #tpu.memory_space<semaphore_mem>>) src(%arg12 : memref<160x64xf32, #tpu.memory_space<vmem>>) dst(%dma_wait3A_240 : memref<160x64xf32, #tpu.memory_space<hbm>>)
      tpu.yield
    }) : () -> ()
    return
  }
}

#map = affine_map<(d0, d1) -> (0, 0)>
#map1 = affine_map<(d0, d1) -> (0, 0, 0)>
module attributes {stable_mosaic.version = 14 : i64} {
  func.func @_deg_kernel(%arg0: i32, %arg1: i32, %arg2: memref<2560x128xi32, #tpu.memory_space<hbm>>, %arg3: memref<2x10240x16xf32, #tpu.memory_space<hbm>>, %arg4: memref<80x128xi32, #tpu.memory_space<vmem>>, %arg5: memref<128x16xf32, #tpu.memory_space<vmem>>, %arg6: memref<640x16xf32, #tpu.memory_space<vmem>>, %arg7: memref<10240x16xf32, #tpu.memory_space<vmem_shared>>, %arg8: memref<!tpu.dma_semaphore, #tpu.memory_space<semaphore_mem>>, %arg9: memref<!tpu.dma_semaphore, #tpu.memory_space<semaphore_mem>>, %arg10: memref<!tpu.dma_semaphore, #tpu.memory_space<semaphore_mem>>, %arg11: memref<!tpu.dma_semaphore, #tpu.memory_space<semaphore_mem>>) attributes {dimension_semantics = [#tpu.dimension_semantics<core_parallel>, #tpu.dimension_semantics<subcore_parallel>], iteration_bounds = array<i64: 2, 16>, scalar_prefetch = 0 : i64, scratch_operands = 8 : i64, tpu.core_type = #tpu.core_type<sc_vector_subcore>, window_params = [{transform_indices = #map}, {transform_indices = #map1}]} {
    %broadcast_in_dim3A = arith.constant 1.000000e+00 : f32
    %broadcast_in_dim3A_0 = vector.broadcast %broadcast_in_dim3A : f32 to vector<16xf32>
    %broadcast_in_dim3A_1 = arith.constant 0.000000e+00 : f32
    %broadcast_in_dim3A_2 = vector.broadcast %broadcast_in_dim3A_1 : f32 to vector<16xf32>
    %scan3A = arith.constant 0 : i32
    %scan3A_3 = arith.constant 0 : i32
    %scan3A_4 = arith.constant 128 : i32
    %scan3A_5 = arith.addi %scan3A_3, %scan3A_4 : i32
    %scan3A_6 = arith.constant 1 : i32
    scf.for %scan3A_92 = %scan3A_3 to %scan3A_5 step %scan3A_6  : i32 {
      %swap3A = arith.index_cast %scan3A_92 : i32 to index
      %swap3A_93 = arith.constant 0 : index
      %swap3A_94 = tpu.vector_load %arg5[%swap3A, %swap3A_93] {strides = array<i32>} : memref<128x16xf32, #tpu.memory_space<vmem>>, vector<1x16xf32>,
      %swap3A_95 = vector.shape_cast %swap3A_94 : vector<1x16xf32> to vector<16xf32>
      %swap3A_96 = vector.shape_cast %broadcast_in_dim3A_0 : vector<16xf32> to vector<1x16xf32>
      tpu.vector_store %arg5[%swap3A, %swap3A_93], %swap3A_96 {strides = array<i32>} : memref<128x16xf32, #tpu.memory_space<vmem>>, vector<1x16xf32>,
    }
    %scan3A_7 = arith.constant 128 : i32
    %scan3A_8 = arith.constant 0 : i32
    %scan3A_9 = arith.constant 0 : i32
    %scan3A_10 = arith.constant 640 : i32
    %scan3A_11 = arith.addi %scan3A_9, %scan3A_10 : i32
    %scan3A_12 = arith.constant 1 : i32
    scf.for %scan3A_92 = %scan3A_9 to %scan3A_11 step %scan3A_12  : i32 {
      %swap3A = arith.index_cast %scan3A_92 : i32 to index
      %swap3A_93 = arith.constant 0 : index
      %swap3A_94 = tpu.vector_load %arg6[%swap3A, %swap3A_93] {strides = array<i32>} : memref<640x16xf32, #tpu.memory_space<vmem>>, vector<1x16xf32>,
      %swap3A_95 = vector.shape_cast %swap3A_94 : vector<1x16xf32> to vector<16xf32>
      %swap3A_96 = vector.shape_cast %broadcast_in_dim3A_2 : vector<16xf32> to vector<1x16xf32>
      tpu.vector_store %arg6[%swap3A, %swap3A_93], %swap3A_96 {strides = array<i32>} : memref<640x16xf32, #tpu.memory_space<vmem>>, vector<1x16xf32>,
    }
    %scan3A_13 = arith.constant 640 : i32
    %mul3A = arith.constant 640 : i32
    %mul3A_14 = arith.muli %arg1, %mul3A : i32
    "tpu.region"() ({
      %run_scoped3A = tpu.sem_alloc : memref<!tpu.dma_semaphore, #tpu.memory_space<semaphore_mem>>
      %dma_start3A_92 = arith.constant 0 : i32
      %dma_start3A_93 = tpu.memref_slice %arg7[%mul3A_14, %dma_start3A_92] : memref<10240x16xf32, #tpu.memory_space<vmem_shared>> -> memref<640x16xf32, #tpu.memory_space<vmem_shared>>
      %dma_start3A_94 = arith.constant 0 : i32
      %dma_start3A_95 = tpu.memref_slice %arg7[%mul3A_14, %dma_start3A_94] : memref<10240x16xf32, #tpu.memory_space<vmem_shared>> -> memref<640x16xf32, #tpu.memory_space<vmem_shared>>
      tpu.enqueue_dma source(%arg6 : memref<640x16xf32, #tpu.memory_space<vmem>>) target(%dma_start3A_95 : memref<640x16xf32, #tpu.memory_space<vmem_shared>>) target_semaphore(%run_scoped3A : memref<!tpu.dma_semaphore, #tpu.memory_space<semaphore_mem>>)
      %dma_wait3A_96 = arith.constant 0 : i32
      %dma_wait3A_97 = tpu.memref_slice %arg7[%mul3A_14, %dma_wait3A_96] : memref<10240x16xf32, #tpu.memory_space<vmem_shared>> -> memref<640x16xf32, #tpu.memory_space<vmem_shared>>
      %dma_wait3A_98 = arith.constant 0 : i32
      %dma_wait3A_99 = tpu.memref_slice %arg7[%mul3A_14, %dma_wait3A_98] : memref<10240x16xf32, #tpu.memory_space<vmem_shared>> -> memref<640x16xf32, #tpu.memory_space<vmem_shared>>
      tpu.wait_dma2 semaphore(%run_scoped3A : memref<!tpu.dma_semaphore, #tpu.memory_space<semaphore_mem>>) src(%arg6 : memref<640x16xf32, #tpu.memory_space<vmem>>) dst(%dma_wait3A_99 : memref<640x16xf32, #tpu.memory_space<vmem_shared>>)
      tpu.yield
    }) : () -> ()
    %barrier3A = arith.constant 0 : index
    tpu.barrier barrier_id(%barrier3A)
    %mul3A_15 = arith.constant 16 : i32
    %mul3A_16 = arith.muli %arg0, %mul3A_15 : i32
    %add3A = arith.addi %mul3A_16, %arg1 : i32
    %mul3A_17 = arith.constant 80 : i32
    %mul3A_18 = arith.muli %add3A, %mul3A_17 : i32
    "tpu.region"() ({
      %run_scoped3A = tpu.sem_alloc : memref<!tpu.dma_semaphore, #tpu.memory_space<semaphore_mem>>
      %dma_start3A_92 = arith.constant 0 : i32
      %dma_start3A_93 = tpu.memref_slice %arg2[%mul3A_18, %dma_start3A_92] : memref<2560x128xi32, #tpu.memory_space<hbm>> -> memref<80x128xi32, #tpu.memory_space<hbm>>
      %dma_start3A_94 = arith.constant 0 : i32
      %dma_start3A_95 = tpu.memref_slice %arg2[%mul3A_18, %dma_start3A_94] : memref<2560x128xi32, #tpu.memory_space<hbm>> -> memref<80x128xi32, #tpu.memory_space<hbm>>
      tpu.enqueue_dma source(%dma_start3A_95 : memref<80x128xi32, #tpu.memory_space<hbm>>) target(%arg4 : memref<80x128xi32, #tpu.memory_space<vmem>>) target_semaphore(%run_scoped3A : memref<!tpu.dma_semaphore, #tpu.memory_space<semaphore_mem>>)
      %dma_wait3A_96 = arith.constant 0 : i32
      %dma_wait3A_97 = tpu.memref_slice %arg2[%mul3A_18, %dma_wait3A_96] : memref<2560x128xi32, #tpu.memory_space<hbm>> -> memref<80x128xi32, #tpu.memory_space<hbm>>
      %dma_wait3A_98 = arith.constant 0 : i32
      %dma_wait3A_99 = tpu.memref_slice %arg2[%mul3A_18, %dma_wait3A_98] : memref<2560x128xi32, #tpu.memory_space<hbm>> -> memref<80x128xi32, #tpu.memory_space<hbm>>
      tpu.wait_dma2 semaphore(%run_scoped3A : memref<!tpu.dma_semaphore, #tpu.memory_space<semaphore_mem>>) src(%dma_wait3A_99 : memref<80x128xi32, #tpu.memory_space<hbm>>) dst(%arg4 : memref<80x128xi32, #tpu.memory_space<vmem>>)
      tpu.yield
    }) : () -> ()
    %dma_start3A = arith.constant 0 : i32
    %dma_start3A_19 = arith.constant 0 : i32
    %dma_start3A_20 = tpu.memref_slice %arg4[%dma_start3A, %dma_start3A_19] : memref<80x128xi32, #tpu.memory_space<vmem>> -> memref<1x128xi32, #tpu.memory_space<vmem>>
    %dma_start3A_21 = tpu.memref_squeeze %dma_start3A_20 : memref<1x128xi32, #tpu.memory_space<vmem>> -> memref<128xi32, #tpu.memory_space<vmem>>
    %dma_start3A_22 = arith.constant 0 : i32
    %dma_start3A_23 = arith.constant 0 : i32
    %dma_start3A_24 = tpu.memref_slice %arg7[%dma_start3A_22, %dma_start3A_23] : memref<10240x16xf32, #tpu.memory_space<vmem_shared>> -> memref<10240x16xf32, #tpu.memory_space<vmem_shared>>
    tpu.enqueue_indirect_dma source(%arg5 : memref<128x16xf32, #tpu.memory_space<vmem>>) target(%dma_start3A_24 : memref<10240x16xf32, #tpu.memory_space<vmem_shared>>) offsets(%dma_start3A_21 : memref<128xi32, #tpu.memory_space<vmem>>) semaphore(%arg8 : memref<!tpu.dma_semaphore, #tpu.memory_space<semaphore_mem>>) {add = true}
    %dma_start3A_25 = arith.constant 1 : i32
    %dma_start3A_26 = arith.constant 0 : i32
    %dma_start3A_27 = tpu.memref_slice %arg4[%dma_start3A_25, %dma_start3A_26] : memref<80x128xi32, #tpu.memory_space<vmem>> -> memref<1x128xi32, #tpu.memory_space<vmem>>
    %dma_start3A_28 = tpu.memref_squeeze %dma_start3A_27 : memref<1x128xi32, #tpu.memory_space<vmem>> -> memref<128xi32, #tpu.memory_space<vmem>>
    %dma_start3A_29 = arith.constant 0 : i32
    %dma_start3A_30 = arith.constant 0 : i32
    %dma_start3A_31 = tpu.memref_slice %arg7[%dma_start3A_29, %dma_start3A_30] : memref<10240x16xf32, #tpu.memory_space<vmem_shared>> -> memref<10240x16xf32, #tpu.memory_space<vmem_shared>>
    tpu.enqueue_indirect_dma source(%arg5 : memref<128x16xf32, #tpu.memory_space<vmem>>) target(%dma_start3A_31 : memref<10240x16xf32, #tpu.memory_space<vmem_shared>>) offsets(%dma_start3A_28 : memref<128xi32, #tpu.memory_space<vmem>>) semaphore(%arg9 : memref<!tpu.dma_semaphore, #tpu.memory_space<semaphore_mem>>) {add = true}
    %dma_start3A_32 = arith.constant 2 : i32
    %dma_start3A_33 = arith.constant 0 : i32
    %dma_start3A_34 = tpu.memref_slice %arg4[%dma_start3A_32, %dma_start3A_33] : memref<80x128xi32, #tpu.memory_space<vmem>> -> memref<1x128xi32, #tpu.memory_space<vmem>>
    %dma_start3A_35 = tpu.memref_squeeze %dma_start3A_34 : memref<1x128xi32, #tpu.memory_space<vmem>> -> memref<128xi32, #tpu.memory_space<vmem>>
    %dma_start3A_36 = arith.constant 0 : i32
    %dma_start3A_37 = arith.constant 0 : i32
    %dma_start3A_38 = tpu.memref_slice %arg7[%dma_start3A_36, %dma_start3A_37] : memref<10240x16xf32, #tpu.memory_space<vmem_shared>> -> memref<10240x16xf32, #tpu.memory_space<vmem_shared>>
    tpu.enqueue_indirect_dma source(%arg5 : memref<128x16xf32, #tpu.memory_space<vmem>>) target(%dma_start3A_38 : memref<10240x16xf32, #tpu.memory_space<vmem_shared>>) offsets(%dma_start3A_35 : memref<128xi32, #tpu.memory_space<vmem>>) semaphore(%arg10 : memref<!tpu.dma_semaphore, #tpu.memory_space<semaphore_mem>>) {add = true}
    %dma_start3A_39 = arith.constant 3 : i32
    %dma_start3A_40 = arith.constant 0 : i32
    %dma_start3A_41 = tpu.memref_slice %arg4[%dma_start3A_39, %dma_start3A_40] : memref<80x128xi32, #tpu.memory_space<vmem>> -> memref<1x128xi32, #tpu.memory_space<vmem>>
    %dma_start3A_42 = tpu.memref_squeeze %dma_start3A_41 : memref<1x128xi32, #tpu.memory_space<vmem>> -> memref<128xi32, #tpu.memory_space<vmem>>
    %dma_start3A_43 = arith.constant 0 : i32
    %dma_start3A_44 = arith.constant 0 : i32
    %dma_start3A_45 = tpu.memref_slice %arg7[%dma_start3A_43, %dma_start3A_44] : memref<10240x16xf32, #tpu.memory_space<vmem_shared>> -> memref<10240x16xf32, #tpu.memory_space<vmem_shared>>
    tpu.enqueue_indirect_dma source(%arg5 : memref<128x16xf32, #tpu.memory_space<vmem>>) target(%dma_start3A_45 : memref<10240x16xf32, #tpu.memory_space<vmem_shared>>) offsets(%dma_start3A_42 : memref<128xi32, #tpu.memory_space<vmem>>) semaphore(%arg11 : memref<!tpu.dma_semaphore, #tpu.memory_space<semaphore_mem>>) {add = true}
    %scan3A_46 = arith.constant 0 : i32
    %scan3A_47 = arith.constant 1 : i32
    %scan3A_48 = arith.constant 19 : i32
    %scan3A_49 = arith.addi %scan3A_47, %scan3A_48 : i32
    %scan3A_50 = arith.constant 1 : i32
    scf.for %scan3A_92 = %scan3A_47 to %scan3A_49 step %scan3A_50  : i32 {
      %dma_wait3A_93 = arith.constant 0 : i32
      %dma_wait3A_94 = arith.constant 0 : i32
      %dma_wait3A_95 = arith.constant 0 : i32
      %dma_wait3A_96 = tpu.memref_slice %arg3[%dma_wait3A_93, %dma_wait3A_94, %dma_wait3A_95] : memref<2x10240x16xf32, #tpu.memory_space<hbm>> -> memref<1x128x16xf32, #tpu.memory_space<hbm>>
      %dma_wait3A_97 = tpu.memref_squeeze %dma_wait3A_96 : memref<1x128x16xf32, #tpu.memory_space<hbm>> -> memref<128x16xf32, #tpu.memory_space<hbm>>
      %dma_wait3A_98 = arith.constant 0 : i32
      %dma_wait3A_99 = arith.constant 0 : i32
      %dma_wait3A_100 = tpu.memref_slice %arg3[%dma_wait3A_93, %dma_wait3A_98, %dma_wait3A_99] : memref<2x10240x16xf32, #tpu.memory_space<hbm>> -> memref<1x128x16xf32, #tpu.memory_space<hbm>>
      %dma_wait3A_101 = tpu.memref_squeeze %dma_wait3A_100 : memref<1x128x16xf32, #tpu.memory_space<hbm>> -> memref<128x16xf32, #tpu.memory_space<hbm>>
      tpu.wait_dma2 semaphore(%arg8 : memref<!tpu.dma_semaphore, #tpu.memory_space<semaphore_mem>>) src(%dma_wait3A_101 : memref<128x16xf32, #tpu.memory_space<hbm>>) dst(%arg5 : memref<128x16xf32, #tpu.memory_space<vmem>>)
      %mul3A_102 = arith.constant 4 : i32
      %mul3A_103 = arith.muli %scan3A_92, %mul3A_102 : i32
      %add3A_104 = arith.constant 0 : i32
      %add3A_105 = arith.addi %mul3A_103, %add3A_104 : i32
      %dma_start3A_106 = arith.constant 0 : i32
      %dma_start3A_107 = tpu.memref_slice %arg4[%add3A_105, %dma_start3A_106] : memref<80x128xi32, #tpu.memory_space<vmem>> -> memref<1x128xi32, #tpu.memory_space<vmem>>
      %dma_start3A_108 = tpu.memref_squeeze %dma_start3A_107 : memref<1x128xi32, #tpu.memory_space<vmem>> -> memref<128xi32, #tpu.memory_space<vmem>>
      %dma_start3A_109 = arith.constant 0 : i32
      %dma_start3A_110 = arith.constant 0 : i32
      %dma_start3A_111 = tpu.memref_slice %arg7[%dma_start3A_109, %dma_start3A_110] : memref<10240x16xf32, #tpu.memory_space<vmem_shared>> -> memref<10240x16xf32, #tpu.memory_space<vmem_shared>>
      tpu.enqueue_indirect_dma source(%arg5 : memref<128x16xf32, #tpu.memory_space<vmem>>) target(%dma_start3A_111 : memref<10240x16xf32, #tpu.memory_space<vmem_shared>>) offsets(%dma_start3A_108 : memref<128xi32, #tpu.memory_space<vmem>>) semaphore(%arg8 : memref<!tpu.dma_semaphore, #tpu.memory_space<semaphore_mem>>) {add = true}
      %dma_wait3A_112 = arith.constant 0 : i32
      %dma_wait3A_113 = arith.constant 0 : i32
      %dma_wait3A_114 = arith.constant 0 : i32
      %dma_wait3A_115 = tpu.memref_slice %arg3[%dma_wait3A_112, %dma_wait3A_113, %dma_wait3A_114] : memref<2x10240x16xf32, #tpu.memory_space<hbm>> -> memref<1x128x16xf32, #tpu.memory_space<hbm>>
      %dma_wait3A_116 = tpu.memref_squeeze %dma_wait3A_115 : memref<1x128x16xf32, #tpu.memory_space<hbm>> -> memref<128x16xf32, #tpu.memory_space<hbm>>
      %dma_wait3A_117 = arith.constant 0 : i32
      %dma_wait3A_118 = arith.constant 0 : i32
      %dma_wait3A_119 = tpu.memref_slice %arg3[%dma_wait3A_112, %dma_wait3A_117, %dma_wait3A_118] : memref<2x10240x16xf32, #tpu.memory_space<hbm>> -> memref<1x128x16xf32, #tpu.memory_space<hbm>>
      %dma_wait3A_120 = tpu.memref_squeeze %dma_wait3A_119 : memref<1x128x16xf32, #tpu.memory_space<hbm>> -> memref<128x16xf32, #tpu.memory_space<hbm>>
      tpu.wait_dma2 semaphore(%arg9 : memref<!tpu.dma_semaphore, #tpu.memory_space<semaphore_mem>>) src(%dma_wait3A_120 : memref<128x16xf32, #tpu.memory_space<hbm>>) dst(%arg5 : memref<128x16xf32, #tpu.memory_space<vmem>>)
      %mul3A_121 = arith.constant 4 : i32
      %mul3A_122 = arith.muli %scan3A_92, %mul3A_121 : i32
      %add3A_123 = arith.constant 1 : i32
      %add3A_124 = arith.addi %mul3A_122, %add3A_123 : i32
      %dma_start3A_125 = arith.constant 0 : i32
      %dma_start3A_126 = tpu.memref_slice %arg4[%add3A_124, %dma_start3A_125] : memref<80x128xi32, #tpu.memory_space<vmem>> -> memref<1x128xi32, #tpu.memory_space<vmem>>
      %dma_start3A_127 = tpu.memref_squeeze %dma_start3A_126 : memref<1x128xi32, #tpu.memory_space<vmem>> -> memref<128xi32, #tpu.memory_space<vmem>>
      %dma_start3A_128 = arith.constant 0 : i32
      %dma_start3A_129 = arith.constant 0 : i32
      %dma_start3A_130 = tpu.memref_slice %arg7[%dma_start3A_128, %dma_start3A_129] : memref<10240x16xf32, #tpu.memory_space<vmem_shared>> -> memref<10240x16xf32, #tpu.memory_space<vmem_shared>>
      tpu.enqueue_indirect_dma source(%arg5 : memref<128x16xf32, #tpu.memory_space<vmem>>) target(%dma_start3A_130 : memref<10240x16xf32, #tpu.memory_space<vmem_shared>>) offsets(%dma_start3A_127 : memref<128xi32, #tpu.memory_space<vmem>>) semaphore(%arg9 : memref<!tpu.dma_semaphore, #tpu.memory_space<semaphore_mem>>) {add = true}
      %dma_wait3A_131 = arith.constant 0 : i32
      %dma_wait3A_132 = arith.constant 0 : i32
      %dma_wait3A_133 = arith.constant 0 : i32
      %dma_wait3A_134 = tpu.memref_slice %arg3[%dma_wait3A_131, %dma_wait3A_132, %dma_wait3A_133] : memref<2x10240x16xf32, #tpu.memory_space<hbm>> -> memref<1x128x16xf32, #tpu.memory_space<hbm>>
      %dma_wait3A_135 = tpu.memref_squeeze %dma_wait3A_134 : memref<1x128x16xf32, #tpu.memory_space<hbm>> -> memref<128x16xf32, #tpu.memory_space<hbm>>
      %dma_wait3A_136 = arith.constant 0 : i32
      %dma_wait3A_137 = arith.constant 0 : i32
      %dma_wait3A_138 = tpu.memref_slice %arg3[%dma_wait3A_131, %dma_wait3A_136, %dma_wait3A_137] : memref<2x10240x16xf32, #tpu.memory_space<hbm>> -> memref<1x128x16xf32, #tpu.memory_space<hbm>>
      %dma_wait3A_139 = tpu.memref_squeeze %dma_wait3A_138 : memref<1x128x16xf32, #tpu.memory_space<hbm>> -> memref<128x16xf32, #tpu.memory_space<hbm>>
      tpu.wait_dma2 semaphore(%arg10 : memref<!tpu.dma_semaphore, #tpu.memory_space<semaphore_mem>>) src(%dma_wait3A_139 : memref<128x16xf32, #tpu.memory_space<hbm>>) dst(%arg5 : memref<128x16xf32, #tpu.memory_space<vmem>>)
      %mul3A_140 = arith.constant 4 : i32
      %mul3A_141 = arith.muli %scan3A_92, %mul3A_140 : i32
      %add3A_142 = arith.constant 2 : i32
      %add3A_143 = arith.addi %mul3A_141, %add3A_142 : i32
      %dma_start3A_144 = arith.constant 0 : i32
      %dma_start3A_145 = tpu.memref_slice %arg4[%add3A_143, %dma_start3A_144] : memref<80x128xi32, #tpu.memory_space<vmem>> -> memref<1x128xi32, #tpu.memory_space<vmem>>
      %dma_start3A_146 = tpu.memref_squeeze %dma_start3A_145 : memref<1x128xi32, #tpu.memory_space<vmem>> -> memref<128xi32, #tpu.memory_space<vmem>>
      %dma_start3A_147 = arith.constant 0 : i32
      %dma_start3A_148 = arith.constant 0 : i32
      %dma_start3A_149 = tpu.memref_slice %arg7[%dma_start3A_147, %dma_start3A_148] : memref<10240x16xf32, #tpu.memory_space<vmem_shared>> -> memref<10240x16xf32, #tpu.memory_space<vmem_shared>>
      tpu.enqueue_indirect_dma source(%arg5 : memref<128x16xf32, #tpu.memory_space<vmem>>) target(%dma_start3A_149 : memref<10240x16xf32, #tpu.memory_space<vmem_shared>>) offsets(%dma_start3A_146 : memref<128xi32, #tpu.memory_space<vmem>>) semaphore(%arg10 : memref<!tpu.dma_semaphore, #tpu.memory_space<semaphore_mem>>) {add = true}
      %dma_wait3A_150 = arith.constant 0 : i32
      %dma_wait3A_151 = arith.constant 0 : i32
      %dma_wait3A_152 = arith.constant 0 : i32
      %dma_wait3A_153 = tpu.memref_slice %arg3[%dma_wait3A_150, %dma_wait3A_151, %dma_wait3A_152] : memref<2x10240x16xf32, #tpu.memory_space<hbm>> -> memref<1x128x16xf32, #tpu.memory_space<hbm>>
      %dma_wait3A_154 = tpu.memref_squeeze %dma_wait3A_153 : memref<1x128x16xf32, #tpu.memory_space<hbm>> -> memref<128x16xf32, #tpu.memory_space<hbm>>
      %dma_wait3A_155 = arith.constant 0 : i32
      %dma_wait3A_156 = arith.constant 0 : i32
      %dma_wait3A_157 = tpu.memref_slice %arg3[%dma_wait3A_150, %dma_wait3A_155, %dma_wait3A_156] : memref<2x10240x16xf32, #tpu.memory_space<hbm>> -> memref<1x128x16xf32, #tpu.memory_space<hbm>>
      %dma_wait3A_158 = tpu.memref_squeeze %dma_wait3A_157 : memref<1x128x16xf32, #tpu.memory_space<hbm>> -> memref<128x16xf32, #tpu.memory_space<hbm>>
      tpu.wait_dma2 semaphore(%arg11 : memref<!tpu.dma_semaphore, #tpu.memory_space<semaphore_mem>>) src(%dma_wait3A_158 : memref<128x16xf32, #tpu.memory_space<hbm>>) dst(%arg5 : memref<128x16xf32, #tpu.memory_space<vmem>>)
      %mul3A_159 = arith.constant 4 : i32
      %mul3A_160 = arith.muli %scan3A_92, %mul3A_159 : i32
      %add3A_161 = arith.constant 3 : i32
      %add3A_162 = arith.addi %mul3A_160, %add3A_161 : i32
      %dma_start3A_163 = arith.constant 0 : i32
      %dma_start3A_164 = tpu.memref_slice %arg4[%add3A_162, %dma_start3A_163] : memref<80x128xi32, #tpu.memory_space<vmem>> -> memref<1x128xi32, #tpu.memory_space<vmem>>
      %dma_start3A_165 = tpu.memref_squeeze %dma_start3A_164 : memref<1x128xi32, #tpu.memory_space<vmem>> -> memref<128xi32, #tpu.memory_space<vmem>>
      %dma_start3A_166 = arith.constant 0 : i32
      %dma_start3A_167 = arith.constant 0 : i32
      %dma_start3A_168 = tpu.memref_slice %arg7[%dma_start3A_166, %dma_start3A_167] : memref<10240x16xf32, #tpu.memory_space<vmem_shared>> -> memref<10240x16xf32, #tpu.memory_space<vmem_shared>>
      tpu.enqueue_indirect_dma source(%arg5 : memref<128x16xf32, #tpu.memory_space<vmem>>) target(%dma_start3A_168 : memref<10240x16xf32, #tpu.memory_space<vmem_shared>>) offsets(%dma_start3A_165 : memref<128xi32, #tpu.memory_space<vmem>>) semaphore(%arg11 : memref<!tpu.dma_semaphore, #tpu.memory_space<semaphore_mem>>) {add = true}
    }
    %scan3A_51 = arith.constant 19 : i32
    %dma_wait3A = arith.constant 0 : i32
    %dma_wait3A_52 = arith.constant 0 : i32
    %dma_wait3A_53 = arith.constant 0 : i32
    %dma_wait3A_54 = tpu.memref_slice %arg3[%dma_wait3A, %dma_wait3A_52, %dma_wait3A_53] : memref<2x10240x16xf32, #tpu.memory_space<hbm>> -> memref<1x128x16xf32, #tpu.memory_space<hbm>>
    %dma_wait3A_55 = tpu.memref_squeeze %dma_wait3A_54 : memref<1x128x16xf32, #tpu.memory_space<hbm>> -> memref<128x16xf32, #tpu.memory_space<hbm>>
    %dma_wait3A_56 = arith.constant 0 : i32
    %dma_wait3A_57 = arith.constant 0 : i32
    %dma_wait3A_58 = tpu.memref_slice %arg3[%dma_wait3A, %dma_wait3A_56, %dma_wait3A_57] : memref<2x10240x16xf32, #tpu.memory_space<hbm>> -> memref<1x128x16xf32, #tpu.memory_space<hbm>>
    %dma_wait3A_59 = tpu.memref_squeeze %dma_wait3A_58 : memref<1x128x16xf32, #tpu.memory_space<hbm>> -> memref<128x16xf32, #tpu.memory_space<hbm>>
    tpu.wait_dma2 semaphore(%arg8 : memref<!tpu.dma_semaphore, #tpu.memory_space<semaphore_mem>>) src(%dma_wait3A_59 : memref<128x16xf32, #tpu.memory_space<hbm>>) dst(%arg5 : memref<128x16xf32, #tpu.memory_space<vmem>>)
    %dma_wait3A_60 = arith.constant 0 : i32
    %dma_wait3A_61 = arith.constant 0 : i32
    %dma_wait3A_62 = arith.constant 0 : i32
    %dma_wait3A_63 = tpu.memref_slice %arg3[%dma_wait3A_60, %dma_wait3A_61, %dma_wait3A_62] : memref<2x10240x16xf32, #tpu.memory_space<hbm>> -> memref<1x128x16xf32, #tpu.memory_space<hbm>>
    %dma_wait3A_64 = tpu.memref_squeeze %dma_wait3A_63 : memref<1x128x16xf32, #tpu.memory_space<hbm>> -> memref<128x16xf32, #tpu.memory_space<hbm>>
    %dma_wait3A_65 = arith.constant 0 : i32
    %dma_wait3A_66 = arith.constant 0 : i32
    %dma_wait3A_67 = tpu.memref_slice %arg3[%dma_wait3A_60, %dma_wait3A_65, %dma_wait3A_66] : memref<2x10240x16xf32, #tpu.memory_space<hbm>> -> memref<1x128x16xf32, #tpu.memory_space<hbm>>
    %dma_wait3A_68 = tpu.memref_squeeze %dma_wait3A_67 : memref<1x128x16xf32, #tpu.memory_space<hbm>> -> memref<128x16xf32, #tpu.memory_space<hbm>>
    tpu.wait_dma2 semaphore(%arg9 : memref<!tpu.dma_semaphore, #tpu.memory_space<semaphore_mem>>) src(%dma_wait3A_68 : memref<128x16xf32, #tpu.memory_space<hbm>>) dst(%arg5 : memref<128x16xf32, #tpu.memory_space<vmem>>)
    %dma_wait3A_69 = arith.constant 0 : i32
    %dma_wait3A_70 = arith.constant 0 : i32
    %dma_wait3A_71 = arith.constant 0 : i32
    %dma_wait3A_72 = tpu.memref_slice %arg3[%dma_wait3A_69, %dma_wait3A_70, %dma_wait3A_71] : memref<2x10240x16xf32, #tpu.memory_space<hbm>> -> memref<1x128x16xf32, #tpu.memory_space<hbm>>
    %dma_wait3A_73 = tpu.memref_squeeze %dma_wait3A_72 : memref<1x128x16xf32, #tpu.memory_space<hbm>> -> memref<128x16xf32, #tpu.memory_space<hbm>>
    %dma_wait3A_74 = arith.constant 0 : i32
    %dma_wait3A_75 = arith.constant 0 : i32
    %dma_wait3A_76 = tpu.memref_slice %arg3[%dma_wait3A_69, %dma_wait3A_74, %dma_wait3A_75] : memref<2x10240x16xf32, #tpu.memory_space<hbm>> -> memref<1x128x16xf32, #tpu.memory_space<hbm>>
    %dma_wait3A_77 = tpu.memref_squeeze %dma_wait3A_76 : memref<1x128x16xf32, #tpu.memory_space<hbm>> -> memref<128x16xf32, #tpu.memory_space<hbm>>
    tpu.wait_dma2 semaphore(%arg10 : memref<!tpu.dma_semaphore, #tpu.memory_space<semaphore_mem>>) src(%dma_wait3A_77 : memref<128x16xf32, #tpu.memory_space<hbm>>) dst(%arg5 : memref<128x16xf32, #tpu.memory_space<vmem>>)
    %dma_wait3A_78 = arith.constant 0 : i32
    %dma_wait3A_79 = arith.constant 0 : i32
    %dma_wait3A_80 = arith.constant 0 : i32
    %dma_wait3A_81 = tpu.memref_slice %arg3[%dma_wait3A_78, %dma_wait3A_79, %dma_wait3A_80] : memref<2x10240x16xf32, #tpu.memory_space<hbm>> -> memref<1x128x16xf32, #tpu.memory_space<hbm>>
    %dma_wait3A_82 = tpu.memref_squeeze %dma_wait3A_81 : memref<1x128x16xf32, #tpu.memory_space<hbm>> -> memref<128x16xf32, #tpu.memory_space<hbm>>
    %dma_wait3A_83 = arith.constant 0 : i32
    %dma_wait3A_84 = arith.constant 0 : i32
    %dma_wait3A_85 = tpu.memref_slice %arg3[%dma_wait3A_78, %dma_wait3A_83, %dma_wait3A_84] : memref<2x10240x16xf32, #tpu.memory_space<hbm>> -> memref<1x128x16xf32, #tpu.memory_space<hbm>>
    %dma_wait3A_86 = tpu.memref_squeeze %dma_wait3A_85 : memref<1x128x16xf32, #tpu.memory_space<hbm>> -> memref<128x16xf32, #tpu.memory_space<hbm>>
    tpu.wait_dma2 semaphore(%arg11 : memref<!tpu.dma_semaphore, #tpu.memory_space<semaphore_mem>>) src(%dma_wait3A_86 : memref<128x16xf32, #tpu.memory_space<hbm>>) dst(%arg5 : memref<128x16xf32, #tpu.memory_space<vmem>>)
    %barrier3A_87 = arith.constant 0 : index
    tpu.barrier barrier_id(%barrier3A_87)
    %mul3A_88 = arith.constant 640 : i32
    %mul3A_89 = arith.muli %arg1, %mul3A_88 : i32
    "tpu.region"() ({
      %run_scoped3A = tpu.sem_alloc : memref<!tpu.dma_semaphore, #tpu.memory_space<semaphore_mem>>
      %dma_start3A_92 = arith.constant 0 : i32
      %dma_start3A_93 = tpu.memref_slice %arg7[%mul3A_89, %dma_start3A_92] : memref<10240x16xf32, #tpu.memory_space<vmem_shared>> -> memref<640x16xf32, #tpu.memory_space<vmem_shared>>
      %dma_start3A_94 = arith.constant 0 : i32
      %dma_start3A_95 = tpu.memref_slice %arg7[%mul3A_89, %dma_start3A_94] : memref<10240x16xf32, #tpu.memory_space<vmem_shared>> -> memref<640x16xf32, #tpu.memory_space<vmem_shared>>
      tpu.enqueue_dma source(%dma_start3A_95 : memref<640x16xf32, #tpu.memory_space<vmem_shared>>) target(%arg6 : memref<640x16xf32, #tpu.memory_space<vmem>>) target_semaphore(%run_scoped3A : memref<!tpu.dma_semaphore, #tpu.memory_space<semaphore_mem>>)
      %dma_wait3A_96 = arith.constant 0 : i32
      %dma_wait3A_97 = tpu.memref_slice %arg7[%mul3A_89, %dma_wait3A_96] : memref<10240x16xf32, #tpu.memory_space<vmem_shared>> -> memref<640x16xf32, #tpu.memory_space<vmem_shared>>
      %dma_wait3A_98 = arith.constant 0 : i32
      %dma_wait3A_99 = tpu.memref_slice %arg7[%mul3A_89, %dma_wait3A_98] : memref<10240x16xf32, #tpu.memory_space<vmem_shared>> -> memref<640x16xf32, #tpu.memory_space<vmem_shared>>
      tpu.wait_dma2 semaphore(%run_scoped3A : memref<!tpu.dma_semaphore, #tpu.memory_space<semaphore_mem>>) src(%dma_wait3A_99 : memref<640x16xf32, #tpu.memory_space<vmem_shared>>) dst(%arg6 : memref<640x16xf32, #tpu.memory_space<vmem>>)
      tpu.yield
    }) : () -> ()
    %mul3A_90 = arith.constant 640 : i32
    %mul3A_91 = arith.muli %arg1, %mul3A_90 : i32
    "tpu.region"() ({
      %run_scoped3A = tpu.sem_alloc : memref<!tpu.dma_semaphore, #tpu.memory_space<semaphore_mem>>
      %dma_start3A_92 = arith.constant 0 : i32
      %dma_start3A_93 = tpu.memref_slice %arg3[%arg0, %mul3A_91, %dma_start3A_92] : memref<2x10240x16xf32, #tpu.memory_space<hbm>> -> memref<1x640x16xf32, #tpu.memory_space<hbm>>
      %dma_start3A_94 = tpu.memref_squeeze %dma_start3A_93 : memref<1x640x16xf32, #tpu.memory_space<hbm>> -> memref<640x16xf32, #tpu.memory_space<hbm>>
      %dma_start3A_95 = arith.constant 0 : i32
      %dma_start3A_96 = tpu.memref_slice %arg3[%arg0, %mul3A_91, %dma_start3A_95] : memref<2x10240x16xf32, #tpu.memory_space<hbm>> -> memref<1x640x16xf32, #tpu.memory_space<hbm>>
      %dma_start3A_97 = tpu.memref_squeeze %dma_start3A_96 : memref<1x640x16xf32, #tpu.memory_space<hbm>> -> memref<640x16xf32, #tpu.memory_space<hbm>>
      tpu.enqueue_dma source(%arg6 : memref<640x16xf32, #tpu.memory_space<vmem>>) target(%dma_start3A_97 : memref<640x16xf32, #tpu.memory_space<hbm>>) target_semaphore(%run_scoped3A : memref<!tpu.dma_semaphore, #tpu.memory_space<semaphore_mem>>)
      %dma_wait3A_98 = arith.constant 0 : i32
      %dma_wait3A_99 = tpu.memref_slice %arg3[%arg0, %mul3A_91, %dma_wait3A_98] : memref<2x10240x16xf32, #tpu.memory_space<hbm>> -> memref<1x640x16xf32, #tpu.memory_space<hbm>>
      %dma_wait3A_100 = tpu.memref_squeeze %dma_wait3A_99 : memref<1x640x16xf32, #tpu.memory_space<hbm>> -> memref<640x16xf32, #tpu.memory_space<hbm>>
      %dma_wait3A_101 = arith.constant 0 : i32
      %dma_wait3A_102 = tpu.memref_slice %arg3[%arg0, %mul3A_91, %dma_wait3A_101] : memref<2x10240x16xf32, #tpu.memory_space<hbm>> -> memref<1x640x16xf32, #tpu.memory_space<hbm>>
      %dma_wait3A_103 = tpu.memref_squeeze %dma_wait3A_102 : memref<1x640x16xf32, #tpu.memory_space<hbm>> -> memref<640x16xf32, #tpu.memory_space<hbm>>
      tpu.wait_dma2 semaphore(%run_scoped3A : memref<!tpu.dma_semaphore, #tpu.memory_space<semaphore_mem>>) src(%arg6 : memref<640x16xf32, #tpu.memory_space<vmem>>) dst(%dma_wait3A_103 : memref<640x16xf32, #tpu.memory_space<hbm>>)
      tpu.yield
    }) : () -> ()
    return
  }
}

#map = affine_map<(d0, d1) -> (0, 0, 0)>
#map1 = affine_map<(d0, d1) -> (0, 0)>
module attributes {stable_mosaic.version = 14 : i64} {
  func.func @_agg_kernel(%arg0: i32, %arg1: i32, %arg2: memref<2x10240x64xf32, #tpu.memory_space<hbm>>, %arg3: memref<2560x128xi32, #tpu.memory_space<hbm>>, %arg4: memref<2560x128xi32, #tpu.memory_space<hbm>>, %arg5: memref<2x10240x64xf32, #tpu.memory_space<hbm>>, %arg6: memref<160x128xi32, #tpu.memory_space<vmem>>, %arg7: memref<160x128xi32, #tpu.memory_space<vmem>>, %arg8: memref<128x64xf32, #tpu.memory_space<vmem>>, %arg9: memref<128x64xf32, #tpu.memory_space<vmem>>, %arg10: memref<128x64xf32, #tpu.memory_space<vmem>>, %arg11: memref<128x64xf32, #tpu.memory_space<vmem>>, %arg12: memref<160x64xf32, #tpu.memory_space<vmem>>, %arg13: memref<10240x64xf32, #tpu.memory_space<vmem_shared>>, %arg14: memref<!tpu.dma_semaphore, #tpu.memory_space<semaphore_mem>>, %arg15: memref<!tpu.dma_semaphore, #tpu.memory_space<semaphore_mem>>, %arg16: memref<!tpu.dma_semaphore, #tpu.memory_space<semaphore_mem>>, %arg17: memref<!tpu.dma_semaphore, #tpu.memory_space<semaphore_mem>>, %arg18: memref<!tpu.dma_semaphore, #tpu.memory_space<semaphore_mem>>, %arg19: memref<!tpu.dma_semaphore, #tpu.memory_space<semaphore_mem>>, %arg20: memref<!tpu.dma_semaphore, #tpu.memory_space<semaphore_mem>>, %arg21: memref<!tpu.dma_semaphore, #tpu.memory_space<semaphore_mem>>) attributes {dimension_semantics = [#tpu.dimension_semantics<core_parallel>, #tpu.dimension_semantics<subcore_parallel>], iteration_bounds = array<i64: 2, 16>, scalar_prefetch = 0 : i64, scratch_operands = 16 : i64, tpu.core_type = #tpu.core_type<sc_vector_subcore>, window_params = [{transform_indices = #map}, {transform_indices = #map1}, {transform_indices = #map1}, {transform_indices = #map}]} {
    %broadcast_in_dim3A = arith.constant 0.000000e+00 : f32
    %broadcast_in_dim3A_0 = vector.broadcast %broadcast_in_dim3A : f32 to vector<16xf32>
    %scan3A = arith.constant 0 : i32
    %scan3A_1 = arith.constant 0 : i32
    %scan3A_2 = arith.constant 160 : i32
    %scan3A_3 = arith.addi %scan3A_1, %scan3A_2 : i32
    %scan3A_4 = arith.constant 1 : i32
    scf.for %scan3A_229 = %scan3A_1 to %scan3A_3 step %scan3A_4  : i32 {
      %swap3A = arith.index_cast %scan3A_229 : i32 to index
      %swap3A_230 = arith.constant 0 : index
      %swap3A_231 = tpu.vector_load %arg12[%swap3A, %swap3A_230] {strides = array<i32>} : memref<160x64xf32, #tpu.memory_space<vmem>>, vector<1x16xf32>,
      %swap3A_232 = vector.shape_cast %swap3A_231 : vector<1x16xf32> to vector<16xf32>
      %swap3A_233 = vector.shape_cast %broadcast_in_dim3A_0 : vector<16xf32> to vector<1x16xf32>
      tpu.vector_store %arg12[%swap3A, %swap3A_230], %swap3A_233 {strides = array<i32>} : memref<160x64xf32, #tpu.memory_space<vmem>>, vector<1x16xf32>,
      %swap3A_234 = arith.index_cast %scan3A_229 : i32 to index
      %swap3A_235 = arith.constant 16 : index
      %swap3A_236 = tpu.vector_load %arg12[%swap3A_234, %swap3A_235] {strides = array<i32>} : memref<160x64xf32, #tpu.memory_space<vmem>>, vector<1x16xf32>,
      %swap3A_237 = vector.shape_cast %swap3A_236 : vector<1x16xf32> to vector<16xf32>
      %swap3A_238 = vector.shape_cast %broadcast_in_dim3A_0 : vector<16xf32> to vector<1x16xf32>
      tpu.vector_store %arg12[%swap3A_234, %swap3A_235], %swap3A_238 {strides = array<i32>} : memref<160x64xf32, #tpu.memory_space<vmem>>, vector<1x16xf32>,
      %swap3A_239 = arith.index_cast %scan3A_229 : i32 to index
      %swap3A_240 = arith.constant 32 : index
      %swap3A_241 = tpu.vector_load %arg12[%swap3A_239, %swap3A_240] {strides = array<i32>} : memref<160x64xf32, #tpu.memory_space<vmem>>, vector<1x16xf32>,
      %swap3A_242 = vector.shape_cast %swap3A_241 : vector<1x16xf32> to vector<16xf32>
      %swap3A_243 = vector.shape_cast %broadcast_in_dim3A_0 : vector<16xf32> to vector<1x16xf32>
      tpu.vector_store %arg12[%swap3A_239, %swap3A_240], %swap3A_243 {strides = array<i32>} : memref<160x64xf32, #tpu.memory_space<vmem>>, vector<1x16xf32>,
      %swap3A_244 = arith.index_cast %scan3A_229 : i32 to index
      %swap3A_245 = arith.constant 48 : index
      %swap3A_246 = tpu.vector_load %arg12[%swap3A_244, %swap3A_245] {strides = array<i32>} : memref<160x64xf32, #tpu.memory_space<vmem>>, vector<1x16xf32>,
      %swap3A_247 = vector.shape_cast %swap3A_246 : vector<1x16xf32> to vector<16xf32>
      %swap3A_248 = vector.shape_cast %broadcast_in_dim3A_0 : vector<16xf32> to vector<1x16xf32>
      tpu.vector_store %arg12[%swap3A_244, %swap3A_245], %swap3A_248 {strides = array<i32>} : memref<160x64xf32, #tpu.memory_space<vmem>>, vector<1x16xf32>,
    }
    %scan3A_5 = arith.constant 160 : i32
    %mul3A = arith.constant 640 : i32
    %mul3A_6 = arith.muli %arg1, %mul3A : i32
    %add3A = arith.constant 0 : i32
    %add3A_7 = arith.addi %mul3A_6, %add3A : i32
    "tpu.region"() ({
      %run_scoped3A = tpu.sem_alloc : memref<!tpu.dma_semaphore, #tpu.memory_space<semaphore_mem>>
      %dma_start3A_229 = arith.constant 0 : i32
      %dma_start3A_230 = tpu.memref_slice %arg13[%add3A_7, %dma_start3A_229] : memref<10240x64xf32, #tpu.memory_space<vmem_shared>> -> memref<160x64xf32, #tpu.memory_space<vmem_shared>>
      %dma_start3A_231 = arith.constant 0 : i32
      %dma_start3A_232 = tpu.memref_slice %arg13[%add3A_7, %dma_start3A_231] : memref<10240x64xf32, #tpu.memory_space<vmem_shared>> -> memref<160x64xf32, #tpu.memory_space<vmem_shared>>
      tpu.enqueue_dma source(%arg12 : memref<160x64xf32, #tpu.memory_space<vmem>>) target(%dma_start3A_232 : memref<160x64xf32, #tpu.memory_space<vmem_shared>>) target_semaphore(%run_scoped3A : memref<!tpu.dma_semaphore, #tpu.memory_space<semaphore_mem>>)
      %dma_wait3A_233 = arith.constant 0 : i32
      %dma_wait3A_234 = tpu.memref_slice %arg13[%add3A_7, %dma_wait3A_233] : memref<10240x64xf32, #tpu.memory_space<vmem_shared>> -> memref<160x64xf32, #tpu.memory_space<vmem_shared>>
      %dma_wait3A_235 = arith.constant 0 : i32
      %dma_wait3A_236 = tpu.memref_slice %arg13[%add3A_7, %dma_wait3A_235] : memref<10240x64xf32, #tpu.memory_space<vmem_shared>> -> memref<160x64xf32, #tpu.memory_space<vmem_shared>>
      tpu.wait_dma2 semaphore(%run_scoped3A : memref<!tpu.dma_semaphore, #tpu.memory_space<semaphore_mem>>) src(%arg12 : memref<160x64xf32, #tpu.memory_space<vmem>>) dst(%dma_wait3A_236 : memref<160x64xf32, #tpu.memory_space<vmem_shared>>)
      tpu.yield
    }) : () -> ()
    %mul3A_8 = arith.constant 640 : i32
    %mul3A_9 = arith.muli %arg1, %mul3A_8 : i32
    %add3A_10 = arith.constant 160 : i32
    %add3A_11 = arith.addi %mul3A_9, %add3A_10 : i32
    "tpu.region"() ({
      %run_scoped3A = tpu.sem_alloc : memref<!tpu.dma_semaphore, #tpu.memory_space<semaphore_mem>>
      %dma_start3A_229 = arith.constant 0 : i32
      %dma_start3A_230 = tpu.memref_slice %arg13[%add3A_11, %dma_start3A_229] : memref<10240x64xf32, #tpu.memory_space<vmem_shared>> -> memref<160x64xf32, #tpu.memory_space<vmem_shared>>
      %dma_start3A_231 = arith.constant 0 : i32
      %dma_start3A_232 = tpu.memref_slice %arg13[%add3A_11, %dma_start3A_231] : memref<10240x64xf32, #tpu.memory_space<vmem_shared>> -> memref<160x64xf32, #tpu.memory_space<vmem_shared>>
      tpu.enqueue_dma source(%arg12 : memref<160x64xf32, #tpu.memory_space<vmem>>) target(%dma_start3A_232 : memref<160x64xf32, #tpu.memory_space<vmem_shared>>) target_semaphore(%run_scoped3A : memref<!tpu.dma_semaphore, #tpu.memory_space<semaphore_mem>>)
      %dma_wait3A_233 = arith.constant 0 : i32
      %dma_wait3A_234 = tpu.memref_slice %arg13[%add3A_11, %dma_wait3A_233] : memref<10240x64xf32, #tpu.memory_space<vmem_shared>> -> memref<160x64xf32, #tpu.memory_space<vmem_shared>>
      %dma_wait3A_235 = arith.constant 0 : i32
      %dma_wait3A_236 = tpu.memref_slice %arg13[%add3A_11, %dma_wait3A_235] : memref<10240x64xf32, #tpu.memory_space<vmem_shared>> -> memref<160x64xf32, #tpu.memory_space<vmem_shared>>
      tpu.wait_dma2 semaphore(%run_scoped3A : memref<!tpu.dma_semaphore, #tpu.memory_space<semaphore_mem>>) src(%arg12 : memref<160x64xf32, #tpu.memory_space<vmem>>) dst(%dma_wait3A_236 : memref<160x64xf32, #tpu.memory_space<vmem_shared>>)
      tpu.yield
    }) : () -> ()
    %mul3A_12 = arith.constant 640 : i32
    %mul3A_13 = arith.muli %arg1, %mul3A_12 : i32
    %add3A_14 = arith.constant 320 : i32
    %add3A_15 = arith.addi %mul3A_13, %add3A_14 : i32
    "tpu.region"() ({
      %run_scoped3A = tpu.sem_alloc : memref<!tpu.dma_semaphore, #tpu.memory_space<semaphore_mem>>
      %dma_start3A_229 = arith.constant 0 : i32
      %dma_start3A_230 = tpu.memref_slice %arg13[%add3A_15, %dma_start3A_229] : memref<10240x64xf32, #tpu.memory_space<vmem_shared>> -> memref<160x64xf32, #tpu.memory_space<vmem_shared>>
      %dma_start3A_231 = arith.constant 0 : i32
      %dma_start3A_232 = tpu.memref_slice %arg13[%add3A_15, %dma_start3A_231] : memref<10240x64xf32, #tpu.memory_space<vmem_shared>> -> memref<160x64xf32, #tpu.memory_space<vmem_shared>>
      tpu.enqueue_dma source(%arg12 : memref<160x64xf32, #tpu.memory_space<vmem>>) target(%dma_start3A_232 : memref<160x64xf32, #tpu.memory_space<vmem_shared>>) target_semaphore(%run_scoped3A : memref<!tpu.dma_semaphore, #tpu.memory_space<semaphore_mem>>)
      %dma_wait3A_233 = arith.constant 0 : i32
      %dma_wait3A_234 = tpu.memref_slice %arg13[%add3A_15, %dma_wait3A_233] : memref<10240x64xf32, #tpu.memory_space<vmem_shared>> -> memref<160x64xf32, #tpu.memory_space<vmem_shared>>
      %dma_wait3A_235 = arith.constant 0 : i32
      %dma_wait3A_236 = tpu.memref_slice %arg13[%add3A_15, %dma_wait3A_235] : memref<10240x64xf32, #tpu.memory_space<vmem_shared>> -> memref<160x64xf32, #tpu.memory_space<vmem_shared>>
      tpu.wait_dma2 semaphore(%run_scoped3A : memref<!tpu.dma_semaphore, #tpu.memory_space<semaphore_mem>>) src(%arg12 : memref<160x64xf32, #tpu.memory_space<vmem>>) dst(%dma_wait3A_236 : memref<160x64xf32, #tpu.memory_space<vmem_shared>>)
      tpu.yield
    }) : () -> ()
    %mul3A_16 = arith.constant 640 : i32
    %mul3A_17 = arith.muli %arg1, %mul3A_16 : i32
    %add3A_18 = arith.constant 480 : i32
    %add3A_19 = arith.addi %mul3A_17, %add3A_18 : i32
    "tpu.region"() ({
      %run_scoped3A = tpu.sem_alloc : memref<!tpu.dma_semaphore, #tpu.memory_space<semaphore_mem>>
      %dma_start3A_229 = arith.constant 0 : i32
      %dma_start3A_230 = tpu.memref_slice %arg13[%add3A_19, %dma_start3A_229] : memref<10240x64xf32, #tpu.memory_space<vmem_shared>> -> memref<160x64xf32, #tpu.memory_space<vmem_shared>>
      %dma_start3A_231 = arith.constant 0 : i32
      %dma_start3A_232 = tpu.memref_slice %arg13[%add3A_19, %dma_start3A_231] : memref<10240x64xf32, #tpu.memory_space<vmem_shared>> -> memref<160x64xf32, #tpu.memory_space<vmem_shared>>
      tpu.enqueue_dma source(%arg12 : memref<160x64xf32, #tpu.memory_space<vmem>>) target(%dma_start3A_232 : memref<160x64xf32, #tpu.memory_space<vmem_shared>>) target_semaphore(%run_scoped3A : memref<!tpu.dma_semaphore, #tpu.memory_space<semaphore_mem>>)
      %dma_wait3A_233 = arith.constant 0 : i32
      %dma_wait3A_234 = tpu.memref_slice %arg13[%add3A_19, %dma_wait3A_233] : memref<10240x64xf32, #tpu.memory_space<vmem_shared>> -> memref<160x64xf32, #tpu.memory_space<vmem_shared>>
      %dma_wait3A_235 = arith.constant 0 : i32
      %dma_wait3A_236 = tpu.memref_slice %arg13[%add3A_19, %dma_wait3A_235] : memref<10240x64xf32, #tpu.memory_space<vmem_shared>> -> memref<160x64xf32, #tpu.memory_space<vmem_shared>>
      tpu.wait_dma2 semaphore(%run_scoped3A : memref<!tpu.dma_semaphore, #tpu.memory_space<semaphore_mem>>) src(%arg12 : memref<160x64xf32, #tpu.memory_space<vmem>>) dst(%dma_wait3A_236 : memref<160x64xf32, #tpu.memory_space<vmem_shared>>)
      tpu.yield
    }) : () -> ()
    %barrier3A = arith.constant 0 : index
    tpu.barrier barrier_id(%barrier3A)
    %mul3A_20 = arith.constant 160 : i32
    %mul3A_21 = arith.muli %arg1, %mul3A_20 : i32
    "tpu.region"() ({
      %run_scoped3A = tpu.sem_alloc : memref<!tpu.dma_semaphore, #tpu.memory_space<semaphore_mem>>
      %dma_start3A_229 = arith.constant 0 : i32
      %dma_start3A_230 = tpu.memref_slice %arg3[%mul3A_21, %dma_start3A_229] : memref<2560x128xi32, #tpu.memory_space<hbm>> -> memref<160x128xi32, #tpu.memory_space<hbm>>
      %dma_start3A_231 = arith.constant 0 : i32
      %dma_start3A_232 = tpu.memref_slice %arg3[%mul3A_21, %dma_start3A_231] : memref<2560x128xi32, #tpu.memory_space<hbm>> -> memref<160x128xi32, #tpu.memory_space<hbm>>
      tpu.enqueue_dma source(%dma_start3A_232 : memref<160x128xi32, #tpu.memory_space<hbm>>) target(%arg6 : memref<160x128xi32, #tpu.memory_space<vmem>>) target_semaphore(%run_scoped3A : memref<!tpu.dma_semaphore, #tpu.memory_space<semaphore_mem>>)
      %dma_wait3A_233 = arith.constant 0 : i32
      %dma_wait3A_234 = tpu.memref_slice %arg3[%mul3A_21, %dma_wait3A_233] : memref<2560x128xi32, #tpu.memory_space<hbm>> -> memref<160x128xi32, #tpu.memory_space<hbm>>
      %dma_wait3A_235 = arith.constant 0 : i32
      %dma_wait3A_236 = tpu.memref_slice %arg3[%mul3A_21, %dma_wait3A_235] : memref<2560x128xi32, #tpu.memory_space<hbm>> -> memref<160x128xi32, #tpu.memory_space<hbm>>
      tpu.wait_dma2 semaphore(%run_scoped3A : memref<!tpu.dma_semaphore, #tpu.memory_space<semaphore_mem>>) src(%dma_wait3A_236 : memref<160x128xi32, #tpu.memory_space<hbm>>) dst(%arg6 : memref<160x128xi32, #tpu.memory_space<vmem>>)
      tpu.yield
    }) : () -> ()
    %mul3A_22 = arith.constant 160 : i32
    %mul3A_23 = arith.muli %arg1, %mul3A_22 : i32
    "tpu.region"() ({
      %run_scoped3A = tpu.sem_alloc : memref<!tpu.dma_semaphore, #tpu.memory_space<semaphore_mem>>
      %dma_start3A_229 = arith.constant 0 : i32
      %dma_start3A_230 = tpu.memref_slice %arg4[%mul3A_23, %dma_start3A_229] : memref<2560x128xi32, #tpu.memory_space<hbm>> -> memref<160x128xi32, #tpu.memory_space<hbm>>
      %dma_start3A_231 = arith.constant 0 : i32
      %dma_start3A_232 = tpu.memref_slice %arg4[%mul3A_23, %dma_start3A_231] : memref<2560x128xi32, #tpu.memory_space<hbm>> -> memref<160x128xi32, #tpu.memory_space<hbm>>
      tpu.enqueue_dma source(%dma_start3A_232 : memref<160x128xi32, #tpu.memory_space<hbm>>) target(%arg7 : memref<160x128xi32, #tpu.memory_space<vmem>>) target_semaphore(%run_scoped3A : memref<!tpu.dma_semaphore, #tpu.memory_space<semaphore_mem>>)
      %dma_wait3A_233 = arith.constant 0 : i32
      %dma_wait3A_234 = tpu.memref_slice %arg4[%mul3A_23, %dma_wait3A_233] : memref<2560x128xi32, #tpu.memory_space<hbm>> -> memref<160x128xi32, #tpu.memory_space<hbm>>
      %dma_wait3A_235 = arith.constant 0 : i32
      %dma_wait3A_236 = tpu.memref_slice %arg4[%mul3A_23, %dma_wait3A_235] : memref<2560x128xi32, #tpu.memory_space<hbm>> -> memref<160x128xi32, #tpu.memory_space<hbm>>
      tpu.wait_dma2 semaphore(%run_scoped3A : memref<!tpu.dma_semaphore, #tpu.memory_space<semaphore_mem>>) src(%dma_wait3A_236 : memref<160x128xi32, #tpu.memory_space<hbm>>) dst(%arg7 : memref<160x128xi32, #tpu.memory_space<vmem>>)
      tpu.yield
    }) : () -> ()
    %dma_start3A = arith.constant 0 : i32
    %dma_start3A_24 = arith.constant 0 : i32
    %dma_start3A_25 = tpu.memref_slice %arg6[%dma_start3A, %dma_start3A_24] : memref<160x128xi32, #tpu.memory_space<vmem>> -> memref<1x128xi32, #tpu.memory_space<vmem>>
    %dma_start3A_26 = tpu.memref_squeeze %dma_start3A_25 : memref<1x128xi32, #tpu.memory_space<vmem>> -> memref<128xi32, #tpu.memory_space<vmem>>
    %dma_start3A_27 = arith.constant 0 : i32
    %dma_start3A_28 = arith.constant 0 : i32
    %dma_start3A_29 = tpu.memref_slice %arg2[%arg0, %dma_start3A_27, %dma_start3A_28] : memref<2x10240x64xf32, #tpu.memory_space<hbm>> -> memref<1x10240x64xf32, #tpu.memory_space<hbm>>
    %dma_start3A_30 = tpu.memref_squeeze %dma_start3A_29 : memref<1x10240x64xf32, #tpu.memory_space<hbm>> -> memref<10240x64xf32, #tpu.memory_space<hbm>>
    %dma_start3A_31 = arith.constant 0 : i32
    %dma_start3A_32 = arith.constant 0 : i32
    %dma_start3A_33 = tpu.memref_slice %dma_start3A_30[%dma_start3A_31, %dma_start3A_32] : memref<10240x64xf32, #tpu.memory_space<hbm>> -> memref<10240x64xf32, #tpu.memory_space<hbm>>
    tpu.enqueue_indirect_dma source(%dma_start3A_33 : memref<10240x64xf32, #tpu.memory_space<hbm>>) target(%arg8 : memref<128x64xf32, #tpu.memory_space<vmem>>) offsets(%dma_start3A_26 : memref<128xi32, #tpu.memory_space<vmem>>) semaphore(%arg14 : memref<!tpu.dma_semaphore, #tpu.memory_space<semaphore_mem>>)
    %dma_start3A_34 = arith.constant 1 : i32
    %dma_start3A_35 = arith.constant 0 : i32
    %dma_start3A_36 = tpu.memref_slice %arg6[%dma_start3A_34, %dma_start3A_35] : memref<160x128xi32, #tpu.memory_space<vmem>> -> memref<1x128xi32, #tpu.memory_space<vmem>>
    %dma_start3A_37 = tpu.memref_squeeze %dma_start3A_36 : memref<1x128xi32, #tpu.memory_space<vmem>> -> memref<128xi32, #tpu.memory_space<vmem>>
    %dma_start3A_38 = arith.constant 0 : i32
    %dma_start3A_39 = arith.constant 0 : i32
    %dma_start3A_40 = tpu.memref_slice %arg2[%arg0, %dma_start3A_38, %dma_start3A_39] : memref<2x10240x64xf32, #tpu.memory_space<hbm>> -> memref<1x10240x64xf32, #tpu.memory_space<hbm>>
    %dma_start3A_41 = tpu.memref_squeeze %dma_start3A_40 : memref<1x10240x64xf32, #tpu.memory_space<hbm>> -> memref<10240x64xf32, #tpu.memory_space<hbm>>
    %dma_start3A_42 = arith.constant 0 : i32
    %dma_start3A_43 = arith.constant 0 : i32
    %dma_start3A_44 = tpu.memref_slice %dma_start3A_41[%dma_start3A_42, %dma_start3A_43] : memref<10240x64xf32, #tpu.memory_space<hbm>> -> memref<10240x64xf32, #tpu.memory_space<hbm>>
    tpu.enqueue_indirect_dma source(%dma_start3A_44 : memref<10240x64xf32, #tpu.memory_space<hbm>>) target(%arg9 : memref<128x64xf32, #tpu.memory_space<vmem>>) offsets(%dma_start3A_37 : memref<128xi32, #tpu.memory_space<vmem>>) semaphore(%arg15 : memref<!tpu.dma_semaphore, #tpu.memory_space<semaphore_mem>>)
    %dma_wait3A = arith.constant 0 : i32
    %dma_wait3A_45 = arith.constant 0 : i32
    %dma_wait3A_46 = tpu.memref_slice %arg2[%arg0, %dma_wait3A, %dma_wait3A_45] : memref<2x10240x64xf32, #tpu.memory_space<hbm>> -> memref<1x10240x64xf32, #tpu.memory_space<hbm>>
    %dma_wait3A_47 = tpu.memref_squeeze %dma_wait3A_46 : memref<1x10240x64xf32, #tpu.memory_space<hbm>> -> memref<10240x64xf32, #tpu.memory_space<hbm>>
    %dma_wait3A_48 = arith.constant 0 : i32
    %dma_wait3A_49 = arith.constant 0 : i32
    %dma_wait3A_50 = tpu.memref_slice %dma_wait3A_47[%dma_wait3A_48, %dma_wait3A_49] : memref<10240x64xf32, #tpu.memory_space<hbm>> -> memref<128x64xf32, #tpu.memory_space<hbm>>
    %dma_wait3A_51 = arith.constant 0 : i32
    %dma_wait3A_52 = arith.constant 0 : i32
    %dma_wait3A_53 = tpu.memref_slice %arg2[%arg0, %dma_wait3A_51, %dma_wait3A_52] : memref<2x10240x64xf32, #tpu.memory_space<hbm>> -> memref<1x10240x64xf32, #tpu.memory_space<hbm>>
    %dma_wait3A_54 = tpu.memref_squeeze %dma_wait3A_53 : memref<1x10240x64xf32, #tpu.memory_space<hbm>> -> memref<10240x64xf32, #tpu.memory_space<hbm>>
    %dma_wait3A_55 = arith.constant 0 : i32
    %dma_wait3A_56 = arith.constant 0 : i32
    %dma_wait3A_57 = tpu.memref_slice %dma_wait3A_54[%dma_wait3A_55, %dma_wait3A_56] : memref<10240x64xf32, #tpu.memory_space<hbm>> -> memref<128x64xf32, #tpu.memory_space<hbm>>
    tpu.wait_dma2 semaphore(%arg14 : memref<!tpu.dma_semaphore, #tpu.memory_space<semaphore_mem>>) src(%dma_wait3A_57 : memref<128x64xf32, #tpu.memory_space<hbm>>) dst(%arg8 : memref<128x64xf32, #tpu.memory_space<vmem>>)
    %dma_start3A_58 = arith.constant 0 : i32
    %dma_start3A_59 = arith.constant 0 : i32
    %dma_start3A_60 = tpu.memref_slice %arg7[%dma_start3A_58, %dma_start3A_59] : memref<160x128xi32, #tpu.memory_space<vmem>> -> memref<1x128xi32, #tpu.memory_space<vmem>>
    %dma_start3A_61 = tpu.memref_squeeze %dma_start3A_60 : memref<1x128xi32, #tpu.memory_space<vmem>> -> memref<128xi32, #tpu.memory_space<vmem>>
    %dma_start3A_62 = arith.constant 0 : i32
    %dma_start3A_63 = arith.constant 0 : i32
    %dma_start3A_64 = tpu.memref_slice %arg13[%dma_start3A_62, %dma_start3A_63] : memref<10240x64xf32, #tpu.memory_space<vmem_shared>> -> memref<10240x64xf32, #tpu.memory_space<vmem_shared>>
    tpu.enqueue_indirect_dma source(%arg8 : memref<128x64xf32, #tpu.memory_space<vmem>>) target(%dma_start3A_64 : memref<10240x64xf32, #tpu.memory_space<vmem_shared>>) offsets(%dma_start3A_61 : memref<128xi32, #tpu.memory_space<vmem>>) semaphore(%arg18 : memref<!tpu.dma_semaphore, #tpu.memory_space<semaphore_mem>>) {add = true}
    %dma_start3A_65 = arith.constant 2 : i32
    %dma_start3A_66 = arith.constant 0 : i32
    %dma_start3A_67 = tpu.memref_slice %arg6[%dma_start3A_65, %dma_start3A_66] : memref<160x128xi32, #tpu.memory_space<vmem>> -> memref<1x128xi32, #tpu.memory_space<vmem>>
    %dma_start3A_68 = tpu.memref_squeeze %dma_start3A_67 : memref<1x128xi32, #tpu.memory_space<vmem>> -> memref<128xi32, #tpu.memory_space<vmem>>
    %dma_start3A_69 = arith.constant 0 : i32
    %dma_start3A_70 = arith.constant 0 : i32
    %dma_start3A_71 = tpu.memref_slice %arg2[%arg0, %dma_start3A_69, %dma_start3A_70] : memref<2x10240x64xf32, #tpu.memory_space<hbm>> -> memref<1x10240x64xf32, #tpu.memory_space<hbm>>
    %dma_start3A_72 = tpu.memref_squeeze %dma_start3A_71 : memref<1x10240x64xf32, #tpu.memory_space<hbm>> -> memref<10240x64xf32, #tpu.memory_space<hbm>>
    %dma_start3A_73 = arith.constant 0 : i32
    %dma_start3A_74 = arith.constant 0 : i32
    %dma_start3A_75 = tpu.memref_slice %dma_start3A_72[%dma_start3A_73, %dma_start3A_74] : memref<10240x64xf32, #tpu.memory_space<hbm>> -> memref<10240x64xf32, #tpu.memory_space<hbm>>
    tpu.enqueue_indirect_dma source(%dma_start3A_75 : memref<10240x64xf32, #tpu.memory_space<hbm>>) target(%arg10 : memref<128x64xf32, #tpu.memory_space<vmem>>) offsets(%dma_start3A_68 : memref<128xi32, #tpu.memory_space<vmem>>) semaphore(%arg16 : memref<!tpu.dma_semaphore, #tpu.memory_space<semaphore_mem>>)
    %dma_wait3A_76 = arith.constant 0 : i32
    %dma_wait3A_77 = arith.constant 0 : i32
    %dma_wait3A_78 = tpu.memref_slice %arg2[%arg0, %dma_wait3A_76, %dma_wait3A_77] : memref<2x10240x64xf32, #tpu.memory_space<hbm>> -> memref<1x10240x64xf32, #tpu.memory_space<hbm>>
    %dma_wait3A_79 = tpu.memref_squeeze %dma_wait3A_78 : memref<1x10240x64xf32, #tpu.memory_space<hbm>> -> memref<10240x64xf32, #tpu.memory_space<hbm>>
    %dma_wait3A_80 = arith.constant 0 : i32
    %dma_wait3A_81 = arith.constant 0 : i32
    %dma_wait3A_82 = tpu.memref_slice %dma_wait3A_79[%dma_wait3A_80, %dma_wait3A_81] : memref<10240x64xf32, #tpu.memory_space<hbm>> -> memref<128x64xf32, #tpu.memory_space<hbm>>
    %dma_wait3A_83 = arith.constant 0 : i32
    %dma_wait3A_84 = arith.constant 0 : i32
    %dma_wait3A_85 = tpu.memref_slice %arg2[%arg0, %dma_wait3A_83, %dma_wait3A_84] : memref<2x10240x64xf32, #tpu.memory_space<hbm>> -> memref<1x10240x64xf32, #tpu.memory_space<hbm>>
    %dma_wait3A_86 = tpu.memref_squeeze %dma_wait3A_85 : memref<1x10240x64xf32, #tpu.memory_space<hbm>> -> memref<10240x64xf32, #tpu.memory_space<hbm>>
    %dma_wait3A_87 = arith.constant 0 : i32
    %dma_wait3A_88 = arith.constant 0 : i32
    %dma_wait3A_89 = tpu.memref_slice %dma_wait3A_86[%dma_wait3A_87, %dma_wait3A_88] : memref<10240x64xf32, #tpu.memory_space<hbm>> -> memref<128x64xf32, #tpu.memory_space<hbm>>
    tpu.wait_dma2 semaphore(%arg15 : memref<!tpu.dma_semaphore, #tpu.memory_space<semaphore_mem>>) src(%dma_wait3A_89 : memref<128x64xf32, #tpu.memory_space<hbm>>) dst(%arg9 : memref<128x64xf32, #tpu.memory_space<vmem>>)
    %dma_start3A_90 = arith.constant 1 : i32
    %dma_start3A_91 = arith.constant 0 : i32
    %dma_start3A_92 = tpu.memref_slice %arg7[%dma_start3A_90, %dma_start3A_91] : memref<160x128xi32, #tpu.memory_space<vmem>> -> memref<1x128xi32, #tpu.memory_space<vmem>>
    %dma_start3A_93 = tpu.memref_squeeze %dma_start3A_92 : memref<1x128xi32, #tpu.memory_space<vmem>> -> memref<128xi32, #tpu.memory_space<vmem>>
    %dma_start3A_94 = arith.constant 0 : i32
    %dma_start3A_95 = arith.constant 0 : i32
    %dma_start3A_96 = tpu.memref_slice %arg13[%dma_start3A_94, %dma_start3A_95] : memref<10240x64xf32, #tpu.memory_space<vmem_shared>> -> memref<10240x64xf32, #tpu.memory_space<vmem_shared>>
    tpu.enqueue_indirect_dma source(%arg9 : memref<128x64xf32, #tpu.memory_space<vmem>>) target(%dma_start3A_96 : memref<10240x64xf32, #tpu.memory_space<vmem_shared>>) offsets(%dma_start3A_93 : memref<128xi32, #tpu.memory_space<vmem>>) semaphore(%arg19 : memref<!tpu.dma_semaphore, #tpu.memory_space<semaphore_mem>>) {add = true}
    %dma_start3A_97 = arith.constant 3 : i32
    %dma_start3A_98 = arith.constant 0 : i32
    %dma_start3A_99 = tpu.memref_slice %arg6[%dma_start3A_97, %dma_start3A_98] : memref<160x128xi32, #tpu.memory_space<vmem>> -> memref<1x128xi32, #tpu.memory_space<vmem>>
    %dma_start3A_100 = tpu.memref_squeeze %dma_start3A_99 : memref<1x128xi32, #tpu.memory_space<vmem>> -> memref<128xi32, #tpu.memory_space<vmem>>
    %dma_start3A_101 = arith.constant 0 : i32
    %dma_start3A_102 = arith.constant 0 : i32
    %dma_start3A_103 = tpu.memref_slice %arg2[%arg0, %dma_start3A_101, %dma_start3A_102] : memref<2x10240x64xf32, #tpu.memory_space<hbm>> -> memref<1x10240x64xf32, #tpu.memory_space<hbm>>
    %dma_start3A_104 = tpu.memref_squeeze %dma_start3A_103 : memref<1x10240x64xf32, #tpu.memory_space<hbm>> -> memref<10240x64xf32, #tpu.memory_space<hbm>>
    %dma_start3A_105 = arith.constant 0 : i32
    %dma_start3A_106 = arith.constant 0 : i32
    %dma_start3A_107 = tpu.memref_slice %dma_start3A_104[%dma_start3A_105, %dma_start3A_106] : memref<10240x64xf32, #tpu.memory_space<hbm>> -> memref<10240x64xf32, #tpu.memory_space<hbm>>
    tpu.enqueue_indirect_dma source(%dma_start3A_107 : memref<10240x64xf32, #tpu.memory_space<hbm>>) target(%arg11 : memref<128x64xf32, #tpu.memory_space<vmem>>) offsets(%dma_start3A_100 : memref<128xi32, #tpu.memory_space<vmem>>) semaphore(%arg17 : memref<!tpu.dma_semaphore, #tpu.memory_space<semaphore_mem>>)
    %dma_wait3A_108 = arith.constant 0 : i32
    %dma_wait3A_109 = arith.constant 0 : i32
    %dma_wait3A_110 = tpu.memref_slice %arg2[%arg0, %dma_wait3A_108, %dma_wait3A_109] : memref<2x10240x64xf32, #tpu.memory_space<hbm>> -> memref<1x10240x64xf32, #tpu.memory_space<hbm>>
    %dma_wait3A_111 = tpu.memref_squeeze %dma_wait3A_110 : memref<1x10240x64xf32, #tpu.memory_space<hbm>> -> memref<10240x64xf32, #tpu.memory_space<hbm>>
    %dma_wait3A_112 = arith.constant 0 : i32
    %dma_wait3A_113 = arith.constant 0 : i32
    %dma_wait3A_114 = tpu.memref_slice %dma_wait3A_111[%dma_wait3A_112, %dma_wait3A_113] : memref<10240x64xf32, #tpu.memory_space<hbm>> -> memref<128x64xf32, #tpu.memory_space<hbm>>
    %dma_wait3A_115 = arith.constant 0 : i32
    %dma_wait3A_116 = arith.constant 0 : i32
    %dma_wait3A_117 = tpu.memref_slice %arg2[%arg0, %dma_wait3A_115, %dma_wait3A_116] : memref<2x10240x64xf32, #tpu.memory_space<hbm>> -> memref<1x10240x64xf32, #tpu.memory_space<hbm>>
    %dma_wait3A_118 = tpu.memref_squeeze %dma_wait3A_117 : memref<1x10240x64xf32, #tpu.memory_space<hbm>> -> memref<10240x64xf32, #tpu.memory_space<hbm>>
    %dma_wait3A_119 = arith.constant 0 : i32
    %dma_wait3A_120 = arith.constant 0 : i32
    %dma_wait3A_121 = tpu.memref_slice %dma_wait3A_118[%dma_wait3A_119, %dma_wait3A_120] : memref<10240x64xf32, #tpu.memory_space<hbm>> -> memref<128x64xf32, #tpu.memory_space<hbm>>
    tpu.wait_dma2 semaphore(%arg16 : memref<!tpu.dma_semaphore, #tpu.memory_space<semaphore_mem>>) src(%dma_wait3A_121 : memref<128x64xf32, #tpu.memory_space<hbm>>) dst(%arg10 : memref<128x64xf32, #tpu.memory_space<vmem>>)
    %dma_start3A_122 = arith.constant 2 : i32
    %dma_start3A_123 = arith.constant 0 : i32
    %dma_start3A_124 = tpu.memref_slice %arg7[%dma_start3A_122, %dma_start3A_123] : memref<160x128xi32, #tpu.memory_space<vmem>> -> memref<1x128xi32, #tpu.memory_space<vmem>>
    %dma_start3A_125 = tpu.memref_squeeze %dma_start3A_124 : memref<1x128xi32, #tpu.memory_space<vmem>> -> memref<128xi32, #tpu.memory_space<vmem>>
    %dma_start3A_126 = arith.constant 0 : i32
    %dma_start3A_127 = arith.constant 0 : i32
    %dma_start3A_128 = tpu.memref_slice %arg13[%dma_start3A_126, %dma_start3A_127] : memref<10240x64xf32, #tpu.memory_space<vmem_shared>> -> memref<10240x64xf32, #tpu.memory_space<vmem_shared>>
    tpu.enqueue_indirect_dma source(%arg10 : memref<128x64xf32, #tpu.memory_space<vmem>>) target(%dma_start3A_128 : memref<10240x64xf32, #tpu.memory_space<vmem_shared>>) offsets(%dma_start3A_125 : memref<128xi32, #tpu.memory_space<vmem>>) semaphore(%arg20 : memref<!tpu.dma_semaphore, #tpu.memory_space<semaphore_mem>>) {add = true}
    %scan3A_129 = arith.constant 0 : i32
    %scan3A_130 = arith.constant 1 : i32
    %scan3A_131 = arith.constant 39 : i32
    %scan3A_132 = arith.addi %scan3A_130, %scan3A_131 : i32
    %scan3A_133 = arith.constant 1 : i32
    scf.for %scan3A_229 = %scan3A_130 to %scan3A_132 step %scan3A_133  : i32 {
      %mul3A_230 = arith.constant 4 : i32
      %mul3A_231 = arith.muli %scan3A_229, %mul3A_230 : i32
      %add3A_232 = arith.constant 0 : i32
      %add3A_233 = arith.addi %mul3A_231, %add3A_232 : i32
      %dma_wait3A_234 = arith.constant 0 : i32
      %dma_wait3A_235 = arith.constant 0 : i32
      %dma_wait3A_236 = tpu.memref_slice %arg2[%arg0, %dma_wait3A_234, %dma_wait3A_235] : memref<2x10240x64xf32, #tpu.memory_space<hbm>> -> memref<1x10240x64xf32, #tpu.memory_space<hbm>>
      %dma_wait3A_237 = tpu.memref_squeeze %dma_wait3A_236 : memref<1x10240x64xf32, #tpu.memory_space<hbm>> -> memref<10240x64xf32, #tpu.memory_space<hbm>>
      %dma_wait3A_238 = arith.constant 0 : i32
      %dma_wait3A_239 = arith.constant 0 : i32
      %dma_wait3A_240 = tpu.memref_slice %dma_wait3A_237[%dma_wait3A_238, %dma_wait3A_239] : memref<10240x64xf32, #tpu.memory_space<hbm>> -> memref<128x64xf32, #tpu.memory_space<hbm>>
      %dma_wait3A_241 = arith.constant 0 : i32
      %dma_wait3A_242 = arith.constant 0 : i32
      %dma_wait3A_243 = tpu.memref_slice %arg2[%arg0, %dma_wait3A_241, %dma_wait3A_242] : memref<2x10240x64xf32, #tpu.memory_space<hbm>> -> memref<1x10240x64xf32, #tpu.memory_space<hbm>>
      %dma_wait3A_244 = tpu.memref_squeeze %dma_wait3A_243 : memref<1x10240x64xf32, #tpu.memory_space<hbm>> -> memref<10240x64xf32, #tpu.memory_space<hbm>>
      %dma_wait3A_245 = arith.constant 0 : i32
      %dma_wait3A_246 = arith.constant 0 : i32
      %dma_wait3A_247 = tpu.memref_slice %dma_wait3A_244[%dma_wait3A_245, %dma_wait3A_246] : memref<10240x64xf32, #tpu.memory_space<hbm>> -> memref<128x64xf32, #tpu.memory_space<hbm>>
      tpu.wait_dma2 semaphore(%arg18 : memref<!tpu.dma_semaphore, #tpu.memory_space<semaphore_mem>>) src(%dma_wait3A_247 : memref<128x64xf32, #tpu.memory_space<hbm>>) dst(%arg8 : memref<128x64xf32, #tpu.memory_space<vmem>>)
      %dma_start3A_248 = arith.constant 0 : i32
      %dma_start3A_249 = tpu.memref_slice %arg6[%add3A_233, %dma_start3A_248] : memref<160x128xi32, #tpu.memory_space<vmem>> -> memref<1x128xi32, #tpu.memory_space<vmem>>
      %dma_start3A_250 = tpu.memref_squeeze %dma_start3A_249 : memref<1x128xi32, #tpu.memory_space<vmem>> -> memref<128xi32, #tpu.memory_space<vmem>>
      %dma_start3A_251 = arith.constant 0 : i32
      %dma_start3A_252 = arith.constant 0 : i32
      %dma_start3A_253 = tpu.memref_slice %arg2[%arg0, %dma_start3A_251, %dma_start3A_252] : memref<2x10240x64xf32, #tpu.memory_space<hbm>> -> memref<1x10240x64xf32, #tpu.memory_space<hbm>>
      %dma_start3A_254 = tpu.memref_squeeze %dma_start3A_253 : memref<1x10240x64xf32, #tpu.memory_space<hbm>> -> memref<10240x64xf32, #tpu.memory_space<hbm>>
      %dma_start3A_255 = arith.constant 0 : i32
      %dma_start3A_256 = arith.constant 0 : i32
      %dma_start3A_257 = tpu.memref_slice %dma_start3A_254[%dma_start3A_255, %dma_start3A_256] : memref<10240x64xf32, #tpu.memory_space<hbm>> -> memref<10240x64xf32, #tpu.memory_space<hbm>>
      tpu.enqueue_indirect_dma source(%dma_start3A_257 : memref<10240x64xf32, #tpu.memory_space<hbm>>) target(%arg8 : memref<128x64xf32, #tpu.memory_space<vmem>>) offsets(%dma_start3A_250 : memref<128xi32, #tpu.memory_space<vmem>>) semaphore(%arg14 : memref<!tpu.dma_semaphore, #tpu.memory_space<semaphore_mem>>)
      %dma_wait3A_258 = arith.constant 0 : i32
      %dma_wait3A_259 = arith.constant 0 : i32
      %dma_wait3A_260 = tpu.memref_slice %arg2[%arg0, %dma_wait3A_258, %dma_wait3A_259] : memref<2x10240x64xf32, #tpu.memory_space<hbm>> -> memref<1x10240x64xf32, #tpu.memory_space<hbm>>
      %dma_wait3A_261 = tpu.memref_squeeze %dma_wait3A_260 : memref<1x10240x64xf32, #tpu.memory_space<hbm>> -> memref<10240x64xf32, #tpu.memory_space<hbm>>
      %dma_wait3A_262 = arith.constant 0 : i32
      %dma_wait3A_263 = arith.constant 0 : i32
      %dma_wait3A_264 = tpu.memref_slice %dma_wait3A_261[%dma_wait3A_262, %dma_wait3A_263] : memref<10240x64xf32, #tpu.memory_space<hbm>> -> memref<128x64xf32, #tpu.memory_space<hbm>>
      %dma_wait3A_265 = arith.constant 0 : i32
      %dma_wait3A_266 = arith.constant 0 : i32
      %dma_wait3A_267 = tpu.memref_slice %arg2[%arg0, %dma_wait3A_265, %dma_wait3A_266] : memref<2x10240x64xf32, #tpu.memory_space<hbm>> -> memref<1x10240x64xf32, #tpu.memory_space<hbm>>
      %dma_wait3A_268 = tpu.memref_squeeze %dma_wait3A_267 : memref<1x10240x64xf32, #tpu.memory_space<hbm>> -> memref<10240x64xf32, #tpu.memory_space<hbm>>
      %dma_wait3A_269 = arith.constant 0 : i32
      %dma_wait3A_270 = arith.constant 0 : i32
      %dma_wait3A_271 = tpu.memref_slice %dma_wait3A_268[%dma_wait3A_269, %dma_wait3A_270] : memref<10240x64xf32, #tpu.memory_space<hbm>> -> memref<128x64xf32, #tpu.memory_space<hbm>>
      tpu.wait_dma2 semaphore(%arg17 : memref<!tpu.dma_semaphore, #tpu.memory_space<semaphore_mem>>) src(%dma_wait3A_271 : memref<128x64xf32, #tpu.memory_space<hbm>>) dst(%arg11 : memref<128x64xf32, #tpu.memory_space<vmem>>)
      %sub3A = arith.constant 1 : i32
      %sub3A_272 = arith.subi %add3A_233, %sub3A : i32
      %dma_start3A_273 = arith.constant 0 : i32
      %dma_start3A_274 = tpu.memref_slice %arg7[%sub3A_272, %dma_start3A_273] : memref<160x128xi32, #tpu.memory_space<vmem>> -> memref<1x128xi32, #tpu.memory_space<vmem>>
      %dma_start3A_275 = tpu.memref_squeeze %dma_start3A_274 : memref<1x128xi32, #tpu.memory_space<vmem>> -> memref<128xi32, #tpu.memory_space<vmem>>
      %dma_start3A_276 = arith.constant 0 : i32
      %dma_start3A_277 = arith.constant 0 : i32
      %dma_start3A_278 = tpu.memref_slice %arg13[%dma_start3A_276, %dma_start3A_277] : memref<10240x64xf32, #tpu.memory_space<vmem_shared>> -> memref<10240x64xf32, #tpu.memory_space<vmem_shared>>
      tpu.enqueue_indirect_dma source(%arg11 : memref<128x64xf32, #tpu.memory_space<vmem>>) target(%dma_start3A_278 : memref<10240x64xf32, #tpu.memory_space<vmem_shared>>) offsets(%dma_start3A_275 : memref<128xi32, #tpu.memory_space<vmem>>) semaphore(%arg21 : memref<!tpu.dma_semaphore, #tpu.memory_space<semaphore_mem>>) {add = true}
      %mul3A_279 = arith.constant 4 : i32
      %mul3A_280 = arith.muli %scan3A_229, %mul3A_279 : i32
      %add3A_281 = arith.constant 1 : i32
      %add3A_282 = arith.addi %mul3A_280, %add3A_281 : i32
      %dma_wait3A_283 = arith.constant 0 : i32
      %dma_wait3A_284 = arith.constant 0 : i32
      %dma_wait3A_285 = tpu.memref_slice %arg2[%arg0, %dma_wait3A_283, %dma_wait3A_284] : memref<2x10240x64xf32, #tpu.memory_space<hbm>> -> memref<1x10240x64xf32, #tpu.memory_space<hbm>>
      %dma_wait3A_286 = tpu.memref_squeeze %dma_wait3A_285 : memref<1x10240x64xf32, #tpu.memory_space<hbm>> -> memref<10240x64xf32, #tpu.memory_space<hbm>>
      %dma_wait3A_287 = arith.constant 0 : i32
      %dma_wait3A_288 = arith.constant 0 : i32
      %dma_wait3A_289 = tpu.memref_slice %dma_wait3A_286[%dma_wait3A_287, %dma_wait3A_288] : memref<10240x64xf32, #tpu.memory_space<hbm>> -> memref<128x64xf32, #tpu.memory_space<hbm>>
      %dma_wait3A_290 = arith.constant 0 : i32
      %dma_wait3A_291 = arith.constant 0 : i32
      %dma_wait3A_292 = tpu.memref_slice %arg2[%arg0, %dma_wait3A_290, %dma_wait3A_291] : memref<2x10240x64xf32, #tpu.memory_space<hbm>> -> memref<1x10240x64xf32, #tpu.memory_space<hbm>>
      %dma_wait3A_293 = tpu.memref_squeeze %dma_wait3A_292 : memref<1x10240x64xf32, #tpu.memory_space<hbm>> -> memref<10240x64xf32, #tpu.memory_space<hbm>>
      %dma_wait3A_294 = arith.constant 0 : i32
      %dma_wait3A_295 = arith.constant 0 : i32
      %dma_wait3A_296 = tpu.memref_slice %dma_wait3A_293[%dma_wait3A_294, %dma_wait3A_295] : memref<10240x64xf32, #tpu.memory_space<hbm>> -> memref<128x64xf32, #tpu.memory_space<hbm>>
      tpu.wait_dma2 semaphore(%arg19 : memref<!tpu.dma_semaphore, #tpu.memory_space<semaphore_mem>>) src(%dma_wait3A_296 : memref<128x64xf32, #tpu.memory_space<hbm>>) dst(%arg9 : memref<128x64xf32, #tpu.memory_space<vmem>>)
      %dma_start3A_297 = arith.constant 0 : i32
      %dma_start3A_298 = tpu.memref_slice %arg6[%add3A_282, %dma_start3A_297] : memref<160x128xi32, #tpu.memory_space<vmem>> -> memref<1x128xi32, #tpu.memory_space<vmem>>
      %dma_start3A_299 = tpu.memref_squeeze %dma_start3A_298 : memref<1x128xi32, #tpu.memory_space<vmem>> -> memref<128xi32, #tpu.memory_space<vmem>>
      %dma_start3A_300 = arith.constant 0 : i32
      %dma_start3A_301 = arith.constant 0 : i32
      %dma_start3A_302 = tpu.memref_slice %arg2[%arg0, %dma_start3A_300, %dma_start3A_301] : memref<2x10240x64xf32, #tpu.memory_space<hbm>> -> memref<1x10240x64xf32, #tpu.memory_space<hbm>>
      %dma_start3A_303 = tpu.memref_squeeze %dma_start3A_302 : memref<1x10240x64xf32, #tpu.memory_space<hbm>> -> memref<10240x64xf32, #tpu.memory_space<hbm>>
      %dma_start3A_304 = arith.constant 0 : i32
      %dma_start3A_305 = arith.constant 0 : i32
      %dma_start3A_306 = tpu.memref_slice %dma_start3A_303[%dma_start3A_304, %dma_start3A_305] : memref<10240x64xf32, #tpu.memory_space<hbm>> -> memref<10240x64xf32, #tpu.memory_space<hbm>>
      tpu.enqueue_indirect_dma source(%dma_start3A_306 : memref<10240x64xf32, #tpu.memory_space<hbm>>) target(%arg9 : memref<128x64xf32, #tpu.memory_space<vmem>>) offsets(%dma_start3A_299 : memref<128xi32, #tpu.memory_space<vmem>>) semaphore(%arg15 : memref<!tpu.dma_semaphore, #tpu.memory_space<semaphore_mem>>)
      %dma_wait3A_307 = arith.constant 0 : i32
      %dma_wait3A_308 = arith.constant 0 : i32
      %dma_wait3A_309 = tpu.memref_slice %arg2[%arg0, %dma_wait3A_307, %dma_wait3A_308] : memref<2x10240x64xf32, #tpu.memory_space<hbm>> -> memref<1x10240x64xf32, #tpu.memory_space<hbm>>
      %dma_wait3A_310 = tpu.memref_squeeze %dma_wait3A_309 : memref<1x10240x64xf32, #tpu.memory_space<hbm>> -> memref<10240x64xf32, #tpu.memory_space<hbm>>
      %dma_wait3A_311 = arith.constant 0 : i32
      %dma_wait3A_312 = arith.constant 0 : i32
      %dma_wait3A_313 = tpu.memref_slice %dma_wait3A_310[%dma_wait3A_311, %dma_wait3A_312] : memref<10240x64xf32, #tpu.memory_space<hbm>> -> memref<128x64xf32, #tpu.memory_space<hbm>>
      %dma_wait3A_314 = arith.constant 0 : i32
      %dma_wait3A_315 = arith.constant 0 : i32
      %dma_wait3A_316 = tpu.memref_slice %arg2[%arg0, %dma_wait3A_314, %dma_wait3A_315] : memref<2x10240x64xf32, #tpu.memory_space<hbm>> -> memref<1x10240x64xf32, #tpu.memory_space<hbm>>
      %dma_wait3A_317 = tpu.memref_squeeze %dma_wait3A_316 : memref<1x10240x64xf32, #tpu.memory_space<hbm>> -> memref<10240x64xf32, #tpu.memory_space<hbm>>
      %dma_wait3A_318 = arith.constant 0 : i32
      %dma_wait3A_319 = arith.constant 0 : i32
      %dma_wait3A_320 = tpu.memref_slice %dma_wait3A_317[%dma_wait3A_318, %dma_wait3A_319] : memref<10240x64xf32, #tpu.memory_space<hbm>> -> memref<128x64xf32, #tpu.memory_space<hbm>>
      tpu.wait_dma2 semaphore(%arg14 : memref<!tpu.dma_semaphore, #tpu.memory_space<semaphore_mem>>) src(%dma_wait3A_320 : memref<128x64xf32, #tpu.memory_space<hbm>>) dst(%arg8 : memref<128x64xf32, #tpu.memory_space<vmem>>)
      %sub3A_321 = arith.constant 1 : i32
      %sub3A_322 = arith.subi %add3A_282, %sub3A_321 : i32
      %dma_start3A_323 = arith.constant 0 : i32
      %dma_start3A_324 = tpu.memref_slice %arg7[%sub3A_322, %dma_start3A_323] : memref<160x128xi32, #tpu.memory_space<vmem>> -> memref<1x128xi32, #tpu.memory_space<vmem>>
      %dma_start3A_325 = tpu.memref_squeeze %dma_start3A_324 : memref<1x128xi32, #tpu.memory_space<vmem>> -> memref<128xi32, #tpu.memory_space<vmem>>
      %dma_start3A_326 = arith.constant 0 : i32
      %dma_start3A_327 = arith.constant 0 : i32
      %dma_start3A_328 = tpu.memref_slice %arg13[%dma_start3A_326, %dma_start3A_327] : memref<10240x64xf32, #tpu.memory_space<vmem_shared>> -> memref<10240x64xf32, #tpu.memory_space<vmem_shared>>
      tpu.enqueue_indirect_dma source(%arg8 : memref<128x64xf32, #tpu.memory_space<vmem>>) target(%dma_start3A_328 : memref<10240x64xf32, #tpu.memory_space<vmem_shared>>) offsets(%dma_start3A_325 : memref<128xi32, #tpu.memory_space<vmem>>) semaphore(%arg18 : memref<!tpu.dma_semaphore, #tpu.memory_space<semaphore_mem>>) {add = true}
      %mul3A_329 = arith.constant 4 : i32
      %mul3A_330 = arith.muli %scan3A_229, %mul3A_329 : i32
      %add3A_331 = arith.constant 2 : i32
      %add3A_332 = arith.addi %mul3A_330, %add3A_331 : i32
      %dma_wait3A_333 = arith.constant 0 : i32
      %dma_wait3A_334 = arith.constant 0 : i32
      %dma_wait3A_335 = tpu.memref_slice %arg2[%arg0, %dma_wait3A_333, %dma_wait3A_334] : memref<2x10240x64xf32, #tpu.memory_space<hbm>> -> memref<1x10240x64xf32, #tpu.memory_space<hbm>>
      %dma_wait3A_336 = tpu.memref_squeeze %dma_wait3A_335 : memref<1x10240x64xf32, #tpu.memory_space<hbm>> -> memref<10240x64xf32, #tpu.memory_space<hbm>>
      %dma_wait3A_337 = arith.constant 0 : i32
      %dma_wait3A_338 = arith.constant 0 : i32
      %dma_wait3A_339 = tpu.memref_slice %dma_wait3A_336[%dma_wait3A_337, %dma_wait3A_338] : memref<10240x64xf32, #tpu.memory_space<hbm>> -> memref<128x64xf32, #tpu.memory_space<hbm>>
      %dma_wait3A_340 = arith.constant 0 : i32
      %dma_wait3A_341 = arith.constant 0 : i32
      %dma_wait3A_342 = tpu.memref_slice %arg2[%arg0, %dma_wait3A_340, %dma_wait3A_341] : memref<2x10240x64xf32, #tpu.memory_space<hbm>> -> memref<1x10240x64xf32, #tpu.memory_space<hbm>>
      %dma_wait3A_343 = tpu.memref_squeeze %dma_wait3A_342 : memref<1x10240x64xf32, #tpu.memory_space<hbm>> -> memref<10240x64xf32, #tpu.memory_space<hbm>>
      %dma_wait3A_344 = arith.constant 0 : i32
      %dma_wait3A_345 = arith.constant 0 : i32
      %dma_wait3A_346 = tpu.memref_slice %dma_wait3A_343[%dma_wait3A_344, %dma_wait3A_345] : memref<10240x64xf32, #tpu.memory_space<hbm>> -> memref<128x64xf32, #tpu.memory_space<hbm>>
      tpu.wait_dma2 semaphore(%arg20 : memref<!tpu.dma_semaphore, #tpu.memory_space<semaphore_mem>>) src(%dma_wait3A_346 : memref<128x64xf32, #tpu.memory_space<hbm>>) dst(%arg10 : memref<128x64xf32, #tpu.memory_space<vmem>>)
      %dma_start3A_347 = arith.constant 0 : i32
      %dma_start3A_348 = tpu.memref_slice %arg6[%add3A_332, %dma_start3A_347] : memref<160x128xi32, #tpu.memory_space<vmem>> -> memref<1x128xi32, #tpu.memory_space<vmem>>
      %dma_start3A_349 = tpu.memref_squeeze %dma_start3A_348 : memref<1x128xi32, #tpu.memory_space<vmem>> -> memref<128xi32, #tpu.memory_space<vmem>>
      %dma_start3A_350 = arith.constant 0 : i32
      %dma_start3A_351 = arith.constant 0 : i32
      %dma_start3A_352 = tpu.memref_slice %arg2[%arg0, %dma_start3A_350, %dma_start3A_351] : memref<2x10240x64xf32, #tpu.memory_space<hbm>> -> memref<1x10240x64xf32, #tpu.memory_space<hbm>>
      %dma_start3A_353 = tpu.memref_squeeze %dma_start3A_352 : memref<1x10240x64xf32, #tpu.memory_space<hbm>> -> memref<10240x64xf32, #tpu.memory_space<hbm>>
      %dma_start3A_354 = arith.constant 0 : i32
      %dma_start3A_355 = arith.constant 0 : i32
      %dma_start3A_356 = tpu.memref_slice %dma_start3A_353[%dma_start3A_354, %dma_start3A_355] : memref<10240x64xf32, #tpu.memory_space<hbm>> -> memref<10240x64xf32, #tpu.memory_space<hbm>>
      tpu.enqueue_indirect_dma source(%dma_start3A_356 : memref<10240x64xf32, #tpu.memory_space<hbm>>) target(%arg10 : memref<128x64xf32, #tpu.memory_space<vmem>>) offsets(%dma_start3A_349 : memref<128xi32, #tpu.memory_space<vmem>>) semaphore(%arg16 : memref<!tpu.dma_semaphore, #tpu.memory_space<semaphore_mem>>)
      %dma_wait3A_357 = arith.constant 0 : i32
      %dma_wait3A_358 = arith.constant 0 : i32
      %dma_wait3A_359 = tpu.memref_slice %arg2[%arg0, %dma_wait3A_357, %dma_wait3A_358] : memref<2x10240x64xf32, #tpu.memory_space<hbm>> -> memref<1x10240x64xf32, #tpu.memory_space<hbm>>
      %dma_wait3A_360 = tpu.memref_squeeze %dma_wait3A_359 : memref<1x10240x64xf32, #tpu.memory_space<hbm>> -> memref<10240x64xf32, #tpu.memory_space<hbm>>
      %dma_wait3A_361 = arith.constant 0 : i32
      %dma_wait3A_362 = arith.constant 0 : i32
      %dma_wait3A_363 = tpu.memref_slice %dma_wait3A_360[%dma_wait3A_361, %dma_wait3A_362] : memref<10240x64xf32, #tpu.memory_space<hbm>> -> memref<128x64xf32, #tpu.memory_space<hbm>>
      %dma_wait3A_364 = arith.constant 0 : i32
      %dma_wait3A_365 = arith.constant 0 : i32
      %dma_wait3A_366 = tpu.memref_slice %arg2[%arg0, %dma_wait3A_364, %dma_wait3A_365] : memref<2x10240x64xf32, #tpu.memory_space<hbm>> -> memref<1x10240x64xf32, #tpu.memory_space<hbm>>
      %dma_wait3A_367 = tpu.memref_squeeze %dma_wait3A_366 : memref<1x10240x64xf32, #tpu.memory_space<hbm>> -> memref<10240x64xf32, #tpu.memory_space<hbm>>
      %dma_wait3A_368 = arith.constant 0 : i32
      %dma_wait3A_369 = arith.constant 0 : i32
      %dma_wait3A_370 = tpu.memref_slice %dma_wait3A_367[%dma_wait3A_368, %dma_wait3A_369] : memref<10240x64xf32, #tpu.memory_space<hbm>> -> memref<128x64xf32, #tpu.memory_space<hbm>>
      tpu.wait_dma2 semaphore(%arg15 : memref<!tpu.dma_semaphore, #tpu.memory_space<semaphore_mem>>) src(%dma_wait3A_370 : memref<128x64xf32, #tpu.memory_space<hbm>>) dst(%arg9 : memref<128x64xf32, #tpu.memory_space<vmem>>)
      %sub3A_371 = arith.constant 1 : i32
      %sub3A_372 = arith.subi %add3A_332, %sub3A_371 : i32
      %dma_start3A_373 = arith.constant 0 : i32
      %dma_start3A_374 = tpu.memref_slice %arg7[%sub3A_372, %dma_start3A_373] : memref<160x128xi32, #tpu.memory_space<vmem>> -> memref<1x128xi32, #tpu.memory_space<vmem>>
      %dma_start3A_375 = tpu.memref_squeeze %dma_start3A_374 : memref<1x128xi32, #tpu.memory_space<vmem>> -> memref<128xi32, #tpu.memory_space<vmem>>
      %dma_start3A_376 = arith.constant 0 : i32
      %dma_start3A_377 = arith.constant 0 : i32
      %dma_start3A_378 = tpu.memref_slice %arg13[%dma_start3A_376, %dma_start3A_377] : memref<10240x64xf32, #tpu.memory_space<vmem_shared>> -> memref<10240x64xf32, #tpu.memory_space<vmem_shared>>
      tpu.enqueue_indirect_dma source(%arg9 : memref<128x64xf32, #tpu.memory_space<vmem>>) target(%dma_start3A_378 : memref<10240x64xf32, #tpu.memory_space<vmem_shared>>) offsets(%dma_start3A_375 : memref<128xi32, #tpu.memory_space<vmem>>) semaphore(%arg19 : memref<!tpu.dma_semaphore, #tpu.memory_space<semaphore_mem>>) {add = true}
      %mul3A_379 = arith.constant 4 : i32
      %mul3A_380 = arith.muli %scan3A_229, %mul3A_379 : i32
      %add3A_381 = arith.constant 3 : i32
      %add3A_382 = arith.addi %mul3A_380, %add3A_381 : i32
      %dma_wait3A_383 = arith.constant 0 : i32
      %dma_wait3A_384 = arith.constant 0 : i32
      %dma_wait3A_385 = tpu.memref_slice %arg2[%arg0, %dma_wait3A_383, %dma_wait3A_384] : memref<2x10240x64xf32, #tpu.memory_space<hbm>> -> memref<1x10240x64xf32, #tpu.memory_space<hbm>>
      %dma_wait3A_386 = tpu.memref_squeeze %dma_wait3A_385 : memref<1x10240x64xf32, #tpu.memory_space<hbm>> -> memref<10240x64xf32, #tpu.memory_space<hbm>>
      %dma_wait3A_387 = arith.constant 0 : i32
      %dma_wait3A_388 = arith.constant 0 : i32
      %dma_wait3A_389 = tpu.memref_slice %dma_wait3A_386[%dma_wait3A_387, %dma_wait3A_388] : memref<10240x64xf32, #tpu.memory_space<hbm>> -> memref<128x64xf32, #tpu.memory_space<hbm>>
      %dma_wait3A_390 = arith.constant 0 : i32
      %dma_wait3A_391 = arith.constant 0 : i32
      %dma_wait3A_392 = tpu.memref_slice %arg2[%arg0, %dma_wait3A_390, %dma_wait3A_391] : memref<2x10240x64xf32, #tpu.memory_space<hbm>> -> memref<1x10240x64xf32, #tpu.memory_space<hbm>>
      %dma_wait3A_393 = tpu.memref_squeeze %dma_wait3A_392 : memref<1x10240x64xf32, #tpu.memory_space<hbm>> -> memref<10240x64xf32, #tpu.memory_space<hbm>>
      %dma_wait3A_394 = arith.constant 0 : i32
      %dma_wait3A_395 = arith.constant 0 : i32
      %dma_wait3A_396 = tpu.memref_slice %dma_wait3A_393[%dma_wait3A_394, %dma_wait3A_395] : memref<10240x64xf32, #tpu.memory_space<hbm>> -> memref<128x64xf32, #tpu.memory_space<hbm>>
      tpu.wait_dma2 semaphore(%arg21 : memref<!tpu.dma_semaphore, #tpu.memory_space<semaphore_mem>>) src(%dma_wait3A_396 : memref<128x64xf32, #tpu.memory_space<hbm>>) dst(%arg11 : memref<128x64xf32, #tpu.memory_space<vmem>>)
      %dma_start3A_397 = arith.constant 0 : i32
      %dma_start3A_398 = tpu.memref_slice %arg6[%add3A_382, %dma_start3A_397] : memref<160x128xi32, #tpu.memory_space<vmem>> -> memref<1x128xi32, #tpu.memory_space<vmem>>
      %dma_start3A_399 = tpu.memref_squeeze %dma_start3A_398 : memref<1x128xi32, #tpu.memory_space<vmem>> -> memref<128xi32, #tpu.memory_space<vmem>>
      %dma_start3A_400 = arith.constant 0 : i32
      %dma_start3A_401 = arith.constant 0 : i32
      %dma_start3A_402 = tpu.memref_slice %arg2[%arg0, %dma_start3A_400, %dma_start3A_401] : memref<2x10240x64xf32, #tpu.memory_space<hbm>> -> memref<1x10240x64xf32, #tpu.memory_space<hbm>>
      %dma_start3A_403 = tpu.memref_squeeze %dma_start3A_402 : memref<1x10240x64xf32, #tpu.memory_space<hbm>> -> memref<10240x64xf32, #tpu.memory_space<hbm>>
      %dma_start3A_404 = arith.constant 0 : i32
      %dma_start3A_405 = arith.constant 0 : i32
      %dma_start3A_406 = tpu.memref_slice %dma_start3A_403[%dma_start3A_404, %dma_start3A_405] : memref<10240x64xf32, #tpu.memory_space<hbm>> -> memref<10240x64xf32, #tpu.memory_space<hbm>>
      tpu.enqueue_indirect_dma source(%dma_start3A_406 : memref<10240x64xf32, #tpu.memory_space<hbm>>) target(%arg11 : memref<128x64xf32, #tpu.memory_space<vmem>>) offsets(%dma_start3A_399 : memref<128xi32, #tpu.memory_space<vmem>>) semaphore(%arg17 : memref<!tpu.dma_semaphore, #tpu.memory_space<semaphore_mem>>)
      %dma_wait3A_407 = arith.constant 0 : i32
      %dma_wait3A_408 = arith.constant 0 : i32
      %dma_wait3A_409 = tpu.memref_slice %arg2[%arg0, %dma_wait3A_407, %dma_wait3A_408] : memref<2x10240x64xf32, #tpu.memory_space<hbm>> -> memref<1x10240x64xf32, #tpu.memory_space<hbm>>
      %dma_wait3A_410 = tpu.memref_squeeze %dma_wait3A_409 : memref<1x10240x64xf32, #tpu.memory_space<hbm>> -> memref<10240x64xf32, #tpu.memory_space<hbm>>
      %dma_wait3A_411 = arith.constant 0 : i32
      %dma_wait3A_412 = arith.constant 0 : i32
      %dma_wait3A_413 = tpu.memref_slice %dma_wait3A_410[%dma_wait3A_411, %dma_wait3A_412] : memref<10240x64xf32, #tpu.memory_space<hbm>> -> memref<128x64xf32, #tpu.memory_space<hbm>>
      %dma_wait3A_414 = arith.constant 0 : i32
      %dma_wait3A_415 = arith.constant 0 : i32
      %dma_wait3A_416 = tpu.memref_slice %arg2[%arg0, %dma_wait3A_414, %dma_wait3A_415] : memref<2x10240x64xf32, #tpu.memory_space<hbm>> -> memref<1x10240x64xf32, #tpu.memory_space<hbm>>
      %dma_wait3A_417 = tpu.memref_squeeze %dma_wait3A_416 : memref<1x10240x64xf32, #tpu.memory_space<hbm>> -> memref<10240x64xf32, #tpu.memory_space<hbm>>
      %dma_wait3A_418 = arith.constant 0 : i32
      %dma_wait3A_419 = arith.constant 0 : i32
      %dma_wait3A_420 = tpu.memref_slice %dma_wait3A_417[%dma_wait3A_418, %dma_wait3A_419] : memref<10240x64xf32, #tpu.memory_space<hbm>> -> memref<128x64xf32, #tpu.memory_space<hbm>>
      tpu.wait_dma2 semaphore(%arg16 : memref<!tpu.dma_semaphore, #tpu.memory_space<semaphore_mem>>) src(%dma_wait3A_420 : memref<128x64xf32, #tpu.memory_space<hbm>>) dst(%arg10 : memref<128x64xf32, #tpu.memory_space<vmem>>)
      %sub3A_421 = arith.constant 1 : i32
      %sub3A_422 = arith.subi %add3A_382, %sub3A_421 : i32
      %dma_start3A_423 = arith.constant 0 : i32
      %dma_start3A_424 = tpu.memref_slice %arg7[%sub3A_422, %dma_start3A_423] : memref<160x128xi32, #tpu.memory_space<vmem>> -> memref<1x128xi32, #tpu.memory_space<vmem>>
      %dma_start3A_425 = tpu.memref_squeeze %dma_start3A_424 : memref<1x128xi32, #tpu.memory_space<vmem>> -> memref<128xi32, #tpu.memory_space<vmem>>
      %dma_start3A_426 = arith.constant 0 : i32
      %dma_start3A_427 = arith.constant 0 : i32
      %dma_start3A_428 = tpu.memref_slice %arg13[%dma_start3A_426, %dma_start3A_427] : memref<10240x64xf32, #tpu.memory_space<vmem_shared>> -> memref<10240x64xf32, #tpu.memory_space<vmem_shared>>
      tpu.enqueue_indirect_dma source(%arg10 : memref<128x64xf32, #tpu.memory_space<vmem>>) target(%dma_start3A_428 : memref<10240x64xf32, #tpu.memory_space<vmem_shared>>) offsets(%dma_start3A_425 : memref<128xi32, #tpu.memory_space<vmem>>) semaphore(%arg20 : memref<!tpu.dma_semaphore, #tpu.memory_space<semaphore_mem>>) {add = true}
    }
    %scan3A_134 = arith.constant 39 : i32
    %dma_wait3A_135 = arith.constant 0 : i32
    %dma_wait3A_136 = arith.constant 0 : i32
    %dma_wait3A_137 = tpu.memref_slice %arg2[%arg0, %dma_wait3A_135, %dma_wait3A_136] : memref<2x10240x64xf32, #tpu.memory_space<hbm>> -> memref<1x10240x64xf32, #tpu.memory_space<hbm>>
    %dma_wait3A_138 = tpu.memref_squeeze %dma_wait3A_137 : memref<1x10240x64xf32, #tpu.memory_space<hbm>> -> memref<10240x64xf32, #tpu.memory_space<hbm>>
    %dma_wait3A_139 = arith.constant 0 : i32
    %dma_wait3A_140 = arith.constant 0 : i32
    %dma_wait3A_141 = tpu.memref_slice %dma_wait3A_138[%dma_wait3A_139, %dma_wait3A_140] : memref<10240x64xf32, #tpu.memory_space<hbm>> -> memref<128x64xf32, #tpu.memory_space<hbm>>
    %dma_wait3A_142 = arith.constant 0 : i32
    %dma_wait3A_143 = arith.constant 0 : i32
    %dma_wait3A_144 = tpu.memref_slice %arg2[%arg0, %dma_wait3A_142, %dma_wait3A_143] : memref<2x10240x64xf32, #tpu.memory_space<hbm>> -> memref<1x10240x64xf32, #tpu.memory_space<hbm>>
    %dma_wait3A_145 = tpu.memref_squeeze %dma_wait3A_144 : memref<1x10240x64xf32, #tpu.memory_space<hbm>> -> memref<10240x64xf32, #tpu.memory_space<hbm>>
    %dma_wait3A_146 = arith.constant 0 : i32
    %dma_wait3A_147 = arith.constant 0 : i32
    %dma_wait3A_148 = tpu.memref_slice %dma_wait3A_145[%dma_wait3A_146, %dma_wait3A_147] : memref<10240x64xf32, #tpu.memory_space<hbm>> -> memref<128x64xf32, #tpu.memory_space<hbm>>
    tpu.wait_dma2 semaphore(%arg17 : memref<!tpu.dma_semaphore, #tpu.memory_space<semaphore_mem>>) src(%dma_wait3A_148 : memref<128x64xf32, #tpu.memory_space<hbm>>) dst(%arg11 : memref<128x64xf32, #tpu.memory_space<vmem>>)
    %dma_start3A_149 = arith.constant 159 : i32
    %dma_start3A_150 = arith.constant 0 : i32
    %dma_start3A_151 = tpu.memref_slice %arg7[%dma_start3A_149, %dma_start3A_150] : memref<160x128xi32, #tpu.memory_space<vmem>> -> memref<1x128xi32, #tpu.memory_space<vmem>>
    %dma_start3A_152 = tpu.memref_squeeze %dma_start3A_151 : memref<1x128xi32, #tpu.memory_space<vmem>> -> memref<128xi32, #tpu.memory_space<vmem>>
    %dma_start3A_153 = arith.constant 0 : i32
    %dma_start3A_154 = arith.constant 0 : i32
    %dma_start3A_155 = tpu.memref_slice %arg13[%dma_start3A_153, %dma_start3A_154] : memref<10240x64xf32, #tpu.memory_space<vmem_shared>> -> memref<10240x64xf32, #tpu.memory_space<vmem_shared>>
    tpu.enqueue_indirect_dma source(%arg11 : memref<128x64xf32, #tpu.memory_space<vmem>>) target(%dma_start3A_155 : memref<10240x64xf32, #tpu.memory_space<vmem_shared>>) offsets(%dma_start3A_152 : memref<128xi32, #tpu.memory_space<vmem>>) semaphore(%arg21 : memref<!tpu.dma_semaphore, #tpu.memory_space<semaphore_mem>>) {add = true}
    %dma_wait3A_156 = arith.constant 0 : i32
    %dma_wait3A_157 = arith.constant 0 : i32
    %dma_wait3A_158 = tpu.memref_slice %arg2[%arg0, %dma_wait3A_156, %dma_wait3A_157] : memref<2x10240x64xf32, #tpu.memory_space<hbm>> -> memref<1x10240x64xf32, #tpu.memory_space<hbm>>
    %dma_wait3A_159 = tpu.memref_squeeze %dma_wait3A_158 : memref<1x10240x64xf32, #tpu.memory_space<hbm>> -> memref<10240x64xf32, #tpu.memory_space<hbm>>
    %dma_wait3A_160 = arith.constant 0 : i32
    %dma_wait3A_161 = arith.constant 0 : i32
    %dma_wait3A_162 = tpu.memref_slice %dma_wait3A_159[%dma_wait3A_160, %dma_wait3A_161] : memref<10240x64xf32, #tpu.memory_space<hbm>> -> memref<128x64xf32, #tpu.memory_space<hbm>>
    %dma_wait3A_163 = arith.constant 0 : i32
    %dma_wait3A_164 = arith.constant 0 : i32
    %dma_wait3A_165 = tpu.memref_slice %arg2[%arg0, %dma_wait3A_163, %dma_wait3A_164] : memref<2x10240x64xf32, #tpu.memory_space<hbm>> -> memref<1x10240x64xf32, #tpu.memory_space<hbm>>
    %dma_wait3A_166 = tpu.memref_squeeze %dma_wait3A_165 : memref<1x10240x64xf32, #tpu.memory_space<hbm>> -> memref<10240x64xf32, #tpu.memory_space<hbm>>
    %dma_wait3A_167 = arith.constant 0 : i32
    %dma_wait3A_168 = arith.constant 0 : i32
    %dma_wait3A_169 = tpu.memref_slice %dma_wait3A_166[%dma_wait3A_167, %dma_wait3A_168] : memref<10240x64xf32, #tpu.memory_space<hbm>> -> memref<128x64xf32, #tpu.memory_space<hbm>>
    tpu.wait_dma2 semaphore(%arg18 : memref<!tpu.dma_semaphore, #tpu.memory_space<semaphore_mem>>) src(%dma_wait3A_169 : memref<128x64xf32, #tpu.memory_space<hbm>>) dst(%arg8 : memref<128x64xf32, #tpu.memory_space<vmem>>)
    %dma_wait3A_170 = arith.constant 0 : i32
    %dma_wait3A_171 = arith.constant 0 : i32
    %dma_wait3A_172 = tpu.memref_slice %arg2[%arg0, %dma_wait3A_170, %dma_wait3A_171] : memref<2x10240x64xf32, #tpu.memory_space<hbm>> -> memref<1x10240x64xf32, #tpu.memory_space<hbm>>
    %dma_wait3A_173 = tpu.memref_squeeze %dma_wait3A_172 : memref<1x10240x64xf32, #tpu.memory_space<hbm>> -> memref<10240x64xf32, #tpu.memory_space<hbm>>
    %dma_wait3A_174 = arith.constant 0 : i32
    %dma_wait3A_175 = arith.constant 0 : i32
    %dma_wait3A_176 = tpu.memref_slice %dma_wait3A_173[%dma_wait3A_174, %dma_wait3A_175] : memref<10240x64xf32, #tpu.memory_space<hbm>> -> memref<128x64xf32, #tpu.memory_space<hbm>>
    %dma_wait3A_177 = arith.constant 0 : i32
    %dma_wait3A_178 = arith.constant 0 : i32
    %dma_wait3A_179 = tpu.memref_slice %arg2[%arg0, %dma_wait3A_177, %dma_wait3A_178] : memref<2x10240x64xf32, #tpu.memory_space<hbm>> -> memref<1x10240x64xf32, #tpu.memory_space<hbm>>
    %dma_wait3A_180 = tpu.memref_squeeze %dma_wait3A_179 : memref<1x10240x64xf32, #tpu.memory_space<hbm>> -> memref<10240x64xf32, #tpu.memory_space<hbm>>
    %dma_wait3A_181 = arith.constant 0 : i32
    %dma_wait3A_182 = arith.constant 0 : i32
    %dma_wait3A_183 = tpu.memref_slice %dma_wait3A_180[%dma_wait3A_181, %dma_wait3A_182] : memref<10240x64xf32, #tpu.memory_space<hbm>> -> memref<128x64xf32, #tpu.memory_space<hbm>>
    tpu.wait_dma2 semaphore(%arg19 : memref<!tpu.dma_semaphore, #tpu.memory_space<semaphore_mem>>) src(%dma_wait3A_183 : memref<128x64xf32, #tpu.memory_space<hbm>>) dst(%arg9 : memref<128x64xf32, #tpu.memory_space<vmem>>)
    %dma_wait3A_184 = arith.constant 0 : i32
    %dma_wait3A_185 = arith.constant 0 : i32
    %dma_wait3A_186 = tpu.memref_slice %arg2[%arg0, %dma_wait3A_184, %dma_wait3A_185] : memref<2x10240x64xf32, #tpu.memory_space<hbm>> -> memref<1x10240x64xf32, #tpu.memory_space<hbm>>
    %dma_wait3A_187 = tpu.memref_squeeze %dma_wait3A_186 : memref<1x10240x64xf32, #tpu.memory_space<hbm>> -> memref<10240x64xf32, #tpu.memory_space<hbm>>
    %dma_wait3A_188 = arith.constant 0 : i32
    %dma_wait3A_189 = arith.constant 0 : i32
    %dma_wait3A_190 = tpu.memref_slice %dma_wait3A_187[%dma_wait3A_188, %dma_wait3A_189] : memref<10240x64xf32, #tpu.memory_space<hbm>> -> memref<128x64xf32, #tpu.memory_space<hbm>>
    %dma_wait3A_191 = arith.constant 0 : i32
    %dma_wait3A_192 = arith.constant 0 : i32
    %dma_wait3A_193 = tpu.memref_slice %arg2[%arg0, %dma_wait3A_191, %dma_wait3A_192] : memref<2x10240x64xf32, #tpu.memory_space<hbm>> -> memref<1x10240x64xf32, #tpu.memory_space<hbm>>
    %dma_wait3A_194 = tpu.memref_squeeze %dma_wait3A_193 : memref<1x10240x64xf32, #tpu.memory_space<hbm>> -> memref<10240x64xf32, #tpu.memory_space<hbm>>
    %dma_wait3A_195 = arith.constant 0 : i32
    %dma_wait3A_196 = arith.constant 0 : i32
    %dma_wait3A_197 = tpu.memref_slice %dma_wait3A_194[%dma_wait3A_195, %dma_wait3A_196] : memref<10240x64xf32, #tpu.memory_space<hbm>> -> memref<128x64xf32, #tpu.memory_space<hbm>>
    tpu.wait_dma2 semaphore(%arg20 : memref<!tpu.dma_semaphore, #tpu.memory_space<semaphore_mem>>) src(%dma_wait3A_197 : memref<128x64xf32, #tpu.memory_space<hbm>>) dst(%arg10 : memref<128x64xf32, #tpu.memory_space<vmem>>)
    %dma_wait3A_198 = arith.constant 0 : i32
    %dma_wait3A_199 = arith.constant 0 : i32
    %dma_wait3A_200 = tpu.memref_slice %arg2[%arg0, %dma_wait3A_198, %dma_wait3A_199] : memref<2x10240x64xf32, #tpu.memory_space<hbm>> -> memref<1x10240x64xf32, #tpu.memory_space<hbm>>
    %dma_wait3A_201 = tpu.memref_squeeze %dma_wait3A_200 : memref<1x10240x64xf32, #tpu.memory_space<hbm>> -> memref<10240x64xf32, #tpu.memory_space<hbm>>
    %dma_wait3A_202 = arith.constant 0 : i32
    %dma_wait3A_203 = arith.constant 0 : i32
    %dma_wait3A_204 = tpu.memref_slice %dma_wait3A_201[%dma_wait3A_202, %dma_wait3A_203] : memref<10240x64xf32, #tpu.memory_space<hbm>> -> memref<128x64xf32, #tpu.memory_space<hbm>>
    %dma_wait3A_205 = arith.constant 0 : i32
    %dma_wait3A_206 = arith.constant 0 : i32
    %dma_wait3A_207 = tpu.memref_slice %arg2[%arg0, %dma_wait3A_205, %dma_wait3A_206] : memref<2x10240x64xf32, #tpu.memory_space<hbm>> -> memref<1x10240x64xf32, #tpu.memory_space<hbm>>
    %dma_wait3A_208 = tpu.memref_squeeze %dma_wait3A_207 : memref<1x10240x64xf32, #tpu.memory_space<hbm>> -> memref<10240x64xf32, #tpu.memory_space<hbm>>
    %dma_wait3A_209 = arith.constant 0 : i32
    %dma_wait3A_210 = arith.constant 0 : i32
    %dma_wait3A_211 = tpu.memref_slice %dma_wait3A_208[%dma_wait3A_209, %dma_wait3A_210] : memref<10240x64xf32, #tpu.memory_space<hbm>> -> memref<128x64xf32, #tpu.memory_space<hbm>>
    tpu.wait_dma2 semaphore(%arg21 : memref<!tpu.dma_semaphore, #tpu.memory_space<semaphore_mem>>) src(%dma_wait3A_211 : memref<128x64xf32, #tpu.memory_space<hbm>>) dst(%arg11 : memref<128x64xf32, #tpu.memory_space<vmem>>)
    %barrier3A_212 = arith.constant 0 : index
    tpu.barrier barrier_id(%barrier3A_212)
    %mul3A_213 = arith.constant 640 : i32
    %mul3A_214 = arith.muli %arg1, %mul3A_213 : i32
    %add3A_215 = arith.constant 0 : i32
    %add3A_216 = arith.addi %mul3A_214, %add3A_215 : i32
    "tpu.region"() ({
      %run_scoped3A = tpu.sem_alloc : memref<!tpu.dma_semaphore, #tpu.memory_space<semaphore_mem>>
      %dma_start3A_229 = arith.constant 0 : i32
      %dma_start3A_230 = tpu.memref_slice %arg13[%add3A_216, %dma_start3A_229] : memref<10240x64xf32, #tpu.memory_space<vmem_shared>> -> memref<160x64xf32, #tpu.memory_space<vmem_shared>>
      %dma_start3A_231 = arith.constant 0 : i32
      %dma_start3A_232 = tpu.memref_slice %arg13[%add3A_216, %dma_start3A_231] : memref<10240x64xf32, #tpu.memory_space<vmem_shared>> -> memref<160x64xf32, #tpu.memory_space<vmem_shared>>
      tpu.enqueue_dma source(%dma_start3A_232 : memref<160x64xf32, #tpu.memory_space<vmem_shared>>) target(%arg12 : memref<160x64xf32, #tpu.memory_space<vmem>>) target_semaphore(%run_scoped3A : memref<!tpu.dma_semaphore, #tpu.memory_space<semaphore_mem>>)
      %dma_wait3A_233 = arith.constant 0 : i32
      %dma_wait3A_234 = tpu.memref_slice %arg13[%add3A_216, %dma_wait3A_233] : memref<10240x64xf32, #tpu.memory_space<vmem_shared>> -> memref<160x64xf32, #tpu.memory_space<vmem_shared>>
      %dma_wait3A_235 = arith.constant 0 : i32
      %dma_wait3A_236 = tpu.memref_slice %arg13[%add3A_216, %dma_wait3A_235] : memref<10240x64xf32, #tpu.memory_space<vmem_shared>> -> memref<160x64xf32, #tpu.memory_space<vmem_shared>>
      tpu.wait_dma2 semaphore(%run_scoped3A : memref<!tpu.dma_semaphore, #tpu.memory_space<semaphore_mem>>) src(%dma_wait3A_236 : memref<160x64xf32, #tpu.memory_space<vmem_shared>>) dst(%arg12 : memref<160x64xf32, #tpu.memory_space<vmem>>)
      tpu.yield
    }) : () -> ()
    "tpu.region"() ({
      %run_scoped3A = tpu.sem_alloc : memref<!tpu.dma_semaphore, #tpu.memory_space<semaphore_mem>>
      %dma_start3A_229 = arith.constant 0 : i32
      %dma_start3A_230 = tpu.memref_slice %arg5[%arg0, %add3A_216, %dma_start3A_229] : memref<2x10240x64xf32, #tpu.memory_space<hbm>> -> memref<1x160x64xf32, #tpu.memory_space<hbm>>
      %dma_start3A_231 = tpu.memref_squeeze %dma_start3A_230 : memref<1x160x64xf32, #tpu.memory_space<hbm>> -> memref<160x64xf32, #tpu.memory_space<hbm>>
      %dma_start3A_232 = arith.constant 0 : i32
      %dma_start3A_233 = tpu.memref_slice %arg5[%arg0, %add3A_216, %dma_start3A_232] : memref<2x10240x64xf32, #tpu.memory_space<hbm>> -> memref<1x160x64xf32, #tpu.memory_space<hbm>>
      %dma_start3A_234 = tpu.memref_squeeze %dma_start3A_233 : memref<1x160x64xf32, #tpu.memory_space<hbm>> -> memref<160x64xf32, #tpu.memory_space<hbm>>
      tpu.enqueue_dma source(%arg12 : memref<160x64xf32, #tpu.memory_space<vmem>>) target(%dma_start3A_234 : memref<160x64xf32, #tpu.memory_space<hbm>>) target_semaphore(%run_scoped3A : memref<!tpu.dma_semaphore, #tpu.memory_space<semaphore_mem>>)
      %dma_wait3A_235 = arith.constant 0 : i32
      %dma_wait3A_236 = tpu.memref_slice %arg5[%arg0, %add3A_216, %dma_wait3A_235] : memref<2x10240x64xf32, #tpu.memory_space<hbm>> -> memref<1x160x64xf32, #tpu.memory_space<hbm>>
      %dma_wait3A_237 = tpu.memref_squeeze %dma_wait3A_236 : memref<1x160x64xf32, #tpu.memory_space<hbm>> -> memref<160x64xf32, #tpu.memory_space<hbm>>
      %dma_wait3A_238 = arith.constant 0 : i32
      %dma_wait3A_239 = tpu.memref_slice %arg5[%arg0, %add3A_216, %dma_wait3A_238] : memref<2x10240x64xf32, #tpu.memory_space<hbm>> -> memref<1x160x64xf32, #tpu.memory_space<hbm>>
      %dma_wait3A_240 = tpu.memref_squeeze %dma_wait3A_239 : memref<1x160x64xf32, #tpu.memory_space<hbm>> -> memref<160x64xf32, #tpu.memory_space<hbm>>
      tpu.wait_dma2 semaphore(%run_scoped3A : memref<!tpu.dma_semaphore, #tpu.memory_space<semaphore_mem>>) src(%arg12 : memref<160x64xf32, #tpu.memory_space<vmem>>) dst(%dma_wait3A_240 : memref<160x64xf32, #tpu.memory_space<hbm>>)
      tpu.yield
    }) : () -> ()
    %mul3A_217 = arith.constant 640 : i32
    %mul3A_218 = arith.muli %arg1, %mul3A_217 : i32
    %add3A_219 = arith.constant 160 : i32
    %add3A_220 = arith.addi %mul3A_218, %add3A_219 : i32
    "tpu.region"() ({
      %run_scoped3A = tpu.sem_alloc : memref<!tpu.dma_semaphore, #tpu.memory_space<semaphore_mem>>
      %dma_start3A_229 = arith.constant 0 : i32
      %dma_start3A_230 = tpu.memref_slice %arg13[%add3A_220, %dma_start3A_229] : memref<10240x64xf32, #tpu.memory_space<vmem_shared>> -> memref<160x64xf32, #tpu.memory_space<vmem_shared>>
      %dma_start3A_231 = arith.constant 0 : i32
      %dma_start3A_232 = tpu.memref_slice %arg13[%add3A_220, %dma_start3A_231] : memref<10240x64xf32, #tpu.memory_space<vmem_shared>> -> memref<160x64xf32, #tpu.memory_space<vmem_shared>>
      tpu.enqueue_dma source(%dma_start3A_232 : memref<160x64xf32, #tpu.memory_space<vmem_shared>>) target(%arg12 : memref<160x64xf32, #tpu.memory_space<vmem>>) target_semaphore(%run_scoped3A : memref<!tpu.dma_semaphore, #tpu.memory_space<semaphore_mem>>)
      %dma_wait3A_233 = arith.constant 0 : i32
      %dma_wait3A_234 = tpu.memref_slice %arg13[%add3A_220, %dma_wait3A_233] : memref<10240x64xf32, #tpu.memory_space<vmem_shared>> -> memref<160x64xf32, #tpu.memory_space<vmem_shared>>
      %dma_wait3A_235 = arith.constant 0 : i32
      %dma_wait3A_236 = tpu.memref_slice %arg13[%add3A_220, %dma_wait3A_235] : memref<10240x64xf32, #tpu.memory_space<vmem_shared>> -> memref<160x64xf32, #tpu.memory_space<vmem_shared>>
      tpu.wait_dma2 semaphore(%run_scoped3A : memref<!tpu.dma_semaphore, #tpu.memory_space<semaphore_mem>>) src(%dma_wait3A_236 : memref<160x64xf32, #tpu.memory_space<vmem_shared>>) dst(%arg12 : memref<160x64xf32, #tpu.memory_space<vmem>>)
      tpu.yield
    }) : () -> ()
    "tpu.region"() ({
      %run_scoped3A = tpu.sem_alloc : memref<!tpu.dma_semaphore, #tpu.memory_space<semaphore_mem>>
      %dma_start3A_229 = arith.constant 0 : i32
      %dma_start3A_230 = tpu.memref_slice %arg5[%arg0, %add3A_220, %dma_start3A_229] : memref<2x10240x64xf32, #tpu.memory_space<hbm>> -> memref<1x160x64xf32, #tpu.memory_space<hbm>>
      %dma_start3A_231 = tpu.memref_squeeze %dma_start3A_230 : memref<1x160x64xf32, #tpu.memory_space<hbm>> -> memref<160x64xf32, #tpu.memory_space<hbm>>
      %dma_start3A_232 = arith.constant 0 : i32
      %dma_start3A_233 = tpu.memref_slice %arg5[%arg0, %add3A_220, %dma_start3A_232] : memref<2x10240x64xf32, #tpu.memory_space<hbm>> -> memref<1x160x64xf32, #tpu.memory_space<hbm>>
      %dma_start3A_234 = tpu.memref_squeeze %dma_start3A_233 : memref<1x160x64xf32, #tpu.memory_space<hbm>> -> memref<160x64xf32, #tpu.memory_space<hbm>>
      tpu.enqueue_dma source(%arg12 : memref<160x64xf32, #tpu.memory_space<vmem>>) target(%dma_start3A_234 : memref<160x64xf32, #tpu.memory_space<hbm>>) target_semaphore(%run_scoped3A : memref<!tpu.dma_semaphore, #tpu.memory_space<semaphore_mem>>)
      %dma_wait3A_235 = arith.constant 0 : i32
      %dma_wait3A_236 = tpu.memref_slice %arg5[%arg0, %add3A_220, %dma_wait3A_235] : memref<2x10240x64xf32, #tpu.memory_space<hbm>> -> memref<1x160x64xf32, #tpu.memory_space<hbm>>
      %dma_wait3A_237 = tpu.memref_squeeze %dma_wait3A_236 : memref<1x160x64xf32, #tpu.memory_space<hbm>> -> memref<160x64xf32, #tpu.memory_space<hbm>>
      %dma_wait3A_238 = arith.constant 0 : i32
      %dma_wait3A_239 = tpu.memref_slice %arg5[%arg0, %add3A_220, %dma_wait3A_238] : memref<2x10240x64xf32, #tpu.memory_space<hbm>> -> memref<1x160x64xf32, #tpu.memory_space<hbm>>
      %dma_wait3A_240 = tpu.memref_squeeze %dma_wait3A_239 : memref<1x160x64xf32, #tpu.memory_space<hbm>> -> memref<160x64xf32, #tpu.memory_space<hbm>>
      tpu.wait_dma2 semaphore(%run_scoped3A : memref<!tpu.dma_semaphore, #tpu.memory_space<semaphore_mem>>) src(%arg12 : memref<160x64xf32, #tpu.memory_space<vmem>>) dst(%dma_wait3A_240 : memref<160x64xf32, #tpu.memory_space<hbm>>)
      tpu.yield
    }) : () -> ()
    %mul3A_221 = arith.constant 640 : i32
    %mul3A_222 = arith.muli %arg1, %mul3A_221 : i32
    %add3A_223 = arith.constant 320 : i32
    %add3A_224 = arith.addi %mul3A_222, %add3A_223 : i32
    "tpu.region"() ({
      %run_scoped3A = tpu.sem_alloc : memref<!tpu.dma_semaphore, #tpu.memory_space<semaphore_mem>>
      %dma_start3A_229 = arith.constant 0 : i32
      %dma_start3A_230 = tpu.memref_slice %arg13[%add3A_224, %dma_start3A_229] : memref<10240x64xf32, #tpu.memory_space<vmem_shared>> -> memref<160x64xf32, #tpu.memory_space<vmem_shared>>
      %dma_start3A_231 = arith.constant 0 : i32
      %dma_start3A_232 = tpu.memref_slice %arg13[%add3A_224, %dma_start3A_231] : memref<10240x64xf32, #tpu.memory_space<vmem_shared>> -> memref<160x64xf32, #tpu.memory_space<vmem_shared>>
      tpu.enqueue_dma source(%dma_start3A_232 : memref<160x64xf32, #tpu.memory_space<vmem_shared>>) target(%arg12 : memref<160x64xf32, #tpu.memory_space<vmem>>) target_semaphore(%run_scoped3A : memref<!tpu.dma_semaphore, #tpu.memory_space<semaphore_mem>>)
      %dma_wait3A_233 = arith.constant 0 : i32
      %dma_wait3A_234 = tpu.memref_slice %arg13[%add3A_224, %dma_wait3A_233] : memref<10240x64xf32, #tpu.memory_space<vmem_shared>> -> memref<160x64xf32, #tpu.memory_space<vmem_shared>>
      %dma_wait3A_235 = arith.constant 0 : i32
      %dma_wait3A_236 = tpu.memref_slice %arg13[%add3A_224, %dma_wait3A_235] : memref<10240x64xf32, #tpu.memory_space<vmem_shared>> -> memref<160x64xf32, #tpu.memory_space<vmem_shared>>
      tpu.wait_dma2 semaphore(%run_scoped3A : memref<!tpu.dma_semaphore, #tpu.memory_space<semaphore_mem>>) src(%dma_wait3A_236 : memref<160x64xf32, #tpu.memory_space<vmem_shared>>) dst(%arg12 : memref<160x64xf32, #tpu.memory_space<vmem>>)
      tpu.yield
    }) : () -> ()
    "tpu.region"() ({
      %run_scoped3A = tpu.sem_alloc : memref<!tpu.dma_semaphore, #tpu.memory_space<semaphore_mem>>
      %dma_start3A_229 = arith.constant 0 : i32
      %dma_start3A_230 = tpu.memref_slice %arg5[%arg0, %add3A_224, %dma_start3A_229] : memref<2x10240x64xf32, #tpu.memory_space<hbm>> -> memref<1x160x64xf32, #tpu.memory_space<hbm>>
      %dma_start3A_231 = tpu.memref_squeeze %dma_start3A_230 : memref<1x160x64xf32, #tpu.memory_space<hbm>> -> memref<160x64xf32, #tpu.memory_space<hbm>>
      %dma_start3A_232 = arith.constant 0 : i32
      %dma_start3A_233 = tpu.memref_slice %arg5[%arg0, %add3A_224, %dma_start3A_232] : memref<2x10240x64xf32, #tpu.memory_space<hbm>> -> memref<1x160x64xf32, #tpu.memory_space<hbm>>
      %dma_start3A_234 = tpu.memref_squeeze %dma_start3A_233 : memref<1x160x64xf32, #tpu.memory_space<hbm>> -> memref<160x64xf32, #tpu.memory_space<hbm>>
      tpu.enqueue_dma source(%arg12 : memref<160x64xf32, #tpu.memory_space<vmem>>) target(%dma_start3A_234 : memref<160x64xf32, #tpu.memory_space<hbm>>) target_semaphore(%run_scoped3A : memref<!tpu.dma_semaphore, #tpu.memory_space<semaphore_mem>>)
      %dma_wait3A_235 = arith.constant 0 : i32
      %dma_wait3A_236 = tpu.memref_slice %arg5[%arg0, %add3A_224, %dma_wait3A_235] : memref<2x10240x64xf32, #tpu.memory_space<hbm>> -> memref<1x160x64xf32, #tpu.memory_space<hbm>>
      %dma_wait3A_237 = tpu.memref_squeeze %dma_wait3A_236 : memref<1x160x64xf32, #tpu.memory_space<hbm>> -> memref<160x64xf32, #tpu.memory_space<hbm>>
      %dma_wait3A_238 = arith.constant 0 : i32
      %dma_wait3A_239 = tpu.memref_slice %arg5[%arg0, %add3A_224, %dma_wait3A_238] : memref<2x10240x64xf32, #tpu.memory_space<hbm>> -> memref<1x160x64xf32, #tpu.memory_space<hbm>>
      %dma_wait3A_240 = tpu.memref_squeeze %dma_wait3A_239 : memref<1x160x64xf32, #tpu.memory_space<hbm>> -> memref<160x64xf32, #tpu.memory_space<hbm>>
      tpu.wait_dma2 semaphore(%run_scoped3A : memref<!tpu.dma_semaphore, #tpu.memory_space<semaphore_mem>>) src(%arg12 : memref<160x64xf32, #tpu.memory_space<vmem>>) dst(%dma_wait3A_240 : memref<160x64xf32, #tpu.memory_space<hbm>>)
      tpu.yield
    }) : () -> ()
    %mul3A_225 = arith.constant 640 : i32
    %mul3A_226 = arith.muli %arg1, %mul3A_225 : i32
    %add3A_227 = arith.constant 480 : i32
    %add3A_228 = arith.addi %mul3A_226, %add3A_227 : i32
    "tpu.region"() ({
      %run_scoped3A = tpu.sem_alloc : memref<!tpu.dma_semaphore, #tpu.memory_space<semaphore_mem>>
      %dma_start3A_229 = arith.constant 0 : i32
      %dma_start3A_230 = tpu.memref_slice %arg13[%add3A_228, %dma_start3A_229] : memref<10240x64xf32, #tpu.memory_space<vmem_shared>> -> memref<160x64xf32, #tpu.memory_space<vmem_shared>>
      %dma_start3A_231 = arith.constant 0 : i32
      %dma_start3A_232 = tpu.memref_slice %arg13[%add3A_228, %dma_start3A_231] : memref<10240x64xf32, #tpu.memory_space<vmem_shared>> -> memref<160x64xf32, #tpu.memory_space<vmem_shared>>
      tpu.enqueue_dma source(%dma_start3A_232 : memref<160x64xf32, #tpu.memory_space<vmem_shared>>) target(%arg12 : memref<160x64xf32, #tpu.memory_space<vmem>>) target_semaphore(%run_scoped3A : memref<!tpu.dma_semaphore, #tpu.memory_space<semaphore_mem>>)
      %dma_wait3A_233 = arith.constant 0 : i32
      %dma_wait3A_234 = tpu.memref_slice %arg13[%add3A_228, %dma_wait3A_233] : memref<10240x64xf32, #tpu.memory_space<vmem_shared>> -> memref<160x64xf32, #tpu.memory_space<vmem_shared>>
      %dma_wait3A_235 = arith.constant 0 : i32
      %dma_wait3A_236 = tpu.memref_slice %arg13[%add3A_228, %dma_wait3A_235] : memref<10240x64xf32, #tpu.memory_space<vmem_shared>> -> memref<160x64xf32, #tpu.memory_space<vmem_shared>>
      tpu.wait_dma2 semaphore(%run_scoped3A : memref<!tpu.dma_semaphore, #tpu.memory_space<semaphore_mem>>) src(%dma_wait3A_236 : memref<160x64xf32, #tpu.memory_space<vmem_shared>>) dst(%arg12 : memref<160x64xf32, #tpu.memory_space<vmem>>)
      tpu.yield
    }) : () -> ()
    "tpu.region"() ({
      %run_scoped3A = tpu.sem_alloc : memref<!tpu.dma_semaphore, #tpu.memory_space<semaphore_mem>>
      %dma_start3A_229 = arith.constant 0 : i32
      %dma_start3A_230 = tpu.memref_slice %arg5[%arg0, %add3A_228, %dma_start3A_229] : memref<2x10240x64xf32, #tpu.memory_space<hbm>> -> memref<1x160x64xf32, #tpu.memory_space<hbm>>
      %dma_start3A_231 = tpu.memref_squeeze %dma_start3A_230 : memref<1x160x64xf32, #tpu.memory_space<hbm>> -> memref<160x64xf32, #tpu.memory_space<hbm>>
      %dma_start3A_232 = arith.constant 0 : i32
      %dma_start3A_233 = tpu.memref_slice %arg5[%arg0, %add3A_228, %dma_start3A_232] : memref<2x10240x64xf32, #tpu.memory_space<hbm>> -> memref<1x160x64xf32, #tpu.memory_space<hbm>>
      %dma_start3A_234 = tpu.memref_squeeze %dma_start3A_233 : memref<1x160x64xf32, #tpu.memory_space<hbm>> -> memref<160x64xf32, #tpu.memory_space<hbm>>
      tpu.enqueue_dma source(%arg12 : memref<160x64xf32, #tpu.memory_space<vmem>>) target(%dma_start3A_234 : memref<160x64xf32, #tpu.memory_space<hbm>>) target_semaphore(%run_scoped3A : memref<!tpu.dma_semaphore, #tpu.memory_space<semaphore_mem>>)
      %dma_wait3A_235 = arith.constant 0 : i32
      %dma_wait3A_236 = tpu.memref_slice %arg5[%arg0, %add3A_228, %dma_wait3A_235] : memref<2x10240x64xf32, #tpu.memory_space<hbm>> -> memref<1x160x64xf32, #tpu.memory_space<hbm>>
      %dma_wait3A_237 = tpu.memref_squeeze %dma_wait3A_236 : memref<1x160x64xf32, #tpu.memory_space<hbm>> -> memref<160x64xf32, #tpu.memory_space<hbm>>
      %dma_wait3A_238 = arith.constant 0 : i32
      %dma_wait3A_239 = tpu.memref_slice %arg5[%arg0, %add3A_228, %dma_wait3A_238] : memref<2x10240x64xf32, #tpu.memory_space<hbm>> -> memref<1x160x64xf32, #tpu.memory_space<hbm>>
      %dma_wait3A_240 = tpu.memref_squeeze %dma_wait3A_239 : memref<1x160x64xf32, #tpu.memory_space<hbm>> -> memref<160x64xf32, #tpu.memory_space<hbm>>
      tpu.wait_dma2 semaphore(%run_scoped3A : memref<!tpu.dma_semaphore, #tpu.memory_space<semaphore_mem>>) src(%arg12 : memref<160x64xf32, #tpu.memory_space<vmem>>) dst(%dma_wait3A_240 : memref<160x64xf32, #tpu.memory_space<hbm>>)
      tpu.yield
    }) : () -> ()
    return
  }
}

module attributes {stable_mosaic.version = 14 : i64} {
  func.func @_pre_body(%arg0: i32, %arg1: memref<1280x128xf32, #tpu.memory_space<vmem>>, %arg2: memref<128x128xf32, #tpu.memory_space<vmem>>, %arg3: memref<2x1280x16xf32, #tpu.memory_space<vmem>>, %arg4: memref<2x1280x64xf32, #tpu.memory_space<vmem>>) attributes {dimension_semantics = [#tpu.dimension_semantics<arbitrary>], iteration_bounds = array<i64: 8>, scalar_prefetch = 0 : i64, scratch_operands = 0 : i64, tpu.core_type = #tpu.core_type<tc>, window_params = [{transform_indices = @transform_0, window_bounds = array<i64: 1280, 128>}, {pipeline_mode = #tpu.pipeline_mode<synchronous>, transform_indices = @transform_1, window_bounds = array<i64: 128, 128>}, {transform_indices = @transform_2, window_bounds = array<i64: 2, 1280, 16>}, {transform_indices = @transform_3, window_bounds = array<i64: 2, 1280, 64>}]} {
    %get3A = arith.constant 0 : index
    %get3A_0 = arith.constant 0 : index
    %get3A_1 = vector.load %arg1[%get3A, %get3A_0] : memref<1280x128xf32, #tpu.memory_space<vmem>>, vector<1280x128xf32>
    %get3A_2 = arith.constant 0 : index
    %get3A_3 = arith.constant 0 : index
    %get3A_4 = vector.load %arg2[%get3A_2, %get3A_3] : memref<128x128xf32, #tpu.memory_space<vmem>>, vector<128x128xf32>
    %dot_general3A = arith.constant dense<0.000000e+00> : vector<1280x128xf32>
    %dot_general3A_5 = tpu.matmul %get3A_1, %get3A_4, %dot_general3A {dimension_numbers = #tpu.dot_dimension_numbers<[1], [0], [0], [1], [0, 0, 1, 1], [], []>, transpose_lhs_hint = false} : vector<1280x128xf32>, vector<128x128xf32>, vector<1280x128xf32> -> vector<1280x128xf32>
    %get3A_6 = arith.constant 0 : index
    %get3A_7 = arith.constant 0 : index
    %get3A_8 = arith.constant 0 : index
    %get3A_9 = vector.load %arg3[%get3A_6, %get3A_7, %get3A_8] : memref<2x1280x16xf32, #tpu.memory_space<vmem>>, vector<1x1280x1xf32>
    %get3A_10 = vector.shape_cast %get3A_9 : vector<1x1280x1xf32> to vector<1280x1xf32>
    %get3A_11 = arith.constant 1 : index
    %get3A_12 = arith.constant 0 : index
    %get3A_13 = arith.constant 0 : index
    %get3A_14 = vector.load %arg3[%get3A_11, %get3A_12, %get3A_13] : memref<2x1280x16xf32, #tpu.memory_space<vmem>>, vector<1x1280x1xf32>
    %get3A_15 = vector.shape_cast %get3A_14 : vector<1x1280x1xf32> to vector<1280x1xf32>
    %add3A = arith.addf %get3A_10, %get3A_15 : vector<1280x1xf32>
    %add3A_16 = arith.constant 1.000000e+00 : f32
    %add3A_17 = vector.broadcast %add3A_16 : f32 to vector<1280x1xf32>
    %add3A_18 = arith.addf %add3A, %add3A_17 : vector<1280x1xf32>
    %rsqrt3A = math.rsqrt %add3A_18 : vector<1280x1xf32>
    %mul3A = vector.broadcast %rsqrt3A : vector<1280x1xf32> to vector<1280x128xf32>
    %mul3A_19 = arith.mulf %dot_general3A_5, %mul3A : vector<1280x128xf32>
    %slice3A = vector.extract_strided_slice %mul3A_19 {offsets = [0, 0], sizes = [1280, 64], strides = [1, 1]} : vector<1280x128xf32> to vector<1280x64xf32>
    %swap3A = arith.constant 0 : index
    %swap3A_20 = arith.constant 0 : index
    %swap3A_21 = arith.constant 0 : index
    %swap3A_22 = vector.load %arg4[%swap3A, %swap3A_20, %swap3A_21] : memref<2x1280x64xf32, #tpu.memory_space<vmem>>, vector<1x1280x64xf32>
    %swap3A_23 = vector.shape_cast %swap3A_22 : vector<1x1280x64xf32> to vector<1280x64xf32>
    %swap3A_24 = vector.shape_cast %slice3A : vector<1280x64xf32> to vector<1x1280x64xf32>
    tpu.vector_store %arg4[%swap3A, %swap3A_20, %swap3A_21], %swap3A_24 {strides = array<i32>} : memref<2x1280x64xf32, #tpu.memory_space<vmem>>, vector<1x1280x64xf32>,
    %slice3A_25 = vector.extract_strided_slice %mul3A_19 {offsets = [0, 64], sizes = [1280, 64], strides = [1, 1]} : vector<1280x128xf32> to vector<1280x64xf32>
    %swap3A_26 = arith.constant 1 : index
    %swap3A_27 = arith.constant 0 : index
    %swap3A_28 = arith.constant 0 : index
    %swap3A_29 = vector.load %arg4[%swap3A_26, %swap3A_27, %swap3A_28] : memref<2x1280x64xf32, #tpu.memory_space<vmem>>, vector<1x1280x64xf32>
    %swap3A_30 = vector.shape_cast %swap3A_29 : vector<1x1280x64xf32> to vector<1280x64xf32>
    %swap3A_31 = vector.shape_cast %slice3A_25 : vector<1280x64xf32> to vector<1x1280x64xf32>
    tpu.vector_store %arg4[%swap3A_26, %swap3A_27, %swap3A_28], %swap3A_31 {strides = array<i32>} : memref<2x1280x64xf32, #tpu.memory_space<vmem>>, vector<1x1280x64xf32>,
    return
  }
  func.func @transform_0(%arg0: i32) -> (i32, i32) {
    %c0_i32 = arith.constant 0 : i32
    %c0_i32_0 = arith.constant 0 : i32
    return %arg0, %c0_i32 : i32, i32
  }
  func.func @transform_1(%arg0: i32) -> (i32, i32) {
    %c0_i32 = arith.constant 0 : i32
    %c0_i32_0 = arith.constant 0 : i32
    %c0_i32_1 = arith.constant 0 : i32
    return %c0_i32, %c0_i32_0 : i32, i32
  }
  func.func @transform_2(%arg0: i32) -> (i32, i32, i32) {
    %c0_i32 = arith.constant 0 : i32
    %c0_i32_0 = arith.constant 0 : i32
    %c0_i32_1 = arith.constant 0 : i32
    return %c0_i32, %arg0, %c0_i32_0 : i32, i32, i32
  }
  func.func @transform_3(%arg0: i32) -> (i32, i32, i32) {
    %c0_i32 = arith.constant 0 : i32
    %c0_i32_0 = arith.constant 0 : i32
    %c0_i32_1 = arith.constant 0 : i32
    return %c0_i32, %arg0, %c0_i32_0 : i32, i32, i32
  }
}

module attributes {stable_mosaic.version = 14 : i64} {
  func.func @_mid_body(%arg0: i32, %arg1: memref<2x1280x64xf32, #tpu.memory_space<vmem>>, %arg2: memref<2x1280x64xf32, #tpu.memory_space<vmem>>, %arg3: memref<2x1280x16xf32, #tpu.memory_space<vmem>>, %arg4: memref<1x128xf32, #tpu.memory_space<vmem>>, %arg5: memref<128x128xf32, #tpu.memory_space<vmem>>, %arg6: memref<2x1280x64xf32, #tpu.memory_space<vmem>>) attributes {dimension_semantics = [#tpu.dimension_semantics<arbitrary>], iteration_bounds = array<i64: 8>, scalar_prefetch = 0 : i64, scratch_operands = 0 : i64, tpu.core_type = #tpu.core_type<tc>, window_params = [{transform_indices = @transform_0, window_bounds = array<i64: 2, 1280, 64>}, {transform_indices = @transform_1, window_bounds = array<i64: 2, 1280, 64>}, {transform_indices = @transform_2, window_bounds = array<i64: 2, 1280, 16>}, {pipeline_mode = #tpu.pipeline_mode<synchronous>, transform_indices = @transform_3, window_bounds = array<i64: 1, 128>}, {pipeline_mode = #tpu.pipeline_mode<synchronous>, transform_indices = @transform_4, window_bounds = array<i64: 128, 128>}, {transform_indices = @transform_5, window_bounds = array<i64: 2, 1280, 64>}]} {
    %get3A = arith.constant 0 : index
    %get3A_0 = arith.constant 0 : index
    %get3A_1 = arith.constant 0 : index
    %get3A_2 = vector.load %arg3[%get3A, %get3A_0, %get3A_1] : memref<2x1280x16xf32, #tpu.memory_space<vmem>>, vector<1x1280x1xf32>
    %get3A_3 = vector.shape_cast %get3A_2 : vector<1x1280x1xf32> to vector<1280x1xf32>
    %get3A_4 = arith.constant 1 : index
    %get3A_5 = arith.constant 0 : index
    %get3A_6 = arith.constant 0 : index
    %get3A_7 = vector.load %arg3[%get3A_4, %get3A_5, %get3A_6] : memref<2x1280x16xf32, #tpu.memory_space<vmem>>, vector<1x1280x1xf32>
    %get3A_8 = vector.shape_cast %get3A_7 : vector<1x1280x1xf32> to vector<1280x1xf32>
    %add3A = arith.addf %get3A_3, %get3A_8 : vector<1280x1xf32>
    %add3A_9 = arith.constant 1.000000e+00 : f32
    %add3A_10 = vector.broadcast %add3A_9 : f32 to vector<1280x1xf32>
    %add3A_11 = arith.addf %add3A, %add3A_10 : vector<1280x1xf32>
    %rsqrt3A = math.rsqrt %add3A_11 : vector<1280x1xf32>
    %get3A_12 = arith.constant 0 : index
    %get3A_13 = arith.constant 0 : index
    %get3A_14 = arith.constant 0 : index
    %get3A_15 = vector.load %arg1[%get3A_12, %get3A_13, %get3A_14] : memref<2x1280x64xf32, #tpu.memory_space<vmem>>, vector<1x1280x64xf32>
    %get3A_16 = vector.shape_cast %get3A_15 : vector<1x1280x64xf32> to vector<1280x64xf32>
    %get3A_17 = arith.constant 1 : index
    %get3A_18 = arith.constant 0 : index
    %get3A_19 = arith.constant 0 : index
    %get3A_20 = vector.load %arg1[%get3A_17, %get3A_18, %get3A_19] : memref<2x1280x64xf32, #tpu.memory_space<vmem>>, vector<1x1280x64xf32>
    %get3A_21 = vector.shape_cast %get3A_20 : vector<1x1280x64xf32> to vector<1280x64xf32>
    %concatenate3A = tpu.concatenate %get3A_16, %get3A_21 in 1 : vector<1280x64xf32>, vector<1280x64xf32> -> vector<1280x128xf32>
    %get3A_22 = arith.constant 0 : index
    %get3A_23 = arith.constant 0 : index
    %get3A_24 = arith.constant 0 : index
    %get3A_25 = vector.load %arg2[%get3A_22, %get3A_23, %get3A_24] : memref<2x1280x64xf32, #tpu.memory_space<vmem>>, vector<1x1280x64xf32>
    %get3A_26 = vector.shape_cast %get3A_25 : vector<1x1280x64xf32> to vector<1280x64xf32>
    %get3A_27 = arith.constant 1 : index
    %get3A_28 = arith.constant 0 : index
    %get3A_29 = arith.constant 0 : index
    %get3A_30 = vector.load %arg2[%get3A_27, %get3A_28, %get3A_29] : memref<2x1280x64xf32, #tpu.memory_space<vmem>>, vector<1x1280x64xf32>
    %get3A_31 = vector.shape_cast %get3A_30 : vector<1x1280x64xf32> to vector<1280x64xf32>
    %concatenate3A_32 = tpu.concatenate %get3A_26, %get3A_31 in 1 : vector<1280x64xf32>, vector<1280x64xf32> -> vector<1280x128xf32>
    %add3A_33 = arith.addf %concatenate3A, %concatenate3A_32 : vector<1280x128xf32>
    %mul3A = vector.broadcast %rsqrt3A : vector<1280x1xf32> to vector<1280x128xf32>
    %mul3A_34 = arith.mulf %mul3A, %add3A_33 : vector<1280x128xf32>
    %get3A_35 = arith.constant 0 : index
    %get3A_36 = arith.constant 0 : index
    %get3A_37 = vector.load %arg4[%get3A_35, %get3A_36] : memref<1x128xf32, #tpu.memory_space<vmem>>, vector<1x128xf32>
    %add3A_38 = vector.broadcast %get3A_37 : vector<1x128xf32> to vector<1280x128xf32>
    %add3A_39 = arith.addf %mul3A_34, %add3A_38 : vector<1280x128xf32>
    %max3A = arith.constant 0.000000e+00 : f32
    %max3A_40 = vector.broadcast %max3A : f32 to vector<1280x128xf32>
    %max3A_41 = arith.maximumf %add3A_39, %max3A_40 : vector<1280x128xf32>
    %get3A_42 = arith.constant 0 : index
    %get3A_43 = arith.constant 0 : index
    %get3A_44 = vector.load %arg5[%get3A_42, %get3A_43] : memref<128x128xf32, #tpu.memory_space<vmem>>, vector<128x128xf32>
    %dot_general3A = arith.constant dense<0.000000e+00> : vector<1280x128xf32>
    %dot_general3A_45 = tpu.matmul %max3A_41, %get3A_44, %dot_general3A {dimension_numbers = #tpu.dot_dimension_numbers<[1], [0], [0], [1], [0, 0, 1, 1], [], []>, transpose_lhs_hint = false} : vector<1280x128xf32>, vector<128x128xf32>, vector<1280x128xf32> -> vector<1280x128xf32>
    %mul3A_46 = vector.broadcast %rsqrt3A : vector<1280x1xf32> to vector<1280x128xf32>
    %mul3A_47 = arith.mulf %dot_general3A_45, %mul3A_46 : vector<1280x128xf32>
    %slice3A = vector.extract_strided_slice %mul3A_47 {offsets = [0, 0], sizes = [1280, 64], strides = [1, 1]} : vector<1280x128xf32> to vector<1280x64xf32>
    %swap3A = arith.constant 0 : index
    %swap3A_48 = arith.constant 0 : index
    %swap3A_49 = arith.constant 0 : index
    %swap3A_50 = vector.load %arg6[%swap3A, %swap3A_48, %swap3A_49] : memref<2x1280x64xf32, #tpu.memory_space<vmem>>, vector<1x1280x64xf32>
    %swap3A_51 = vector.shape_cast %swap3A_50 : vector<1x1280x64xf32> to vector<1280x64xf32>
    %swap3A_52 = vector.shape_cast %slice3A : vector<1280x64xf32> to vector<1x1280x64xf32>
    tpu.vector_store %arg6[%swap3A, %swap3A_48, %swap3A_49], %swap3A_52 {strides = array<i32>} : memref<2x1280x64xf32, #tpu.memory_space<vmem>>, vector<1x1280x64xf32>,
    %slice3A_53 = vector.extract_strided_slice %mul3A_47 {offsets = [0, 64], sizes = [1280, 64], strides = [1, 1]} : vector<1280x128xf32> to vector<1280x64xf32>
    %swap3A_54 = arith.constant 1 : index
    %swap3A_55 = arith.constant 0 : index
    %swap3A_56 = arith.constant 0 : index
    %swap3A_57 = vector.load %arg6[%swap3A_54, %swap3A_55, %swap3A_56] : memref<2x1280x64xf32, #tpu.memory_space<vmem>>, vector<1x1280x64xf32>
    %swap3A_58 = vector.shape_cast %swap3A_57 : vector<1x1280x64xf32> to vector<1280x64xf32>
    %swap3A_59 = vector.shape_cast %slice3A_53 : vector<1280x64xf32> to vector<1x1280x64xf32>
    tpu.vector_store %arg6[%swap3A_54, %swap3A_55, %swap3A_56], %swap3A_59 {strides = array<i32>} : memref<2x1280x64xf32, #tpu.memory_space<vmem>>, vector<1x1280x64xf32>,
    return
  }
  func.func @transform_0(%arg0: i32) -> (i32, i32, i32) {
    %c0_i32 = arith.constant 0 : i32
    %c0_i32_0 = arith.constant 0 : i32
    %c0_i32_1 = arith.constant 0 : i32
    return %c0_i32, %arg0, %c0_i32_0 : i32, i32, i32
  }
  func.func @transform_1(%arg0: i32) -> (i32, i32, i32) {
    %c0_i32 = arith.constant 0 : i32
    %c0_i32_0 = arith.constant 0 : i32
    %c0_i32_1 = arith.constant 0 : i32
    return %c0_i32, %arg0, %c0_i32_0 : i32, i32, i32
  }
  func.func @transform_2(%arg0: i32) -> (i32, i32, i32) {
    %c0_i32 = arith.constant 0 : i32
    %c0_i32_0 = arith.constant 0 : i32
    %c0_i32_1 = arith.constant 0 : i32
    return %c0_i32, %arg0, %c0_i32_0 : i32, i32, i32
  }
  func.func @transform_3(%arg0: i32) -> (i32, i32) {
    %c0_i32 = arith.constant 0 : i32
    %c0_i32_0 = arith.constant 0 : i32
    %c0_i32_1 = arith.constant 0 : i32
    return %c0_i32, %c0_i32_0 : i32, i32
  }
  func.func @transform_4(%arg0: i32) -> (i32, i32) {
    %c0_i32 = arith.constant 0 : i32
    %c0_i32_0 = arith.constant 0 : i32
    %c0_i32_1 = arith.constant 0 : i32
    return %c0_i32, %c0_i32_0 : i32, i32
  }
  func.func @transform_5(%arg0: i32) -> (i32, i32, i32) {
    %c0_i32 = arith.constant 0 : i32
    %c0_i32_0 = arith.constant 0 : i32
    %c0_i32_1 = arith.constant 0 : i32
    return %c0_i32, %arg0, %c0_i32_0 : i32, i32, i32
  }
}

module attributes {stable_mosaic.version = 14 : i64} {
  func.func @_fin_body(%arg0: i32, %arg1: memref<2x1280x64xf32, #tpu.memory_space<vmem>>, %arg2: memref<2x1280x64xf32, #tpu.memory_space<vmem>>, %arg3: memref<2x1280x16xf32, #tpu.memory_space<vmem>>, %arg4: memref<1x128xf32, #tpu.memory_space<vmem>>, %arg5: memref<1280x128xf32, #tpu.memory_space<vmem>>) attributes {dimension_semantics = [#tpu.dimension_semantics<arbitrary>], iteration_bounds = array<i64: 8>, scalar_prefetch = 0 : i64, scratch_operands = 0 : i64, tpu.core_type = #tpu.core_type<tc>, window_params = [{transform_indices = @transform_0, window_bounds = array<i64: 2, 1280, 64>}, {transform_indices = @transform_1, window_bounds = array<i64: 2, 1280, 64>}, {transform_indices = @transform_2, window_bounds = array<i64: 2, 1280, 16>}, {pipeline_mode = #tpu.pipeline_mode<synchronous>, transform_indices = @transform_3, window_bounds = array<i64: 1, 128>}, {transform_indices = @transform_4, window_bounds = array<i64: 1280, 128>}]} {
    %get3A = arith.constant 0 : index
    %get3A_0 = arith.constant 0 : index
    %get3A_1 = arith.constant 0 : index
    %get3A_2 = vector.load %arg1[%get3A, %get3A_0, %get3A_1] : memref<2x1280x64xf32, #tpu.memory_space<vmem>>, vector<1x1280x64xf32>
    %get3A_3 = vector.shape_cast %get3A_2 : vector<1x1280x64xf32> to vector<1280x64xf32>
    %get3A_4 = arith.constant 1 : index
    %get3A_5 = arith.constant 0 : index
    %get3A_6 = arith.constant 0 : index
    %get3A_7 = vector.load %arg1[%get3A_4, %get3A_5, %get3A_6] : memref<2x1280x64xf32, #tpu.memory_space<vmem>>, vector<1x1280x64xf32>
    %get3A_8 = vector.shape_cast %get3A_7 : vector<1x1280x64xf32> to vector<1280x64xf32>
    %concatenate3A = tpu.concatenate %get3A_3, %get3A_8 in 1 : vector<1280x64xf32>, vector<1280x64xf32> -> vector<1280x128xf32>
    %get3A_9 = arith.constant 0 : index
    %get3A_10 = arith.constant 0 : index
    %get3A_11 = arith.constant 0 : index
    %get3A_12 = vector.load %arg2[%get3A_9, %get3A_10, %get3A_11] : memref<2x1280x64xf32, #tpu.memory_space<vmem>>, vector<1x1280x64xf32>
    %get3A_13 = vector.shape_cast %get3A_12 : vector<1x1280x64xf32> to vector<1280x64xf32>
    %get3A_14 = arith.constant 1 : index
    %get3A_15 = arith.constant 0 : index
    %get3A_16 = arith.constant 0 : index
    %get3A_17 = vector.load %arg2[%get3A_14, %get3A_15, %get3A_16] : memref<2x1280x64xf32, #tpu.memory_space<vmem>>, vector<1x1280x64xf32>
    %get3A_18 = vector.shape_cast %get3A_17 : vector<1x1280x64xf32> to vector<1280x64xf32>
    %concatenate3A_19 = tpu.concatenate %get3A_13, %get3A_18 in 1 : vector<1280x64xf32>, vector<1280x64xf32> -> vector<1280x128xf32>
    %add3A = arith.addf %concatenate3A, %concatenate3A_19 : vector<1280x128xf32>
    %get3A_20 = arith.constant 0 : index
    %get3A_21 = arith.constant 0 : index
    %get3A_22 = arith.constant 0 : index
    %get3A_23 = vector.load %arg3[%get3A_20, %get3A_21, %get3A_22] : memref<2x1280x16xf32, #tpu.memory_space<vmem>>, vector<1x1280x1xf32>
    %get3A_24 = vector.shape_cast %get3A_23 : vector<1x1280x1xf32> to vector<1280x1xf32>
    %get3A_25 = arith.constant 1 : index
    %get3A_26 = arith.constant 0 : index
    %get3A_27 = arith.constant 0 : index
    %get3A_28 = vector.load %arg3[%get3A_25, %get3A_26, %get3A_27] : memref<2x1280x16xf32, #tpu.memory_space<vmem>>, vector<1x1280x1xf32>
    %get3A_29 = vector.shape_cast %get3A_28 : vector<1x1280x1xf32> to vector<1280x1xf32>
    %add3A_30 = arith.addf %get3A_24, %get3A_29 : vector<1280x1xf32>
    %add3A_31 = arith.constant 1.000000e+00 : f32
    %add3A_32 = vector.broadcast %add3A_31 : f32 to vector<1280x1xf32>
    %add3A_33 = arith.addf %add3A_30, %add3A_32 : vector<1280x1xf32>
    %rsqrt3A = math.rsqrt %add3A_33 : vector<1280x1xf32>
    %mul3A = vector.broadcast %rsqrt3A : vector<1280x1xf32> to vector<1280x128xf32>
    %mul3A_34 = arith.mulf %mul3A, %add3A : vector<1280x128xf32>
    %get3A_35 = arith.constant 0 : index
    %get3A_36 = arith.constant 0 : index
    %get3A_37 = vector.load %arg4[%get3A_35, %get3A_36] : memref<1x128xf32, #tpu.memory_space<vmem>>, vector<1x128xf32>
    %add3A_38 = vector.broadcast %get3A_37 : vector<1x128xf32> to vector<1280x128xf32>
    %add3A_39 = arith.addf %mul3A_34, %add3A_38 : vector<1280x128xf32>
    %swap3A = arith.constant 0 : index
    %swap3A_40 = arith.constant 0 : index
    %swap3A_41 = vector.load %arg5[%swap3A, %swap3A_40] : memref<1280x128xf32, #tpu.memory_space<vmem>>, vector<1280x128xf32>
    tpu.vector_store %arg5[%swap3A, %swap3A_40], %add3A_39 {strides = array<i32>} : memref<1280x128xf32, #tpu.memory_space<vmem>>, vector<1280x128xf32>,
    return
  }
  func.func @transform_0(%arg0: i32) -> (i32, i32, i32) {
    %c0_i32 = arith.constant 0 : i32
    %c0_i32_0 = arith.constant 0 : i32
    %c0_i32_1 = arith.constant 0 : i32
    return %c0_i32, %arg0, %c0_i32_0 : i32, i32, i32
  }
  func.func @transform_1(%arg0: i32) -> (i32, i32, i32) {
    %c0_i32 = arith.constant 0 : i32
    %c0_i32_0 = arith.constant 0 : i32
    %c0_i32_1 = arith.constant 0 : i32
    return %c0_i32, %arg0, %c0_i32_0 : i32, i32, i32
  }
  func.func @transform_2(%arg0: i32) -> (i32, i32, i32) {
    %c0_i32 = arith.constant 0 : i32
    %c0_i32_0 = arith.constant 0 : i32
    %c0_i32_1 = arith.constant 0 : i32
    return %c0_i32, %arg0, %c0_i32_0 : i32, i32, i32
  }
  func.func @transform_3(%arg0: i32) -> (i32, i32) {
    %c0_i32 = arith.constant 0 : i32
    %c0_i32_0 = arith.constant 0 : i32
    %c0_i32_1 = arith.constant 0 : i32
    return %c0_i32, %c0_i32_0 : i32, i32
  }
  func.func @transform_4(%arg0: i32) -> (i32, i32) {
    %c0_i32 = arith.constant 0 : i32
    %c0_i32_0 = arith.constant 0 : i32
    return %arg0, %c0_i32 : i32, i32
  }
}

</mosaic_0001>

<sc_bundles>
// kernel: kernel.11.cloned.1.call-start
scs
__scs_entry_jumppad:
0x0: {  	(pc) =	sbr.rel $0x88, $3  }
0x1: {  	(tag) =	ssettag $0x0;
	lr =	simm.s32 $0x1  }
0x2: {  	[smem:$0x3F9B] =	sst lr;
	_ =	strace $0xD0000000  }
0x3: {  	_ = 	snop  }
0x4: {  	_ = 	snop  }
0x5: {  	_ = 	snop  }
0x6: {  	_ = 	snop  }
0x7: {  	_ = 	snop  }
__scs_overlays_trampoline_lowered:
0x8: {  	[smem:$0x3FAA] =	sst s0  }
0x9: {  	[smem:$0x3FAB] =	sst s1  }
0xa: {  	[smem:$0x3FAC] =	sst s2  }
0xb: {  	[smem:$0x3FAD] =	sst s3  }
0xc: {  	[smem:$0x3FAE] =	sst s4  }
0xd: {  	[smem:$0x3FAF] =	sst s5  }
0xe: {  	[smem:$0x3FB0] =	sst s6  }
0xf: {  	[smem:$0x3FB1] =	sst s7  }
0x10: {  	[smem:$0x3FB2] =	sst s8  }
0x11: {  	[smem:$0x3FB3] =	sst s9;
	s0 =	simm.s32 @!p0 $0x0  }
0x12: {  	s1 =	sld [smem:$0x3F99];
	s0 =	simm.s32 @p0 $0x1  }
0x13: {  	[smem:$0x3FB4] =	sst s0;
	s0 =	simm.s32 @!p1 $0x0  }
0x14: {  	s2 =	sld [smem:$0x3F98];
	s0 =	simm.s32 @p1 $0x1  }
0x15: {  	[smem:$0x3FB5] =	sst s0;
	s0 =	simm.s32 @!p2 $0x0  }
0x16: {  	s3 =	sld [smem:$0x3FDB];
	s0 =	simm.s32 @p2 $0x1  }
0x17: {  	s4 =	simm.s32 $0x1BF5;
	[smem:$0x3FB7] =	sst s0  }
0x18: {  	s0 =	sld [smem:$0x3F9A];
	_ =	swait.ge [sflag:s4], $0x0  }
0x19: {  	s7 =	sld [smem:$0x3F9B]  }
0x1a: {  	s8 =	sadd.s32 $0xFFFFE003, lr  }
0x1b: {  	s9 =	sadd.s32 $0xFFFFFEF7, lr;
	s5 =	simm.s32 $0xFFFFFFFF;
	p2 =	slt.u32 s8, $0xFFFFF086  }
0x1c: {  	p1 =	slt.u32 s9, $0xF7A;
	s5 =	simm.s32 @!p2 $0x0  }
0x1d: {  	s5 =	simm.s32 @p1 $0x1;
	p0 =	seq.s32 s7, s2  }
0x1e: {  	s7 =	smul.u32 @!p0 $0xF7A, s2;
	p2 =	seq.s32 @!p0 s5, $0x0  }
0x1f: {  	s9 =	smul.u32 $0xF7A, s1;
	s8 =	simm.s32 @!p0 $0x1BF5;
	p2 =	por !p2, p0  }
0x20: {  	[sflag:s8] =	ssyncset.s32 @!p0 $0xFFFFF086;
	s6 =	sadd.s32 @!p0 s3, s7;
	s7 =	simm.s32 @!p0 $0x108  }
0x21: {  	s3 =	sadd.s32 s3, s9;
	s6 =	sadd.s32 @!p0 $0x88, s6;
	s7 =	simm.s32 @p2 $0x1082  }
0x22: {  	[simem:s7], [sflag:s8] =	dma.local @!p0 [hbm:s6], $0xF7A  }
0x23: {  	s9 =	sor.u32 $0xD0000000, s2;
	s6 =	simm.s32 $0x108;
	_ =	swait.ge @!p0 [sflag:s8], $0x0  }
0x24: {  	s3 =	sadd.s32 $0x88, s3;
	s6 =	simm.s32 @!p1 $0x1082;
	[sflag:s4] =	ssyncset.s32 $0xFFFFF086  }
0x25: {  	[simem:s6], [sflag:s4] =	dma.local [hbm:s3], $0xF7A  }
0x26: {  	[smem:$0x3F9B] =	sst s1;
	(tag) =	ssettag s2;
	_ =	strace s9  }
0x27: {  	s1 =	sld [smem:$0x3FAB]  }
0x28: {  	s2 =	sld [smem:$0x3FAC]  }
0x29: {  	s4 =	sld [smem:$0x3FAE]  }
0x2a: {  	p0 =	seq.s32 s5, $0x0;
	s5 =	sld [smem:$0x3FAF]  }
0x2b: {  	s6 =	sld [smem:$0x3FB0]  }
0x2c: {  	s7 =	sld [smem:$0x3FB1]  }
0x2d: {  	s3 =	simm.s32 $0x108;
	s8 =	sld [smem:$0x3FB2]  }
0x2e: {  	s3 =	simm.s32 @!p0 $0x1082;
	s9 =	sld [smem:$0x3FB3]  }
0x2f: {  	lr =	sadd.s32 s0, s3;
	s0 =	sld [smem:$0x3FAA]  }
0x30: {  	s3 =	sld [smem:$0x3FAD]  }
0x31: {  	[smem:$0x3FB6] =	sst s10  }
0x32: {  	s10 =	sld [smem:$0x3FB4];
	_ =	sdelay $0x3  }
0x33: {  	p0 =	seq.s32 s10, $0x1;
	s10 =	sld [smem:$0x3FB6];
	_ =	sdelay $0x3  }
0x34: {  	[smem:$0x3FB6] =	sst s10  }
0x35: {  	s10 =	sld [smem:$0x3FB5];
	_ =	sdelay $0x3  }
0x36: {  	p1 =	seq.s32 s10, $0x1;
	s10 =	sld [smem:$0x3FB6];
	_ =	sdelay $0x3  }
0x37: {  	[smem:$0x3FB6] =	sst s10  }
0x38: {  	s10 =	sld [smem:$0x3FB7]  }
0x39: {  	_ = 	snop;
	(pc) =	sbr.ind lr, $3  }
0x3a: {  	_ = 	snop  }
0x3b: {  	_ = 	snop  }
0x3c: {  	p2 =	seq.s32 s10, $0x1;
	s10 =	sld [smem:$0x3FB6]  }
0x3d: {  	_ =	shalt  }
0x3e: {  	_ =	shalt  }
0x3f: {  	_ =	shalt  }
0x40: {  	_ =	shalt  }
0x41: {  	_ =	shalt  }
0x42: {  	_ =	shalt  }
0x43: {  	_ =	shalt  }
0x44: {  	_ =	shalt  }
0x45: {  	_ =	shalt  }
0x46: {  	_ =	shalt  }
0x47: {  	_ =	shalt  }
0x48: {  	_ =	shalt  }
0x49: {  	_ =	shalt  }
0x4a: {  	_ =	shalt  }
0x4b: {  	_ =	shalt  }
0x4c: {  	_ =	shalt  }
0x4d: {  	_ =	shalt  }
0x4e: {  	_ =	shalt  }
0x4f: {  	_ =	shalt  }
0x50: {  	_ =	shalt  }
0x51: {  	_ =	shalt  }
0x52: {  	_ =	shalt  }
0x53: {  	_ =	shalt  }
0x54: {  	_ =	shalt  }
0x55: {  	_ =	shalt  }
0x56: {  	_ =	shalt  }
0x57: {  	_ =	shalt  }
0x58: {  	_ =	shalt  }
0x59: {  	_ =	shalt  }
0x5a: {  	_ =	shalt  }
0x5b: {  	_ =	shalt  }
0x5c: {  	_ =	shalt  }
0x5d: {  	_ =	shalt  }
0x5e: {  	_ =	shalt  }
0x5f: {  	_ =	shalt  }
0x60: {  	_ =	shalt  }
0x61: {  	_ =	shalt  }
0x62: {  	_ =	shalt  }
0x63: {  	_ =	shalt  }
0x64: {  	_ =	shalt  }
0x65: {  	_ =	shalt  }
0x66: {  	_ =	shalt  }
0x67: {  	_ =	shalt  }
0x68: {  	_ =	shalt  }
0x69: {  	_ =	shalt  }
0x6a: {  	_ =	shalt  }
0x6b: {  	_ =	shalt  }
0x6c: {  	_ =	shalt  }
0x6d: {  	_ =	shalt  }
0x6e: {  	_ =	shalt  }
0x6f: {  	_ =	shalt  }
0x70: {  	_ =	shalt  }
0x71: {  	_ =	shalt  }
0x72: {  	_ =	shalt  }
0x73: {  	_ =	shalt  }
0x74: {  	_ =	shalt  }
0x75: {  	_ =	shalt  }
0x76: {  	_ =	shalt  }
0x77: {  	_ =	shalt  }
0x78: {  	_ =	shalt  }
0x79: {  	_ =	shalt  }
0x7a: {  	_ =	shalt  }
0x7b: {  	_ =	shalt  }
0x7c: {  	_ =	shalt  }
0x7d: {  	_ =	shalt  }
0x7e: {  	_ =	shalt  }
0x7f: {  	_ =	shalt  }
0x80: {  	_ =	shalt  }
0x81: {  	_ =	shalt  }
0x82: {  	_ =	shalt  }
0x83: {  	_ =	shalt  }
0x84: {  	_ =	shalt  }
0x85: {  	_ =	shalt  }
0x86: {  	_ =	shalt  }
0x87: {  	_ =	shalt  }
.Lfunc_end0:
.L_simem_size_0:
called_computation.1_lowered:
.L_overlay_start_0:
0x88: {  	s2 =	sld [smem:$0x3FD9]  }
0x89: {  	s3 =	sld [smem:$0x3FFE];
	_ =	sdelay $0x1  }
0x8a: {  	s1 =	srdreg.scid  }
0x8b: {  	s0 =	sand.u32 $0x1, s1  }
0x8c: {  	s17 =	sshll.u32 s0, $0xA;
	s2 =	sadd.s32 s3, s2  }
0x8d: {  	s2 =	sadd.s32 s2, s17  }
0x8e: {  	[smem:$0x3FC2] =	sst s2  }
0x8f: {  	_ = 	snop  }
0x90: {  	s2 =	sld [smem:$0x3FD0];
	(tm) =	ssettm $0x1  }
0x91: {  	s18 =	sld [smem:$0x3FFB];
	_ =	sdelay $0x3  }
0x92: {  	_ =	strace s18  }
0x93: {  	s3 =	sld [smem:$0x3FFC];
	_ =	sdelay $0x3  }
0x94: {  	_ =	strace s3  }
0x95: {  	s3 =	sld [smem:$0x3FFD];
	_ =	sdelay $0x3  }
0x96: {  	_ =	strace s3  }
0x97: {  	_ =	strace $0x8FFFFFFF  }
0x98: {  	s19 =	sld [smem:$0x3FDB];
	_ =	sdelay $0x1  }
0x99: {  	s4 =	simm.s32 $_scs_section_size  }
0x9a: {  	s5 =	simm.s32 $_size__tile_overlayer_lowered;
	s6 =	simm.s32 $_tile_overlayer_lowered  }
0x9b: {  	s22 =	simm.s32 $0x1BFF;
	s21 =	sshll.u32 s6, $0x1;
	s3 =	sadd.s32 s4, s19  }
0x9c: {  	s7 =	simm.s32 $0x0;
	s20 =	sshll.u32 s5, $0x1;
	s5 =	sadd.s32 s21, s3  }
0x9d: {  	[timem:s7], [sflag:s22] =	dma.local [hbm:s5], s20  }
0x9e: {  	_ =	swait.ge [sflag:s22], s20  }
0x9f: {  	s4 =	ssub.s32 $0x0, s20;
	[sflag:s22] =	ssyncset.done $0x0  }
0xa0: {  	[sflag:s22] =	ssyncadd.s32 s4;
	_ =	sdelay $0x1  }
0xa1: {  	s23 =	simm.s32 $0x1B8B  }
0xa2: {  	_ =	swait.ge [sflag:s23], $0x1  }
0xa3: {  	[sflag:s23] =	ssyncset.done $0x0  }
0xa4: {  	s25 =	simm.s32 $0x1B8E;
	s24 =	sld [smem:$0x3FFE];
	[sflag:s23] =	ssyncadd.s32 $0xFFFFFFFF  }
0xa5: {  	s26 =	simm.s32 $execute0_lowered;
	[smem:$0x3FD2] =	sst s25  }
0xa6: {  	s5 =	sshll.u32 s26, $0x1;
	_ =	strace $0x80000049;
	[dreg:$0x1] =	wrdreg $0xFFFFFFFF  }
0xa7: {  	s28 =	simm.s32 $_size_execute0_lowered;
	s3 =	sadd.s32 s3, s5;
	[dreg:$0x0] =	wrdreg $0x0  }
0xa8: {  	s5 =	sshll.u32 s28, $0x1;
	[dreg:$0x2] =	wrdreg s3  }
0xa9: {  	[dreg:$0x3] =	wrdreg s5  }
0xaa: {  	[dreg:$0x4] =	wrdreg $0xC0  }
0xab: {  	_ =	task [dreg:s7], $0x5FFFF  }
0xac: {  	[dreg:$0x1] =	wrdreg $0xFFFFFFFF  }
0xad: {  	[dreg:$0x0] =	wrdreg $0x60  }
0xae: {  	[dreg:$0x2] =	wrdreg s24  }
0xaf: {  	[dreg:$0x3] =	wrdreg s2  }
0xb0: {  	[dreg:$0x4] =	wrdreg $0x148000  }
0xb1: {  	[dreg:$0x5] =	wrdreg $0x9  }
0xb2: {  	_ =	task.clear_ibuf [dreg:s7], $0x6FFFF;
	_ =	strace $0x90000049  }
0xb3: {  	s29 =	simm.s32 $0x9;
	_ =	strace $0x8000004B  }
0xb4: {  	_ =	swait.ge [sflag:s29], $0x1  }
0xb5: {  	[sflag:s29] =	ssyncadd.s32 $0xFFFFFFFF  }
0xb6: {  	_ =	strace $0x9000004B  }
0xb7: {  	_ =	sfence  }
0xb8: {  	s30 =	sld [smem:$0x0];
	_ =	sdelay $0x2  }
0xb9: {  	s31 =	sshll.u32 s1, $0xD;
	s1 =	sshrl.u32 s1, $0x2  }
0xba: {  	s3 =	sand.u32 $0x4000, s31;
	s1 =	sadd.s32 s1, s30  }
0xbb: {  	s0 =	sor.u32 s3, s0;
	s1 =	sshll.u32 s1, $0x11  }
0xbc: {  	s0 =	sor.u32 s1, s0  }
0xbd: {  	s0 =	sadd.s32 $0x8F2B, s0  }
0xbe: {  	[sflag:s0] =	ssyncadd.remote.s32 $0x1  }
0xbf: {  	_ =	sfence.sel $0xFFFF  }
0xc0: {  	[dreg:$0x0] =	wrdreg $0xFFFFFFFF;
	(pc) =	sbr.abs _section_cstart, $3  }
0xc1: {  	[dreg:$0x1] =	wrdreg $0xFFFFFFFF  }
0xc2: {  	_ =	task.clear_ibuf [dreg:s7], $0x2FFFF;
	_ =	strace $0x9FFFFFFF  }
0xc3: {  	(tm) =	ssettm $0x7FFFFFFF  }
tec
execute0_lowered:
.L_overlay_start_1:
0x0: {  	(tag) =	ssettag $0x1  }
0x1: {  	s0 =	rddreg [dreg:$0x0]  }
0x2: {  	s3 =	rddreg [dreg:$0x1]  }
0x3: {  	s1 =	rddreg [dreg:$0x2];
	s4 =	srdreg.scid;
	s2 =	simm.s32 $0x0  }
0x4: {  	s6 =	stileid.u32;
	s17 =	simm.s32 $0x9;
	s18 =	simm.s32 $0x5000  }
0x5: {  	s19 =	simm.s32 $0x80;
	s20 =	simm.s32 $0xA000;
	s29 =	simm.s32 $0x10000  }
0x6: {  	s30 =	simm.s32 $0x3;
	s28 =	simm.s32 $0x8;
	s9 =	smul.u32 $0xA00, s6  }
0x7: {  	s31 =	simm.s32 $0x0;
	s4 =	sand.u32 $0x1, s4;
	s11 =	smul.u32 $0xA000, s6  }
0x8: {  	[smem:$0x7FF] =	sst s2;
	s8 =	smul.u32 $0xA0000, s4;
	s4 =	ssub.s32 $0x2, s4  }
0x9: {  	_ =	strace $0x8000004A;
	s21 =	sshrl.u32 s4, $0x1;
	s12 =	sadd.s32 s9, s0  }
0xa: {  	s13 =	sadd.s32 $0x2800, s11;
	s14 =	sadd.s32 $0x5000, s11;
	s16 =	sadd.s32 $0x7800, s11  }
0xb: {  	s3 =	sadd.s32 s3, s9;
	s5 =	sshrl.u32 s8, $0x3;
	s15 =	ssub.s32 s4, s21  }
0xc: {  	s4 =	sadd.s32 s11, s1;
	s6 =	sadd.s32 s14, s1;
	s7 =	sadd.s32 s16, s1  }
0xd: {  	[dreg:$0x4] =	wrdreg s3;
	s22 =	sadd.s32 s11, s8;
	s23 =	sadd.s32 $0x1A00, s12  }
0xe: {  	s24 =	sadd.s32 s8, s13;
	s25 =	sadd.s32 s8, s14;
	s8 =	sadd.s32 s8, s16  }
0xf: {  	s16 =	simm.s32 $0x12000;
	s21 =	simm.s32 $0xC000;
	s10 =	sadd.s32 s5, s0  }
0x10: {  	s0 =	sadd.s32 $0xDDA00, s0;
	s5 =	sadd.s32 s13, s1;
	[dreg:$0x5] =	wrdreg s23  }
0x11: {  	s3 =	sshrl.u32 s22, $0x3;
	s9 =	sshrl.u32 s25, $0x3;
	s26 =	sshrl.u32 s8, $0x3  }
0x12: {  	s15 =	smax.u32 s15, $0x1;
	s22 =	simm.s32 $0x1;
	s25 =	simm.s32 $0x2  }
0x13: {  	s23 =	simm.s32 $0x6;
	s10 =	sadd.s32 $0xB5A00, s10;
	s3 =	sadd.s32 s0, s3  }
0x14: {  	s13 =	sadd.s32 s0, s9;
	s14 =	sadd.s32 s0, s26;
	s26 =	simm.s32 $0x7  }
0x15: {  	[dreg:$0x6] =	wrdreg s3;
	s3 =	sshrl.u32 s24, $0x3;
	s24 =	simm.s32 $0xE000  }
0x16: {  	v0 =	vimm.f32 $0.0e+00;
	s12 =	sadd.s32 s0, s3;
	s0 =	simm.s32 $0x5;
	s3 =	simm.s32 $0x4  }
.LBB2_1:
0x17: {  	s9 =	simm.s32 $0x100;
	s8 =	simm.s32 $0x0  }
.LBB2_2:
0x18: {  	p0 =	sne.s32 s9, $0x9F00;
	[tilespmem:s8+$0x12030] =	vst v0;
	s11 =	smov.u32 s9;
	s9 =	sadd.s32 $0x100, s9  }
.Ltmp0:
0x19: {  	[tilespmem:s8+$0x12020] =	vst v0;
	(pc) =	sbr.rel @p0 .LBB2_2-.Ltmp0, $3  }
0x1a: {  	[tilespmem:s8+$0x12000] =	vst v0  }
0x1b: {  	[tilespmem:s8+$0x12010] =	vst v0;
	_ =	sdelay $0x1  }
0x1c: {  	s8 =	sshra.s32 s11, $0x2  }
0x1d: {  	[tilespmem:s8+$0x12030] =	vst v0  }
0x1e: {  	[tilespmem:s8+$0x12020] =	vst v0  }
0x1f: {  	[tilespmem:s8+$0x12000] =	vst v0  }
0x20: {  	[tilespmem:s8+$0x12010] =	vst v0  }
0x21: {  	[spmem:s4] =	stream.linear.scatter [tilespmem:s16], [sflag:$0x9], $0x2800, $0x38;
	[tilespmem:$0x1E800] =	vst v63  }
0x22: {  	_ =	swait.ge [sflag:s17], $0x2800  }
0x23: {  	[sflag:s17] =	ssyncset.done $0x0  }
0x24: {  	[sflag:s17] =	ssyncadd.s32 $0xFFFFD800  }
0x25: {  	[spmem:s5] =	stream.linear.scatter [tilespmem:s16], [sflag:$0x9], $0x2800, $0x38;
	[tilespmem:$0x1E800] =	vst v63  }
0x26: {  	_ =	swait.ge [sflag:s17], $0x2800  }
0x27: {  	[sflag:s17] =	ssyncset.done $0x0  }
0x28: {  	[sflag:s17] =	ssyncadd.s32 $0xFFFFD800  }
0x29: {  	[spmem:s6] =	stream.linear.scatter [tilespmem:s16], [sflag:$0x9], $0x2800, $0x38;
	[tilespmem:$0x1E800] =	vst v63  }
0x2a: {  	_ =	swait.ge [sflag:s17], $0x2800  }
0x2b: {  	[sflag:s17] =	ssyncset.done $0x0  }
0x2c: {  	[sflag:s17] =	ssyncadd.s32 $0xFFFFD800  }
0x2d: {  	[spmem:s7] =	stream.linear.scatter [tilespmem:s16], [sflag:$0x9], $0x2800, $0x38;
	[tilespmem:$0x1E800] =	vst v63  }
0x2e: {  	_ =	swait.ge [sflag:s17], $0x2800  }
0x2f: {  	[sflag:s17] =	ssyncset.done $0x0  }
0x30: {  	[sflag:s17] =	ssyncadd.s32 $0xFFFFD800  }
0x31: {  	[bflag:$0x0] =	sbarrier.arrive $0xFFFF  }
0x32: {  	s8 =	simm.s32 $0x0;
	s9 =	rddreg [dreg:$0x4]  }
0x33: {  	[tilespmem:s8], [sflag:$0x9] =	stream.linear.gather [hbm4b:s9+s8], $0x5000, $0x38;
	[tilespmem:$0x1E800] =	vst v63  }
0x34: {  	_ =	swait.ge [sflag:s17], $0x5000  }
0x35: {  	[sflag:s17] =	ssyncset.done $0x0  }
0x36: {  	s11 =	rddreg [dreg:$0x5];
	[sflag:s17] =	ssyncadd.s32 $0xFFFFB000  }
0x37: {  	[tilespmem:s18], [sflag:$0x9] =	stream.linear.gather [hbm4b:s11+s8], $0x5000, $0x38;
	[tilespmem:$0x1E800] =	vst v63  }
0x38: {  	_ =	swait.ge [sflag:s17], $0x5000  }
0x39: {  	[sflag:s17] =	ssyncset.done $0x0  }
0x3a: {  	[sflag:s17] =	ssyncadd.s32 $0xFFFFB000  }
0x3b: {  	[tilespmem:s20], [sflag:$0x1] =	stream.indirect.gather [hbm4b:s10+s19], $0x40, s8, s19, $0xb8;
	[tilespmem:$0x1E800] =	vst v63  }
0x3c: {  	_ = 	snop  }
0x3d: {  	[tilespmem:s21], [sflag:$0x2] =	stream.indirect.gather [hbm4b:s10+s19], $0x40, s19, s19, $0xb8;
	[tilespmem:$0x1E800] =	vst v63  }
0x3e: {  	_ =	swait.ge [sflag:s22], $0x2000  }
0x3f: {  	[sflag:s22] =	ssyncset.done $0x0  }
0x40: {  	[sflag:s22] =	ssyncadd.s32 $0xFFFFE000  }
0x41: {  	[spmem:s1] =	stream.indirect.scatter.add.f32 [tilespmem:s20], [sflag:$0x5], $0x40, s18, s19, $0xb8;
	[tilespmem:$0x1E800] =	vst v63  }
0x42: {  	s11 =	simm.s32 $0x100  }
0x43: {  	[tilespmem:s24], [sflag:$0x3] =	stream.indirect.gather [hbm4b:s10+s19], $0x40, s11, s19, $0xb8;
	[tilespmem:$0x1E800] =	vst v63  }
0x44: {  	_ =	swait.ge [sflag:s25], $0x2000  }
0x45: {  	[sflag:s25] =	ssyncset.done $0x0  }
0x46: {  	s9 =	simm.s32 $0x5080;
	[sflag:s25] =	ssyncadd.s32 $0xFFFFE000  }
0x47: {  	[spmem:s1] =	stream.indirect.scatter.add.f32 [tilespmem:s21], [sflag:$0x6], $0x40, s9, s19, $0xb8;
	[tilespmem:$0x1E800] =	vst v63  }
0x48: {  	s11 =	simm.s32 $0x180  }
0x49: {  	[tilespmem:s29], [sflag:$0x4] =	stream.indirect.gather [hbm4b:s10+s19], $0x40, s11, s19, $0xb8;
	[tilespmem:$0x1E800] =	vst v63  }
0x4a: {  	_ =	swait.ge [sflag:s30], $0x2000  }
0x4b: {  	[sflag:s30] =	ssyncset.done $0x0  }
0x4c: {  	s9 =	simm.s32 $0x5100;
	[sflag:s30] =	ssyncadd.s32 $0xFFFFE000  }
0x4d: {  	[spmem:s1] =	stream.indirect.scatter.add.f32 [tilespmem:s24], [sflag:$0x7], $0x40, s9, s19, $0xb8;
	[tilespmem:$0x1E800] =	vst v63  }
0x4e: {  	_ =	swait.ge [sflag:s0], $0x2000  }
0x4f: {  	[sflag:s0] =	ssyncset.done $0x0  }
0x50: {  	s11 =	simm.s32 $0x200;
	[sflag:s0] =	ssyncadd.s32 $0xFFFFE000  }
0x51: {  	[tilespmem:s20], [sflag:$0x1] =	stream.indirect.gather [hbm4b:s10+s19], $0x40, s11, s19, $0xb8;
	[tilespmem:$0x1E800] =	vst v63  }
0x52: {  	_ =	swait.ge [sflag:s3], $0x2000  }
0x53: {  	[sflag:s3] =	ssyncset.done $0x0  }
0x54: {  	s9 =	simm.s32 $0x5180;
	[sflag:s3] =	ssyncadd.s32 $0xFFFFE000  }
0x55: {  	[spmem:s1] =	stream.indirect.scatter.add.f32 [tilespmem:s29], [sflag:$0x8], $0x40, s9, s19, $0xb8;
	[tilespmem:$0x1E800] =	vst v63  }
0x56: {  	_ =	swait.ge [sflag:s23], $0x2000  }
0x57: {  	[sflag:s23] =	ssyncset.done $0x0  }
0x58: {  	s11 =	simm.s32 $0x280;
	[sflag:s23] =	ssyncadd.s32 $0xFFFFE000  }
0x59: {  	[tilespmem:s21], [sflag:$0x2] =	stream.indirect.gather [hbm4b:s10+s19], $0x40, s11, s19, $0xb8;
	[tilespmem:$0x1E800] =	vst v63  }
0x5a: {  	_ =	swait.ge [sflag:s22], $0x2000  }
0x5b: {  	[sflag:s22] =	ssyncset.done $0x0  }
0x5c: {  	s9 =	simm.s32 $0x5200;
	[sflag:s22] =	ssyncadd.s32 $0xFFFFE000  }
0x5d: {  	[spmem:s1] =	stream.indirect.scatter.add.f32 [tilespmem:s20], [sflag:$0x5], $0x40, s9, s19, $0xb8;
	[tilespmem:$0x1E800] =	vst v63  }
0x5e: {  	_ =	swait.ge [sflag:s26], $0x2000  }
0x5f: {  	[sflag:s26] =	ssyncset.done $0x0  }
0x60: {  	s11 =	simm.s32 $0x300;
	[sflag:s26] =	ssyncadd.s32 $0xFFFFE000  }
0x61: {  	[tilespmem:s24], [sflag:$0x3] =	stream.indirect.gather [hbm4b:s10+s19], $0x40, s11, s19, $0xb8;
	[tilespmem:$0x1E800] =	vst v63  }
0x62: {  	_ =	swait.ge [sflag:s25], $0x2000  }
0x63: {  	[sflag:s25] =	ssyncset.done $0x0  }
0x64: {  	s9 =	simm.s32 $0x5280;
	[sflag:s25] =	ssyncadd.s32 $0xFFFFE000  }
0x65: {  	[spmem:s1] =	stream.indirect.scatter.add.f32 [tilespmem:s21], [sflag:$0x6], $0x40, s9, s19, $0xb8;
	[tilespmem:$0x1E800] =	vst v63  }
0x66: {  	_ =	swait.ge [sflag:s28], $0x2000  }
0x67: {  	[sflag:s28] =	ssyncset.done $0x0  }
0x68: {  	s11 =	simm.s32 $0x380;
	[sflag:s28] =	ssyncadd.s32 $0xFFFFE000  }
0x69: {  	[tilespmem:s29], [sflag:$0x4] =	stream.indirect.gather [hbm4b:s10+s19], $0x40, s11, s19, $0xb8;
	[tilespmem:$0x1E800] =	vst v63  }
0x6a: {  	_ =	swait.ge [sflag:s30], $0x2000  }
0x6b: {  	[sflag:s30] =	ssyncset.done $0x0  }
0x6c: {  	s8 =	simm.s32 $0x800;
	s9 =	simm.s32 $0x5300;
	[sflag:s30] =	ssyncadd.s32 $0xFFFFE000  }
.LBB2_4:
0x6d: {  	[spmem:s1] =	stream.indirect.scatter.add.f32 [tilespmem:s24], [sflag:$0x7], $0x40, s9, s19, $0xb8;
	[tilespmem:$0x1E800] =	vst v63  }
0x6e: {  	s9 =	smov.u32 s8  }
0x6f: {  	p0 =	sne.s32 s8, $0x13000;
	s8 =	sadd.s32 $0x800, s8;
	_ =	swait.ge [sflag:s0], $0x2000  }
0x70: {  	s9 =	sshra.s32 s9, $0x2;
	[sflag:s0] =	ssyncset.done $0x0  }
0x71: {  	s11 =	sadd.s32 $0x200, s9;
	[sflag:s0] =	ssyncadd.s32 $0xFFFFE000  }
0x72: {  	[tilespmem:s20], [sflag:$0x1] =	stream.indirect.gather [hbm4b:s10+s19], $0x40, s11, s19, $0xb8;
	[tilespmem:$0x1E800] =	vst v63  }
0x73: {  	_ =	swait.ge [sflag:s3], $0x2000  }
0x74: {  	[sflag:s3] =	ssyncset.done $0x0  }
0x75: {  	s11 =	sadd.s32 $0x5180, s9;
	[sflag:s3] =	ssyncadd.s32 $0xFFFFE000  }
0x76: {  	[spmem:s1] =	stream.indirect.scatter.add.f32 [tilespmem:s29], [sflag:$0x8], $0x40, s11, s19, $0xb8;
	[tilespmem:$0x1E800] =	vst v63  }
0x77: {  	_ =	swait.ge [sflag:s23], $0x2000  }
0x78: {  	[sflag:s23] =	ssyncset.done $0x0  }
0x79: {  	s11 =	sadd.s32 $0x280, s9;
	[sflag:s23] =	ssyncadd.s32 $0xFFFFE000  }
0x7a: {  	[tilespmem:s21], [sflag:$0x2] =	stream.indirect.gather [hbm4b:s10+s19], $0x40, s11, s19, $0xb8;
	[tilespmem:$0x1E800] =	vst v63  }
0x7b: {  	_ =	swait.ge [sflag:s22], $0x2000  }
0x7c: {  	[sflag:s22] =	ssyncset.done $0x0  }
0x7d: {  	s11 =	sadd.s32 $0x5200, s9;
	[sflag:s22] =	ssyncadd.s32 $0xFFFFE000  }
0x7e: {  	[spmem:s1] =	stream.indirect.scatter.add.f32 [tilespmem:s20], [sflag:$0x5], $0x40, s11, s19, $0xb8;
	[tilespmem:$0x1E800] =	vst v63  }
0x7f: {  	_ =	swait.ge [sflag:s26], $0x2000  }
0x80: {  	[sflag:s26] =	ssyncset.done $0x0  }
0x81: {  	s11 =	sadd.s32 $0x300, s9;
	[sflag:s26] =	ssyncadd.s32 $0xFFFFE000  }
0x82: {  	[tilespmem:s24], [sflag:$0x3] =	stream.indirect.gather [hbm4b:s10+s19], $0x40, s11, s19, $0xb8;
	[tilespmem:$0x1E800] =	vst v63  }
0x83: {  	_ =	swait.ge [sflag:s25], $0x2000  }
0x84: {  	[sflag:s25] =	ssyncset.done $0x0  }
0x85: {  	s11 =	sadd.s32 $0x5280, s9;
	[sflag:s25] =	ssyncadd.s32 $0xFFFFE000  }
0x86: {  	[spmem:s1] =	stream.indirect.scatter.add.f32 [tilespmem:s21], [sflag:$0x6], $0x40, s11, s19, $0xb8;
	[tilespmem:$0x1E800] =	vst v63  }
0x87: {  	_ =	swait.ge [sflag:s28], $0x2000  }
0x88: {  	[sflag:s28] =	ssyncset.done $0x0  }
.Ltmp1:
0x89: {  	s11 =	sadd.s32 $0x380, s9;
	[sflag:s28] =	ssyncadd.s32 $0xFFFFE000;
	(pc) =	sbr.rel @p0 .LBB2_4-.Ltmp1, $4  }
0x8a: {  	[tilespmem:s29], [sflag:$0x4] =	stream.indirect.gather [hbm4b:s10+s19], $0x40, s11, s19, $0xb8;
	[tilespmem:$0x1E800] =	vst v63  }
0x8b: {  	_ =	swait.ge [sflag:s30], $0x2000  }
0x8c: {  	[sflag:s30] =	ssyncset.done $0x0  }
0x8d: {  	s9 =	sadd.s32 $0x5300, s9;
	[sflag:s30] =	ssyncadd.s32 $0xFFFFE000  }
0x8e: {  	[spmem:s1] =	stream.indirect.scatter.add.f32 [tilespmem:s24], [sflag:$0x7], $0x40, s9, s19, $0xb8;
	[tilespmem:$0x1E800] =	vst v63  }
0x8f: {  	_ =	swait.ge [sflag:s3], $0x2000  }
0x90: {  	[sflag:s3] =	ssyncset.done $0x0  }
0x91: {  	s8 =	simm.s32 $0x9F80;
	[sflag:s3] =	ssyncadd.s32 $0xFFFFE000  }
0x92: {  	[spmem:s1] =	stream.indirect.scatter.add.f32 [tilespmem:s29], [sflag:$0x8], $0x40, s8, s19, $0xb8;
	[tilespmem:$0x1E800] =	vst v63  }
0x93: {  	_ =	swait.ge [sflag:s0], $0x2000  }
0x94: {  	[sflag:s0] =	ssyncset.done $0x0  }
0x95: {  	[sflag:s0] =	ssyncadd.s32 $0xFFFFE000  }
0x96: {  	_ =	swait.ge [sflag:s23], $0x2000  }
0x97: {  	[sflag:s23] =	ssyncset.done $0x0  }
0x98: {  	[sflag:s23] =	ssyncadd.s32 $0xFFFFE000  }
0x99: {  	_ =	swait.ge [sflag:s26], $0x2000  }
0x9a: {  	[sflag:s26] =	ssyncset.done $0x0  }
0x9b: {  	[sflag:s26] =	ssyncadd.s32 $0xFFFFE000  }
0x9c: {  	_ =	swait.ge [sflag:s28], $0x2000  }
0x9d: {  	[sflag:s28] =	ssyncset.done $0x0  }
0x9e: {  	[sflag:s28] =	ssyncadd.s32 $0xFFFFE000  }
0x9f: {  	[bflag:$0x0] =	sbarrier.arrive $0xFFFF  }
0xa0: {  	[tilespmem:s16], [sflag:$0x9] =	stream.linear.gather [spmem:s4], $0x2800, $0x38;
	[tilespmem:$0x1E800] =	vst v63  }
0xa1: {  	_ =	swait.ge [sflag:s17], $0x2800  }
0xa2: {  	[sflag:s17] =	ssyncset.done $0x0  }
0xa3: {  	s11 =	rddreg [dreg:$0x6];
	[sflag:s17] =	ssyncadd.s32 $0xFFFFD800  }
0xa4: {  	[hbm4b:s11+s2] =	stream.linear.scatter [tilespmem:s16], [sflag:$0x9], $0x2800, $0x38;
	[tilespmem:$0x1E800] =	vst v63  }
0xa5: {  	_ =	swait.ge [sflag:s17], $0x2800  }
0xa6: {  	[sflag:s17] =	ssyncset.done $0x0  }
0xa7: {  	[sflag:s17] =	ssyncadd.s32 $0xFFFFD800  }
0xa8: {  	[tilespmem:s16], [sflag:$0x9] =	stream.linear.gather [spmem:s5], $0x2800, $0x38;
	[tilespmem:$0x1E800] =	vst v63  }
0xa9: {  	_ =	swait.ge [sflag:s17], $0x2800  }
0xaa: {  	[sflag:s17] =	ssyncset.done $0x0  }
0xab: {  	[sflag:s17] =	ssyncadd.s32 $0xFFFFD800  }
0xac: {  	[hbm4b:s12+s2] =	stream.linear.scatter [tilespmem:s16], [sflag:$0x9], $0x2800, $0x38;
	[tilespmem:$0x1E800] =	vst v63  }
0xad: {  	_ =	swait.ge [sflag:s17], $0x2800  }
0xae: {  	[sflag:s17] =	ssyncset.done $0x0  }
0xaf: {  	[sflag:s17] =	ssyncadd.s32 $0xFFFFD800  }
0xb0: {  	[tilespmem:s16], [sflag:$0x9] =	stream.linear.gather [spmem:s6], $0x2800, $0x38;
	[tilespmem:$0x1E800] =	vst v63  }
0xb1: {  	_ =	swait.ge [sflag:s17], $0x2800  }
0xb2: {  	[sflag:s17] =	ssyncset.done $0x0  }
0xb3: {  	[sflag:s17] =	ssyncadd.s32 $0xFFFFD800  }
0xb4: {  	[hbm4b:s13+s2] =	stream.linear.scatter [tilespmem:s16], [sflag:$0x9], $0x2800, $0x38;
	[tilespmem:$0x1E800] =	vst v63  }
0xb5: {  	_ =	swait.ge [sflag:s17], $0x2800  }
0xb6: {  	[sflag:s17] =	ssyncset.done $0x0  }
0xb7: {  	[sflag:s17] =	ssyncadd.s32 $0xFFFFD800  }
0xb8: {  	[tilespmem:s16], [sflag:$0x9] =	stream.linear.gather [spmem:s7], $0x2800, $0x38;
	[tilespmem:$0x1E800] =	vst v63  }
0xb9: {  	s31 =	sadd.s32 $0x1, s31;
	_ =	swait.ge [sflag:s17], $0x2800  }
0xba: {  	p0 =	sne.s32 s31, s15;
	[sflag:s17] =	ssyncset.done $0x0  }
.Ltmp2:
0xbb: {  	[sflag:s17] =	ssyncadd.s32 $0xFFFFD800;
	(pc) =	sbr.rel @p0 .LBB2_1-.Ltmp2, $4  }
0xbc: {  	[hbm4b:s14+s2] =	stream.linear.scatter [tilespmem:s16], [sflag:$0x9], $0x2800, $0x38;
	[tilespmem:$0x1E800] =	vst v63  }
0xbd: {  	_ =	swait.ge [sflag:s17], $0x2800  }
0xbe: {  	[sflag:s17] =	ssyncset.done $0x0  }
0xbf: {  	[sflag:s17] =	ssyncadd.s32 $0xFFFFD800  }
0xc0: {  	_ =	sfence.sel $0x180000  }
0xc1: {  	[bflag:$0x0] =	sbarrier.arrive $0xFFFF  }
0xc2: {  	_ =	strace $0x9000004A  }
0xc3: {  	s0 =	stileid.u32;
	[bflag:$0x2] =	sbarrier.arrive $0xFFFF  }
0xc4: {  	p0 =	sne.s32 s0, $0x0;
	s0 =	rddreg [dreg:$0x3]  }
0xc5: {  	s0 =	sadd.s32 @!p0 $0x100000, s0  }
0xc6: {  	[sflag:s0] =	ssyncadd.tile.s32 @!p0 $0x1;
	_ =	shalt  }
.Lfunc_end2:
_tile_overlayer_lowered:
.L_overlay_start_2:
0xc7: {  	(tag) =	ssettag $0x2  }
0xc8: {  	s0 =	rddreg [dreg:$0x0];
	s2 =	stileid.u32  }
0xc9: {  	s1 =	rddreg [dreg:$0x1];
	p0 =	sne.s32 s2, $0x0  }
0xca: {  	s3 =	rddreg [dreg:$0x2];
	[bflag:$0x3] =	sbarrier.arrive $0xFFFF;
	s2 =	simm.s32 @!p0 $0x1C09  }
0xcb: {  	[timem:s3], [sflag:s2] =	dma.local @!p0 [hbm:s0], s1  }
0xcc: {  	s0 =	simm.s32 @!p0 $0x9  }
0xcd: {  	_ =	swait.ge @!p0 [sflag:s0], s1  }
0xce: {  	s1 =	ssub.s32 @!p0 $0x0, s1;
	[sflag:s0] =	ssyncset.done @!p0 $0x0  }
0xcf: {  	[sflag:s0] =	ssyncadd.s32 @!p0 s1  }
0xd0: {  	[bflag:$0x3] =	sbarrier.arrive $0xFFFF  }
0xd1: {  	_ =	shalt  }

// kernel: kernel.14.cloned.1.call-start
scs
__scs_entry_jumppad:
0x0: {  	(pc) =	sbr.rel $0x88, $3  }
0x1: {  	(tag) =	ssettag $0x0;
	lr =	simm.s32 $0x1  }
0x2: {  	[smem:$0x3F9B] =	sst lr;
	_ =	strace $0xD0000000  }
0x3: {  	_ = 	snop  }
0x4: {  	_ = 	snop  }
0x5: {  	_ = 	snop  }
0x6: {  	_ = 	snop  }
0x7: {  	_ = 	snop  }
__scs_overlays_trampoline_lowered:
0x8: {  	[smem:$0x3FAA] =	sst s0  }
0x9: {  	[smem:$0x3FAB] =	sst s1  }
0xa: {  	[smem:$0x3FAC] =	sst s2  }
0xb: {  	[smem:$0x3FAD] =	sst s3  }
0xc: {  	[smem:$0x3FAE] =	sst s4  }
0xd: {  	[smem:$0x3FAF] =	sst s5  }
0xe: {  	[smem:$0x3FB0] =	sst s6  }
0xf: {  	[smem:$0x3FB1] =	sst s7  }
0x10: {  	[smem:$0x3FB2] =	sst s8  }
0x11: {  	[smem:$0x3FB3] =	sst s9;
	s0 =	simm.s32 @!p0 $0x0  }
0x12: {  	s1 =	sld [smem:$0x3F99];
	s0 =	simm.s32 @p0 $0x1  }
0x13: {  	[smem:$0x3FB4] =	sst s0;
	s0 =	simm.s32 @!p1 $0x0  }
0x14: {  	s2 =	sld [smem:$0x3F98];
	s0 =	simm.s32 @p1 $0x1  }
0x15: {  	[smem:$0x3FB5] =	sst s0;
	s0 =	simm.s32 @!p2 $0x0  }
0x16: {  	s3 =	sld [smem:$0x3FDB];
	s0 =	simm.s32 @p2 $0x1  }
0x17: {  	s4 =	simm.s32 $0x1BF5;
	[smem:$0x3FB7] =	sst s0  }
0x18: {  	s0 =	sld [smem:$0x3F9A];
	_ =	swait.ge [sflag:s4], $0x0  }
0x19: {  	s7 =	sld [smem:$0x3F9B]  }
0x1a: {  	s8 =	sadd.s32 $0xFFFFE003, lr  }
0x1b: {  	s9 =	sadd.s32 $0xFFFFFEF7, lr;
	s5 =	simm.s32 $0xFFFFFFFF;
	p2 =	slt.u32 s8, $0xFFFFF086  }
0x1c: {  	p1 =	slt.u32 s9, $0xF7A;
	s5 =	simm.s32 @!p2 $0x0  }
0x1d: {  	s5 =	simm.s32 @p1 $0x1;
	p0 =	seq.s32 s7, s2  }
0x1e: {  	s7 =	smul.u32 @!p0 $0xF7A, s2;
	p2 =	seq.s32 @!p0 s5, $0x0  }
0x1f: {  	s9 =	smul.u32 $0xF7A, s1;
	s8 =	simm.s32 @!p0 $0x1BF5;
	p2 =	por !p2, p0  }
0x20: {  	[sflag:s8] =	ssyncset.s32 @!p0 $0xFFFFF086;
	s6 =	sadd.s32 @!p0 s3, s7;
	s7 =	simm.s32 @!p0 $0x108  }
0x21: {  	s3 =	sadd.s32 s3, s9;
	s6 =	sadd.s32 @!p0 $0x88, s6;
	s7 =	simm.s32 @p2 $0x1082  }
0x22: {  	[simem:s7], [sflag:s8] =	dma.local @!p0 [hbm:s6], $0xF7A  }
0x23: {  	s9 =	sor.u32 $0xD0000000, s2;
	s6 =	simm.s32 $0x108;
	_ =	swait.ge @!p0 [sflag:s8], $0x0  }
0x24: {  	s3 =	sadd.s32 $0x88, s3;
	s6 =	simm.s32 @!p1 $0x1082;
	[sflag:s4] =	ssyncset.s32 $0xFFFFF086  }
0x25: {  	[simem:s6], [sflag:s4] =	dma.local [hbm:s3], $0xF7A  }
0x26: {  	[smem:$0x3F9B] =	sst s1;
	(tag) =	ssettag s2;
	_ =	strace s9  }
0x27: {  	s1 =	sld [smem:$0x3FAB]  }
0x28: {  	s2 =	sld [smem:$0x3FAC]  }
0x29: {  	s4 =	sld [smem:$0x3FAE]  }
0x2a: {  	p0 =	seq.s32 s5, $0x0;
	s5 =	sld [smem:$0x3FAF]  }
0x2b: {  	s6 =	sld [smem:$0x3FB0]  }
0x2c: {  	s7 =	sld [smem:$0x3FB1]  }
0x2d: {  	s3 =	simm.s32 $0x108;
	s8 =	sld [smem:$0x3FB2]  }
0x2e: {  	s3 =	simm.s32 @!p0 $0x1082;
	s9 =	sld [smem:$0x3FB3]  }
0x2f: {  	lr =	sadd.s32 s0, s3;
	s0 =	sld [smem:$0x3FAA]  }
0x30: {  	s3 =	sld [smem:$0x3FAD]  }
0x31: {  	[smem:$0x3FB6] =	sst s10  }
0x32: {  	s10 =	sld [smem:$0x3FB4];
	_ =	sdelay $0x3  }
0x33: {  	p0 =	seq.s32 s10, $0x1;
	s10 =	sld [smem:$0x3FB6];
	_ =	sdelay $0x3  }
0x34: {  	[smem:$0x3FB6] =	sst s10  }
0x35: {  	s10 =	sld [smem:$0x3FB5];
	_ =	sdelay $0x3  }
0x36: {  	p1 =	seq.s32 s10, $0x1;
	s10 =	sld [smem:$0x3FB6];
	_ =	sdelay $0x3  }
0x37: {  	[smem:$0x3FB6] =	sst s10  }
0x38: {  	s10 =	sld [smem:$0x3FB7]  }
0x39: {  	_ = 	snop;
	(pc) =	sbr.ind lr, $3  }
0x3a: {  	_ = 	snop  }
0x3b: {  	_ = 	snop  }
0x3c: {  	p2 =	seq.s32 s10, $0x1;
	s10 =	sld [smem:$0x3FB6]  }
0x3d: {  	_ =	shalt  }
0x3e: {  	_ =	shalt  }
0x3f: {  	_ =	shalt  }
0x40: {  	_ =	shalt  }
0x41: {  	_ =	shalt  }
0x42: {  	_ =	shalt  }
0x43: {  	_ =	shalt  }
0x44: {  	_ =	shalt  }
0x45: {  	_ =	shalt  }
0x46: {  	_ =	shalt  }
0x47: {  	_ =	shalt  }
0x48: {  	_ =	shalt  }
0x49: {  	_ =	shalt  }
0x4a: {  	_ =	shalt  }
0x4b: {  	_ =	shalt  }
0x4c: {  	_ =	shalt  }
0x4d: {  	_ =	shalt  }
0x4e: {  	_ =	shalt  }
0x4f: {  	_ =	shalt  }
0x50: {  	_ =	shalt  }
0x51: {  	_ =	shalt  }
0x52: {  	_ =	shalt  }
0x53: {  	_ =	shalt  }
0x54: {  	_ =	shalt  }
0x55: {  	_ =	shalt  }
0x56: {  	_ =	shalt  }
0x57: {  	_ =	shalt  }
0x58: {  	_ =	shalt  }
0x59: {  	_ =	shalt  }
0x5a: {  	_ =	shalt  }
0x5b: {  	_ =	shalt  }
0x5c: {  	_ =	shalt  }
0x5d: {  	_ =	shalt  }
0x5e: {  	_ =	shalt  }
0x5f: {  	_ =	shalt  }
0x60: {  	_ =	shalt  }
0x61: {  	_ =	shalt  }
0x62: {  	_ =	shalt  }
0x63: {  	_ =	shalt  }
0x64: {  	_ =	shalt  }
0x65: {  	_ =	shalt  }
0x66: {  	_ =	shalt  }
0x67: {  	_ =	shalt  }
0x68: {  	_ =	shalt  }
0x69: {  	_ =	shalt  }
0x6a: {  	_ =	shalt  }
0x6b: {  	_ =	shalt  }
0x6c: {  	_ =	shalt  }
0x6d: {  	_ =	shalt  }
0x6e: {  	_ =	shalt  }
0x6f: {  	_ =	shalt  }
0x70: {  	_ =	shalt  }
0x71: {  	_ =	shalt  }
0x72: {  	_ =	shalt  }
0x73: {  	_ =	shalt  }
0x74: {  	_ =	shalt  }
0x75: {  	_ =	shalt  }
0x76: {  	_ =	shalt  }
0x77: {  	_ =	shalt  }
0x78: {  	_ =	shalt  }
0x79: {  	_ =	shalt  }
0x7a: {  	_ =	shalt  }
0x7b: {  	_ =	shalt  }
0x7c: {  	_ =	shalt  }
0x7d: {  	_ =	shalt  }
0x7e: {  	_ =	shalt  }
0x7f: {  	_ =	shalt  }
0x80: {  	_ =	shalt  }
0x81: {  	_ =	shalt  }
0x82: {  	_ =	shalt  }
0x83: {  	_ =	shalt  }
0x84: {  	_ =	shalt  }
0x85: {  	_ =	shalt  }
0x86: {  	_ =	shalt  }
0x87: {  	_ =	shalt  }
.Lfunc_end0:
.L_simem_size_0:
called_computation.2_lowered:
.L_overlay_start_0:
0x88: {  	s2 =	sld [smem:$0x3FD9]  }
0x89: {  	s3 =	sld [smem:$0x3FFE];
	_ =	sdelay $0x1  }
0x8a: {  	s1 =	srdreg.scid  }
0x8b: {  	s0 =	sand.u32 $0x1, s1  }
0x8c: {  	s17 =	sshll.u32 s0, $0xA;
	s2 =	sadd.s32 s3, s2  }
0x8d: {  	s2 =	sadd.s32 s2, s17  }
0x8e: {  	[smem:$0x3FC2] =	sst s2  }
0x8f: {  	_ = 	snop  }
0x90: {  	s2 =	sld [smem:$0x3FD0];
	(tm) =	ssettm $0x1  }
0x91: {  	s18 =	sld [smem:$0x3FFB];
	_ =	sdelay $0x3  }
0x92: {  	_ =	strace s18  }
0x93: {  	s3 =	sld [smem:$0x3FFC];
	_ =	sdelay $0x3  }
0x94: {  	_ =	strace s3  }
0x95: {  	s3 =	sld [smem:$0x3FFD];
	_ =	sdelay $0x3  }
0x96: {  	_ =	strace s3  }
0x97: {  	_ =	strace $0x8FFFFFFF  }
0x98: {  	s19 =	sld [smem:$0x3FDB];
	_ =	sdelay $0x1  }
0x99: {  	s4 =	simm.s32 $_scs_section_size  }
0x9a: {  	s5 =	simm.s32 $_size__tile_overlayer_lowered;
	s6 =	simm.s32 $_tile_overlayer_lowered  }
0x9b: {  	s22 =	simm.s32 $0x1BFF;
	s21 =	sshll.u32 s6, $0x1;
	s3 =	sadd.s32 s4, s19  }
0x9c: {  	s7 =	simm.s32 $0x0;
	s20 =	sshll.u32 s5, $0x1;
	s5 =	sadd.s32 s21, s3  }
0x9d: {  	[timem:s7], [sflag:s22] =	dma.local [hbm:s5], s20  }
0x9e: {  	_ =	swait.ge [sflag:s22], s20  }
0x9f: {  	s4 =	ssub.s32 $0x0, s20;
	[sflag:s22] =	ssyncset.done $0x0  }
0xa0: {  	[sflag:s22] =	ssyncadd.s32 s4;
	_ =	sdelay $0x1  }
0xa1: {  	s23 =	simm.s32 $0x1B8B  }
0xa2: {  	_ =	swait.ge [sflag:s23], $0x1  }
0xa3: {  	[sflag:s23] =	ssyncset.done $0x0  }
0xa4: {  	s25 =	simm.s32 $0x1B8E;
	s24 =	sld [smem:$0x3FFE];
	[sflag:s23] =	ssyncadd.s32 $0xFFFFFFFF  }
0xa5: {  	s26 =	simm.s32 $execute0_lowered;
	[smem:$0x3FD2] =	sst s25  }
0xa6: {  	s5 =	sshll.u32 s26, $0x1;
	_ =	strace $0x8000004C;
	[dreg:$0x1] =	wrdreg $0xFFFFFFFF  }
0xa7: {  	s28 =	simm.s32 $_size_execute0_lowered;
	s3 =	sadd.s32 s3, s5;
	[dreg:$0x0] =	wrdreg $0x0  }
0xa8: {  	s5 =	sshll.u32 s28, $0x1;
	[dreg:$0x2] =	wrdreg s3  }
0xa9: {  	[dreg:$0x3] =	wrdreg s5  }
0xaa: {  	[dreg:$0x4] =	wrdreg $0xC0  }
0xab: {  	_ =	task [dreg:s7], $0x5FFFF  }
0xac: {  	[dreg:$0x1] =	wrdreg $0xFFFFFFFF  }
0xad: {  	[dreg:$0x0] =	wrdreg $0x60  }
0xae: {  	[dreg:$0x2] =	wrdreg s24  }
0xaf: {  	[dreg:$0x3] =	wrdreg s2  }
0xb0: {  	[dreg:$0x4] =	wrdreg $0x148000  }
0xb1: {  	[dreg:$0x5] =	wrdreg $0x9  }
0xb2: {  	_ =	task.clear_ibuf [dreg:s7], $0x6FFFF;
	_ =	strace $0x9000004C  }
0xb3: {  	s29 =	simm.s32 $0x9;
	_ =	strace $0x8000004E  }
0xb4: {  	_ =	swait.ge [sflag:s29], $0x1  }
0xb5: {  	[sflag:s29] =	ssyncadd.s32 $0xFFFFFFFF  }
0xb6: {  	_ =	strace $0x9000004E  }
0xb7: {  	_ =	sfence  }
0xb8: {  	s30 =	sld [smem:$0x0];
	_ =	sdelay $0x2  }
0xb9: {  	s31 =	sshll.u32 s1, $0xD;
	s1 =	sshrl.u32 s1, $0x2  }
0xba: {  	s3 =	sand.u32 $0x4000, s31;
	s1 =	sadd.s32 s1, s30  }
0xbb: {  	s0 =	sor.u32 s3, s0;
	s1 =	sshll.u32 s1, $0x11  }
0xbc: {  	s0 =	sor.u32 s1, s0  }
0xbd: {  	s0 =	sadd.s32 $0x8F2B, s0  }
0xbe: {  	[sflag:s0] =	ssyncadd.remote.s32 $0x1  }
0xbf: {  	_ =	sfence.sel $0xFFFF  }
0xc0: {  	[dreg:$0x0] =	wrdreg $0xFFFFFFFF;
	(pc) =	sbr.abs _section_cstart, $3  }
0xc1: {  	[dreg:$0x1] =	wrdreg $0xFFFFFFFF  }
0xc2: {  	_ =	task.clear_ibuf [dreg:s7], $0x2FFFF;
	_ =	strace $0x9FFFFFFF  }
0xc3: {  	(tm) =	ssettm $0x7FFFFFFF  }
tec
execute0_lowered:
.L_overlay_start_1:
0x0: {  	(tag) =	ssettag $0x1  }
0x1: {  	s0 =	rddreg [dreg:$0x0]  }
0x2: {  	s3 =	rddreg [dreg:$0x1]  }
0x3: {  	s1 =	rddreg [dreg:$0x2];
	s4 =	srdreg.scid;
	s2 =	simm.s32 $0x0  }
0x4: {  	s6 =	stileid.u32;
	s17 =	simm.s32 $0x9;
	s18 =	simm.s32 $0x5000  }
0x5: {  	s19 =	simm.s32 $0x80;
	s20 =	simm.s32 $0xA000;
	s29 =	simm.s32 $0x10000  }
0x6: {  	s30 =	simm.s32 $0x3;
	s28 =	simm.s32 $0x8;
	s9 =	smul.u32 $0xA00, s6  }
0x7: {  	s31 =	simm.s32 $0x0;
	s4 =	sand.u32 $0x1, s4;
	s11 =	smul.u32 $0xA000, s6  }
0x8: {  	[smem:$0x7FF] =	sst s2;
	s8 =	smul.u32 $0xA0000, s4;
	s4 =	ssub.s32 $0x2, s4  }
0x9: {  	_ =	strace $0x8000004D;
	s21 =	sshrl.u32 s4, $0x1;
	s12 =	sadd.s32 s9, s0  }
0xa: {  	s13 =	sadd.s32 $0x2800, s11;
	s14 =	sadd.s32 $0x5000, s11;
	s16 =	sadd.s32 $0x7800, s11  }
0xb: {  	s3 =	sadd.s32 s3, s9;
	s5 =	sshrl.u32 s8, $0x3;
	s15 =	ssub.s32 s4, s21  }
0xc: {  	s4 =	sadd.s32 s11, s1;
	s6 =	sadd.s32 s14, s1;
	s7 =	sadd.s32 s16, s1  }
0xd: {  	[dreg:$0x4] =	wrdreg s3;
	s22 =	sadd.s32 s11, s8;
	s23 =	sadd.s32 $0x1A00, s12  }
0xe: {  	s24 =	sadd.s32 s8, s13;
	s25 =	sadd.s32 s8, s14;
	s8 =	sadd.s32 s8, s16  }
0xf: {  	s16 =	simm.s32 $0x12000;
	s21 =	simm.s32 $0xC000;
	s10 =	sadd.s32 s5, s0  }
0x10: {  	s0 =	sadd.s32 $0xDDA00, s0;
	s5 =	sadd.s32 s13, s1;
	[dreg:$0x5] =	wrdreg s23  }
0x11: {  	s3 =	sshrl.u32 s22, $0x3;
	s9 =	sshrl.u32 s25, $0x3;
	s26 =	sshrl.u32 s8, $0x3  }
0x12: {  	s15 =	smax.u32 s15, $0x1;
	s22 =	simm.s32 $0x1;
	s25 =	simm.s32 $0x2  }
0x13: {  	s23 =	simm.s32 $0x6;
	s10 =	sadd.s32 $0xB5A00, s10;
	s3 =	sadd.s32 s0, s3  }
0x14: {  	s13 =	sadd.s32 s0, s9;
	s14 =	sadd.s32 s0, s26;
	s26 =	simm.s32 $0x7  }
0x15: {  	[dreg:$0x6] =	wrdreg s3;
	s3 =	sshrl.u32 s24, $0x3;
	s24 =	simm.s32 $0xE000  }
0x16: {  	v0 =	vimm.f32 $0.0e+00;
	s12 =	sadd.s32 s0, s3;
	s0 =	simm.s32 $0x5;
	s3 =	simm.s32 $0x4  }
.LBB2_1:
0x17: {  	s9 =	simm.s32 $0x100;
	s8 =	simm.s32 $0x0  }
.LBB2_2:
0x18: {  	p0 =	sne.s32 s9, $0x9F00;
	[tilespmem:s8+$0x12030] =	vst v0;
	s11 =	smov.u32 s9;
	s9 =	sadd.s32 $0x100, s9  }
.Ltmp0:
0x19: {  	[tilespmem:s8+$0x12020] =	vst v0;
	(pc) =	sbr.rel @p0 .LBB2_2-.Ltmp0, $3  }
0x1a: {  	[tilespmem:s8+$0x12000] =	vst v0  }
0x1b: {  	[tilespmem:s8+$0x12010] =	vst v0;
	_ =	sdelay $0x1  }
0x1c: {  	s8 =	sshra.s32 s11, $0x2  }
0x1d: {  	[tilespmem:s8+$0x12030] =	vst v0  }
0x1e: {  	[tilespmem:s8+$0x12020] =	vst v0  }
0x1f: {  	[tilespmem:s8+$0x12000] =	vst v0  }
0x20: {  	[tilespmem:s8+$0x12010] =	vst v0  }
0x21: {  	[spmem:s4] =	stream.linear.scatter [tilespmem:s16], [sflag:$0x9], $0x2800, $0x38;
	[tilespmem:$0x1E800] =	vst v63  }
0x22: {  	_ =	swait.ge [sflag:s17], $0x2800  }
0x23: {  	[sflag:s17] =	ssyncset.done $0x0  }
0x24: {  	[sflag:s17] =	ssyncadd.s32 $0xFFFFD800  }
0x25: {  	[spmem:s5] =	stream.linear.scatter [tilespmem:s16], [sflag:$0x9], $0x2800, $0x38;
	[tilespmem:$0x1E800] =	vst v63  }
0x26: {  	_ =	swait.ge [sflag:s17], $0x2800  }
0x27: {  	[sflag:s17] =	ssyncset.done $0x0  }
0x28: {  	[sflag:s17] =	ssyncadd.s32 $0xFFFFD800  }
0x29: {  	[spmem:s6] =	stream.linear.scatter [tilespmem:s16], [sflag:$0x9], $0x2800, $0x38;
	[tilespmem:$0x1E800] =	vst v63  }
0x2a: {  	_ =	swait.ge [sflag:s17], $0x2800  }
0x2b: {  	[sflag:s17] =	ssyncset.done $0x0  }
0x2c: {  	[sflag:s17] =	ssyncadd.s32 $0xFFFFD800  }
0x2d: {  	[spmem:s7] =	stream.linear.scatter [tilespmem:s16], [sflag:$0x9], $0x2800, $0x38;
	[tilespmem:$0x1E800] =	vst v63  }
0x2e: {  	_ =	swait.ge [sflag:s17], $0x2800  }
0x2f: {  	[sflag:s17] =	ssyncset.done $0x0  }
0x30: {  	[sflag:s17] =	ssyncadd.s32 $0xFFFFD800  }
0x31: {  	[bflag:$0x0] =	sbarrier.arrive $0xFFFF  }
0x32: {  	s8 =	simm.s32 $0x0;
	s9 =	rddreg [dreg:$0x4]  }
0x33: {  	[tilespmem:s8], [sflag:$0x9] =	stream.linear.gather [hbm4b:s9+s8], $0x5000, $0x38;
	[tilespmem:$0x1E800] =	vst v63  }
0x34: {  	_ =	swait.ge [sflag:s17], $0x5000  }
0x35: {  	[sflag:s17] =	ssyncset.done $0x0  }
0x36: {  	s11 =	rddreg [dreg:$0x5];
	[sflag:s17] =	ssyncadd.s32 $0xFFFFB000  }
0x37: {  	[tilespmem:s18], [sflag:$0x9] =	stream.linear.gather [hbm4b:s11+s8], $0x5000, $0x38;
	[tilespmem:$0x1E800] =	vst v63  }
0x38: {  	_ =	swait.ge [sflag:s17], $0x5000  }
0x39: {  	[sflag:s17] =	ssyncset.done $0x0  }
0x3a: {  	[sflag:s17] =	ssyncadd.s32 $0xFFFFB000  }
0x3b: {  	[tilespmem:s20], [sflag:$0x1] =	stream.indirect.gather [hbm4b:s10+s19], $0x40, s8, s19, $0xb8;
	[tilespmem:$0x1E800] =	vst v63  }
0x3c: {  	_ = 	snop  }
0x3d: {  	[tilespmem:s21], [sflag:$0x2] =	stream.indirect.gather [hbm4b:s10+s19], $0x40, s19, s19, $0xb8;
	[tilespmem:$0x1E800] =	vst v63  }
0x3e: {  	_ =	swait.ge [sflag:s22], $0x2000  }
0x3f: {  	[sflag:s22] =	ssyncset.done $0x0  }
0x40: {  	[sflag:s22] =	ssyncadd.s32 $0xFFFFE000  }
0x41: {  	[spmem:s1] =	stream.indirect.scatter.add.f32 [tilespmem:s20], [sflag:$0x5], $0x40, s18, s19, $0xb8;
	[tilespmem:$0x1E800] =	vst v63  }
0x42: {  	s11 =	simm.s32 $0x100  }
0x43: {  	[tilespmem:s24], [sflag:$0x3] =	stream.indirect.gather [hbm4b:s10+s19], $0x40, s11, s19, $0xb8;
	[tilespmem:$0x1E800] =	vst v63  }
0x44: {  	_ =	swait.ge [sflag:s25], $0x2000  }
0x45: {  	[sflag:s25] =	ssyncset.done $0x0  }
0x46: {  	s9 =	simm.s32 $0x5080;
	[sflag:s25] =	ssyncadd.s32 $0xFFFFE000  }
0x47: {  	[spmem:s1] =	stream.indirect.scatter.add.f32 [tilespmem:s21], [sflag:$0x6], $0x40, s9, s19, $0xb8;
	[tilespmem:$0x1E800] =	vst v63  }
0x48: {  	s11 =	simm.s32 $0x180  }
0x49: {  	[tilespmem:s29], [sflag:$0x4] =	stream.indirect.gather [hbm4b:s10+s19], $0x40, s11, s19, $0xb8;
	[tilespmem:$0x1E800] =	vst v63  }
0x4a: {  	_ =	swait.ge [sflag:s30], $0x2000  }
0x4b: {  	[sflag:s30] =	ssyncset.done $0x0  }
0x4c: {  	s9 =	simm.s32 $0x5100;
	[sflag:s30] =	ssyncadd.s32 $0xFFFFE000  }
0x4d: {  	[spmem:s1] =	stream.indirect.scatter.add.f32 [tilespmem:s24], [sflag:$0x7], $0x40, s9, s19, $0xb8;
	[tilespmem:$0x1E800] =	vst v63  }
0x4e: {  	_ =	swait.ge [sflag:s0], $0x2000  }
0x4f: {  	[sflag:s0] =	ssyncset.done $0x0  }
0x50: {  	s11 =	simm.s32 $0x200;
	[sflag:s0] =	ssyncadd.s32 $0xFFFFE000  }
0x51: {  	[tilespmem:s20], [sflag:$0x1] =	stream.indirect.gather [hbm4b:s10+s19], $0x40, s11, s19, $0xb8;
	[tilespmem:$0x1E800] =	vst v63  }
0x52: {  	_ =	swait.ge [sflag:s3], $0x2000  }
0x53: {  	[sflag:s3] =	ssyncset.done $0x0  }
0x54: {  	s9 =	simm.s32 $0x5180;
	[sflag:s3] =	ssyncadd.s32 $0xFFFFE000  }
0x55: {  	[spmem:s1] =	stream.indirect.scatter.add.f32 [tilespmem:s29], [sflag:$0x8], $0x40, s9, s19, $0xb8;
	[tilespmem:$0x1E800] =	vst v63  }
0x56: {  	_ =	swait.ge [sflag:s23], $0x2000  }
0x57: {  	[sflag:s23] =	ssyncset.done $0x0  }
0x58: {  	s11 =	simm.s32 $0x280;
	[sflag:s23] =	ssyncadd.s32 $0xFFFFE000  }
0x59: {  	[tilespmem:s21], [sflag:$0x2] =	stream.indirect.gather [hbm4b:s10+s19], $0x40, s11, s19, $0xb8;
	[tilespmem:$0x1E800] =	vst v63  }
0x5a: {  	_ =	swait.ge [sflag:s22], $0x2000  }
0x5b: {  	[sflag:s22] =	ssyncset.done $0x0  }
0x5c: {  	s9 =	simm.s32 $0x5200;
	[sflag:s22] =	ssyncadd.s32 $0xFFFFE000  }
0x5d: {  	[spmem:s1] =	stream.indirect.scatter.add.f32 [tilespmem:s20], [sflag:$0x5], $0x40, s9, s19, $0xb8;
	[tilespmem:$0x1E800] =	vst v63  }
0x5e: {  	_ =	swait.ge [sflag:s26], $0x2000  }
0x5f: {  	[sflag:s26] =	ssyncset.done $0x0  }
0x60: {  	s11 =	simm.s32 $0x300;
	[sflag:s26] =	ssyncadd.s32 $0xFFFFE000  }
0x61: {  	[tilespmem:s24], [sflag:$0x3] =	stream.indirect.gather [hbm4b:s10+s19], $0x40, s11, s19, $0xb8;
	[tilespmem:$0x1E800] =	vst v63  }
0x62: {  	_ =	swait.ge [sflag:s25], $0x2000  }
0x63: {  	[sflag:s25] =	ssyncset.done $0x0  }
0x64: {  	s9 =	simm.s32 $0x5280;
	[sflag:s25] =	ssyncadd.s32 $0xFFFFE000  }
0x65: {  	[spmem:s1] =	stream.indirect.scatter.add.f32 [tilespmem:s21], [sflag:$0x6], $0x40, s9, s19, $0xb8;
	[tilespmem:$0x1E800] =	vst v63  }
0x66: {  	_ =	swait.ge [sflag:s28], $0x2000  }
0x67: {  	[sflag:s28] =	ssyncset.done $0x0  }
0x68: {  	s11 =	simm.s32 $0x380;
	[sflag:s28] =	ssyncadd.s32 $0xFFFFE000  }
0x69: {  	[tilespmem:s29], [sflag:$0x4] =	stream.indirect.gather [hbm4b:s10+s19], $0x40, s11, s19, $0xb8;
	[tilespmem:$0x1E800] =	vst v63  }
0x6a: {  	_ =	swait.ge [sflag:s30], $0x2000  }
0x6b: {  	[sflag:s30] =	ssyncset.done $0x0  }
0x6c: {  	s8 =	simm.s32 $0x800;
	s9 =	simm.s32 $0x5300;
	[sflag:s30] =	ssyncadd.s32 $0xFFFFE000  }
.LBB2_4:
0x6d: {  	[spmem:s1] =	stream.indirect.scatter.add.f32 [tilespmem:s24], [sflag:$0x7], $0x40, s9, s19, $0xb8;
	[tilespmem:$0x1E800] =	vst v63  }
0x6e: {  	s9 =	smov.u32 s8  }
0x6f: {  	p0 =	sne.s32 s8, $0x13000;
	s8 =	sadd.s32 $0x800, s8;
	_ =	swait.ge [sflag:s0], $0x2000  }
0x70: {  	s9 =	sshra.s32 s9, $0x2;
	[sflag:s0] =	ssyncset.done $0x0  }
0x71: {  	s11 =	sadd.s32 $0x200, s9;
	[sflag:s0] =	ssyncadd.s32 $0xFFFFE000  }
0x72: {  	[tilespmem:s20], [sflag:$0x1] =	stream.indirect.gather [hbm4b:s10+s19], $0x40, s11, s19, $0xb8;
	[tilespmem:$0x1E800] =	vst v63  }
0x73: {  	_ =	swait.ge [sflag:s3], $0x2000  }
0x74: {  	[sflag:s3] =	ssyncset.done $0x0  }
0x75: {  	s11 =	sadd.s32 $0x5180, s9;
	[sflag:s3] =	ssyncadd.s32 $0xFFFFE000  }
0x76: {  	[spmem:s1] =	stream.indirect.scatter.add.f32 [tilespmem:s29], [sflag:$0x8], $0x40, s11, s19, $0xb8;
	[tilespmem:$0x1E800] =	vst v63  }
0x77: {  	_ =	swait.ge [sflag:s23], $0x2000  }
0x78: {  	[sflag:s23] =	ssyncset.done $0x0  }
0x79: {  	s11 =	sadd.s32 $0x280, s9;
	[sflag:s23] =	ssyncadd.s32 $0xFFFFE000  }
0x7a: {  	[tilespmem:s21], [sflag:$0x2] =	stream.indirect.gather [hbm4b:s10+s19], $0x40, s11, s19, $0xb8;
	[tilespmem:$0x1E800] =	vst v63  }
0x7b: {  	_ =	swait.ge [sflag:s22], $0x2000  }
0x7c: {  	[sflag:s22] =	ssyncset.done $0x0  }
0x7d: {  	s11 =	sadd.s32 $0x5200, s9;
	[sflag:s22] =	ssyncadd.s32 $0xFFFFE000  }
0x7e: {  	[spmem:s1] =	stream.indirect.scatter.add.f32 [tilespmem:s20], [sflag:$0x5], $0x40, s11, s19, $0xb8;
	[tilespmem:$0x1E800] =	vst v63  }
0x7f: {  	_ =	swait.ge [sflag:s26], $0x2000  }
0x80: {  	[sflag:s26] =	ssyncset.done $0x0  }
0x81: {  	s11 =	sadd.s32 $0x300, s9;
	[sflag:s26] =	ssyncadd.s32 $0xFFFFE000  }
0x82: {  	[tilespmem:s24], [sflag:$0x3] =	stream.indirect.gather [hbm4b:s10+s19], $0x40, s11, s19, $0xb8;
	[tilespmem:$0x1E800] =	vst v63  }
0x83: {  	_ =	swait.ge [sflag:s25], $0x2000  }
0x84: {  	[sflag:s25] =	ssyncset.done $0x0  }
0x85: {  	s11 =	sadd.s32 $0x5280, s9;
	[sflag:s25] =	ssyncadd.s32 $0xFFFFE000  }
0x86: {  	[spmem:s1] =	stream.indirect.scatter.add.f32 [tilespmem:s21], [sflag:$0x6], $0x40, s11, s19, $0xb8;
	[tilespmem:$0x1E800] =	vst v63  }
0x87: {  	_ =	swait.ge [sflag:s28], $0x2000  }
0x88: {  	[sflag:s28] =	ssyncset.done $0x0  }
.Ltmp1:
0x89: {  	s11 =	sadd.s32 $0x380, s9;
	[sflag:s28] =	ssyncadd.s32 $0xFFFFE000;
	(pc) =	sbr.rel @p0 .LBB2_4-.Ltmp1, $4  }
0x8a: {  	[tilespmem:s29], [sflag:$0x4] =	stream.indirect.gather [hbm4b:s10+s19], $0x40, s11, s19, $0xb8;
	[tilespmem:$0x1E800] =	vst v63  }
0x8b: {  	_ =	swait.ge [sflag:s30], $0x2000  }
0x8c: {  	[sflag:s30] =	ssyncset.done $0x0  }
0x8d: {  	s9 =	sadd.s32 $0x5300, s9;
	[sflag:s30] =	ssyncadd.s32 $0xFFFFE000  }
0x8e: {  	[spmem:s1] =	stream.indirect.scatter.add.f32 [tilespmem:s24], [sflag:$0x7], $0x40, s9, s19, $0xb8;
	[tilespmem:$0x1E800] =	vst v63  }
0x8f: {  	_ =	swait.ge [sflag:s3], $0x2000  }
0x90: {  	[sflag:s3] =	ssyncset.done $0x0  }
0x91: {  	s8 =	simm.s32 $0x9F80;
	[sflag:s3] =	ssyncadd.s32 $0xFFFFE000  }
0x92: {  	[spmem:s1] =	stream.indirect.scatter.add.f32 [tilespmem:s29], [sflag:$0x8], $0x40, s8, s19, $0xb8;
	[tilespmem:$0x1E800] =	vst v63  }
0x93: {  	_ =	swait.ge [sflag:s0], $0x2000  }
0x94: {  	[sflag:s0] =	ssyncset.done $0x0  }
0x95: {  	[sflag:s0] =	ssyncadd.s32 $0xFFFFE000  }
0x96: {  	_ =	swait.ge [sflag:s23], $0x2000  }
0x97: {  	[sflag:s23] =	ssyncset.done $0x0  }
0x98: {  	[sflag:s23] =	ssyncadd.s32 $0xFFFFE000  }
0x99: {  	_ =	swait.ge [sflag:s26], $0x2000  }
0x9a: {  	[sflag:s26] =	ssyncset.done $0x0  }
0x9b: {  	[sflag:s26] =	ssyncadd.s32 $0xFFFFE000  }
0x9c: {  	_ =	swait.ge [sflag:s28], $0x2000  }
0x9d: {  	[sflag:s28] =	ssyncset.done $0x0  }
0x9e: {  	[sflag:s28] =	ssyncadd.s32 $0xFFFFE000  }
0x9f: {  	[bflag:$0x0] =	sbarrier.arrive $0xFFFF  }
0xa0: {  	[tilespmem:s16], [sflag:$0x9] =	stream.linear.gather [spmem:s4], $0x2800, $0x38;
	[tilespmem:$0x1E800] =	vst v63  }
0xa1: {  	_ =	swait.ge [sflag:s17], $0x2800  }
0xa2: {  	[sflag:s17] =	ssyncset.done $0x0  }
0xa3: {  	s11 =	rddreg [dreg:$0x6];
	[sflag:s17] =	ssyncadd.s32 $0xFFFFD800  }
0xa4: {  	[hbm4b:s11+s2] =	stream.linear.scatter [tilespmem:s16], [sflag:$0x9], $0x2800, $0x38;
	[tilespmem:$0x1E800] =	vst v63  }
0xa5: {  	_ =	swait.ge [sflag:s17], $0x2800  }
0xa6: {  	[sflag:s17] =	ssyncset.done $0x0  }
0xa7: {  	[sflag:s17] =	ssyncadd.s32 $0xFFFFD800  }
0xa8: {  	[tilespmem:s16], [sflag:$0x9] =	stream.linear.gather [spmem:s5], $0x2800, $0x38;
	[tilespmem:$0x1E800] =	vst v63  }
0xa9: {  	_ =	swait.ge [sflag:s17], $0x2800  }
0xaa: {  	[sflag:s17] =	ssyncset.done $0x0  }
0xab: {  	[sflag:s17] =	ssyncadd.s32 $0xFFFFD800  }
0xac: {  	[hbm4b:s12+s2] =	stream.linear.scatter [tilespmem:s16], [sflag:$0x9], $0x2800, $0x38;
	[tilespmem:$0x1E800] =	vst v63  }
0xad: {  	_ =	swait.ge [sflag:s17], $0x2800  }
0xae: {  	[sflag:s17] =	ssyncset.done $0x0  }
0xaf: {  	[sflag:s17] =	ssyncadd.s32 $0xFFFFD800  }
0xb0: {  	[tilespmem:s16], [sflag:$0x9] =	stream.linear.gather [spmem:s6], $0x2800, $0x38;
	[tilespmem:$0x1E800] =	vst v63  }
0xb1: {  	_ =	swait.ge [sflag:s17], $0x2800  }
0xb2: {  	[sflag:s17] =	ssyncset.done $0x0  }
0xb3: {  	[sflag:s17] =	ssyncadd.s32 $0xFFFFD800  }
0xb4: {  	[hbm4b:s13+s2] =	stream.linear.scatter [tilespmem:s16], [sflag:$0x9], $0x2800, $0x38;
	[tilespmem:$0x1E800] =	vst v63  }
0xb5: {  	_ =	swait.ge [sflag:s17], $0x2800  }
0xb6: {  	[sflag:s17] =	ssyncset.done $0x0  }
0xb7: {  	[sflag:s17] =	ssyncadd.s32 $0xFFFFD800  }
0xb8: {  	[tilespmem:s16], [sflag:$0x9] =	stream.linear.gather [spmem:s7], $0x2800, $0x38;
	[tilespmem:$0x1E800] =	vst v63  }
0xb9: {  	s31 =	sadd.s32 $0x1, s31;
	_ =	swait.ge [sflag:s17], $0x2800  }
0xba: {  	p0 =	sne.s32 s31, s15;
	[sflag:s17] =	ssyncset.done $0x0  }
.Ltmp2:
0xbb: {  	[sflag:s17] =	ssyncadd.s32 $0xFFFFD800;
	(pc) =	sbr.rel @p0 .LBB2_1-.Ltmp2, $4  }
0xbc: {  	[hbm4b:s14+s2] =	stream.linear.scatter [tilespmem:s16], [sflag:$0x9], $0x2800, $0x38;
	[tilespmem:$0x1E800] =	vst v63  }
0xbd: {  	_ =	swait.ge [sflag:s17], $0x2800  }
0xbe: {  	[sflag:s17] =	ssyncset.done $0x0  }
0xbf: {  	[sflag:s17] =	ssyncadd.s32 $0xFFFFD800  }
0xc0: {  	_ =	sfence.sel $0x180000  }
0xc1: {  	[bflag:$0x0] =	sbarrier.arrive $0xFFFF  }
0xc2: {  	_ =	strace $0x9000004D  }
0xc3: {  	s0 =	stileid.u32;
	[bflag:$0x2] =	sbarrier.arrive $0xFFFF  }
0xc4: {  	p0 =	sne.s32 s0, $0x0;
	s0 =	rddreg [dreg:$0x3]  }
0xc5: {  	s0 =	sadd.s32 @!p0 $0x100000, s0  }
0xc6: {  	[sflag:s0] =	ssyncadd.tile.s32 @!p0 $0x1;
	_ =	shalt  }
.Lfunc_end2:
_tile_overlayer_lowered:
.L_overlay_start_2:
0xc7: {  	(tag) =	ssettag $0x2  }
0xc8: {  	s0 =	rddreg [dreg:$0x0];
	s2 =	stileid.u32  }
0xc9: {  	s1 =	rddreg [dreg:$0x1];
	p0 =	sne.s32 s2, $0x0  }
0xca: {  	s3 =	rddreg [dreg:$0x2];
	[bflag:$0x3] =	sbarrier.arrive $0xFFFF;
	s2 =	simm.s32 @!p0 $0x1C09  }
0xcb: {  	[timem:s3], [sflag:s2] =	dma.local @!p0 [hbm:s0], s1  }
0xcc: {  	s0 =	simm.s32 @!p0 $0x9  }
0xcd: {  	_ =	swait.ge @!p0 [sflag:s0], s1  }
0xce: {  	s1 =	ssub.s32 @!p0 $0x0, s1;
	[sflag:s0] =	ssyncset.done @!p0 $0x0  }
0xcf: {  	[sflag:s0] =	ssyncadd.s32 @!p0 s1  }
0xd0: {  	[bflag:$0x3] =	sbarrier.arrive $0xFFFF  }
0xd1: {  	_ =	shalt  }

// kernel: kernel.8.cloned.1.call-start
scs
__scs_entry_jumppad:
0x0: {  	(pc) =	sbr.rel $0x88, $3  }
0x1: {  	(tag) =	ssettag $0x0;
	lr =	simm.s32 $0x1  }
0x2: {  	[smem:$0x3F9B] =	sst lr;
	_ =	strace $0xD0000000  }
0x3: {  	_ = 	snop  }
0x4: {  	_ = 	snop  }
0x5: {  	_ = 	snop  }
0x6: {  	_ = 	snop  }
0x7: {  	_ = 	snop  }
__scs_overlays_trampoline_lowered:
0x8: {  	[smem:$0x3FAA] =	sst s0  }
0x9: {  	[smem:$0x3FAB] =	sst s1  }
0xa: {  	[smem:$0x3FAC] =	sst s2  }
0xb: {  	[smem:$0x3FAD] =	sst s3  }
0xc: {  	[smem:$0x3FAE] =	sst s4  }
0xd: {  	[smem:$0x3FAF] =	sst s5  }
0xe: {  	[smem:$0x3FB0] =	sst s6  }
0xf: {  	[smem:$0x3FB1] =	sst s7  }
0x10: {  	[smem:$0x3FB2] =	sst s8  }
0x11: {  	[smem:$0x3FB3] =	sst s9;
	s0 =	simm.s32 @!p0 $0x0  }
0x12: {  	s1 =	sld [smem:$0x3F99];
	s0 =	simm.s32 @p0 $0x1  }
0x13: {  	[smem:$0x3FB4] =	sst s0;
	s0 =	simm.s32 @!p1 $0x0  }
0x14: {  	s2 =	sld [smem:$0x3F98];
	s0 =	simm.s32 @p1 $0x1  }
0x15: {  	[smem:$0x3FB5] =	sst s0;
	s0 =	simm.s32 @!p2 $0x0  }
0x16: {  	s3 =	sld [smem:$0x3FDB];
	s0 =	simm.s32 @p2 $0x1  }
0x17: {  	s4 =	simm.s32 $0x1BF5;
	[smem:$0x3FB7] =	sst s0  }
0x18: {  	s0 =	sld [smem:$0x3F9A];
	_ =	swait.ge [sflag:s4], $0x0  }
0x19: {  	s7 =	sld [smem:$0x3F9B]  }
0x1a: {  	s8 =	sadd.s32 $0xFFFFE003, lr  }
0x1b: {  	s9 =	sadd.s32 $0xFFFFFEF7, lr;
	s5 =	simm.s32 $0xFFFFFFFF;
	p2 =	slt.u32 s8, $0xFFFFF086  }
0x1c: {  	p1 =	slt.u32 s9, $0xF7A;
	s5 =	simm.s32 @!p2 $0x0  }
0x1d: {  	s5 =	simm.s32 @p1 $0x1;
	p0 =	seq.s32 s7, s2  }
0x1e: {  	s7 =	smul.u32 @!p0 $0xF7A, s2;
	p2 =	seq.s32 @!p0 s5, $0x0  }
0x1f: {  	s9 =	smul.u32 $0xF7A, s1;
	s8 =	simm.s32 @!p0 $0x1BF5;
	p2 =	por !p2, p0  }
0x20: {  	[sflag:s8] =	ssyncset.s32 @!p0 $0xFFFFF086;
	s6 =	sadd.s32 @!p0 s3, s7;
	s7 =	simm.s32 @!p0 $0x108  }
0x21: {  	s3 =	sadd.s32 s3, s9;
	s6 =	sadd.s32 @!p0 $0x88, s6;
	s7 =	simm.s32 @p2 $0x1082  }
0x22: {  	[simem:s7], [sflag:s8] =	dma.local @!p0 [hbm:s6], $0xF7A  }
0x23: {  	s9 =	sor.u32 $0xD0000000, s2;
	s6 =	simm.s32 $0x108;
	_ =	swait.ge @!p0 [sflag:s8], $0x0  }
0x24: {  	s3 =	sadd.s32 $0x88, s3;
	s6 =	simm.s32 @!p1 $0x1082;
	[sflag:s4] =	ssyncset.s32 $0xFFFFF086  }
0x25: {  	[simem:s6], [sflag:s4] =	dma.local [hbm:s3], $0xF7A  }
0x26: {  	[smem:$0x3F9B] =	sst s1;
	(tag) =	ssettag s2;
	_ =	strace s9  }
0x27: {  	s1 =	sld [smem:$0x3FAB]  }
0x28: {  	s2 =	sld [smem:$0x3FAC]  }
0x29: {  	s4 =	sld [smem:$0x3FAE]  }
0x2a: {  	p0 =	seq.s32 s5, $0x0;
	s5 =	sld [smem:$0x3FAF]  }
0x2b: {  	s6 =	sld [smem:$0x3FB0]  }
0x2c: {  	s7 =	sld [smem:$0x3FB1]  }
0x2d: {  	s3 =	simm.s32 $0x108;
	s8 =	sld [smem:$0x3FB2]  }
0x2e: {  	s3 =	simm.s32 @!p0 $0x1082;
	s9 =	sld [smem:$0x3FB3]  }
0x2f: {  	lr =	sadd.s32 s0, s3;
	s0 =	sld [smem:$0x3FAA]  }
0x30: {  	s3 =	sld [smem:$0x3FAD]  }
0x31: {  	[smem:$0x3FB6] =	sst s10  }
0x32: {  	s10 =	sld [smem:$0x3FB4];
	_ =	sdelay $0x3  }
0x33: {  	p0 =	seq.s32 s10, $0x1;
	s10 =	sld [smem:$0x3FB6];
	_ =	sdelay $0x3  }
0x34: {  	[smem:$0x3FB6] =	sst s10  }
0x35: {  	s10 =	sld [smem:$0x3FB5];
	_ =	sdelay $0x3  }
0x36: {  	p1 =	seq.s32 s10, $0x1;
	s10 =	sld [smem:$0x3FB6];
	_ =	sdelay $0x3  }
0x37: {  	[smem:$0x3FB6] =	sst s10  }
0x38: {  	s10 =	sld [smem:$0x3FB7]  }
0x39: {  	_ = 	snop;
	(pc) =	sbr.ind lr, $3  }
0x3a: {  	_ = 	snop  }
0x3b: {  	_ = 	snop  }
0x3c: {  	p2 =	seq.s32 s10, $0x1;
	s10 =	sld [smem:$0x3FB6]  }
0x3d: {  	_ =	shalt  }
0x3e: {  	_ =	shalt  }
0x3f: {  	_ =	shalt  }
0x40: {  	_ =	shalt  }
0x41: {  	_ =	shalt  }
0x42: {  	_ =	shalt  }
0x43: {  	_ =	shalt  }
0x44: {  	_ =	shalt  }
0x45: {  	_ =	shalt  }
0x46: {  	_ =	shalt  }
0x47: {  	_ =	shalt  }
0x48: {  	_ =	shalt  }
0x49: {  	_ =	shalt  }
0x4a: {  	_ =	shalt  }
0x4b: {  	_ =	shalt  }
0x4c: {  	_ =	shalt  }
0x4d: {  	_ =	shalt  }
0x4e: {  	_ =	shalt  }
0x4f: {  	_ =	shalt  }
0x50: {  	_ =	shalt  }
0x51: {  	_ =	shalt  }
0x52: {  	_ =	shalt  }
0x53: {  	_ =	shalt  }
0x54: {  	_ =	shalt  }
0x55: {  	_ =	shalt  }
0x56: {  	_ =	shalt  }
0x57: {  	_ =	shalt  }
0x58: {  	_ =	shalt  }
0x59: {  	_ =	shalt  }
0x5a: {  	_ =	shalt  }
0x5b: {  	_ =	shalt  }
0x5c: {  	_ =	shalt  }
0x5d: {  	_ =	shalt  }
0x5e: {  	_ =	shalt  }
0x5f: {  	_ =	shalt  }
0x60: {  	_ =	shalt  }
0x61: {  	_ =	shalt  }
0x62: {  	_ =	shalt  }
0x63: {  	_ =	shalt  }
0x64: {  	_ =	shalt  }
0x65: {  	_ =	shalt  }
0x66: {  	_ =	shalt  }
0x67: {  	_ =	shalt  }
0x68: {  	_ =	shalt  }
0x69: {  	_ =	shalt  }
0x6a: {  	_ =	shalt  }
0x6b: {  	_ =	shalt  }
0x6c: {  	_ =	shalt  }
0x6d: {  	_ =	shalt  }
0x6e: {  	_ =	shalt  }
0x6f: {  	_ =	shalt  }
0x70: {  	_ =	shalt  }
0x71: {  	_ =	shalt  }
0x72: {  	_ =	shalt  }
0x73: {  	_ =	shalt  }
0x74: {  	_ =	shalt  }
0x75: {  	_ =	shalt  }
0x76: {  	_ =	shalt  }
0x77: {  	_ =	shalt  }
0x78: {  	_ =	shalt  }
0x79: {  	_ =	shalt  }
0x7a: {  	_ =	shalt  }
0x7b: {  	_ =	shalt  }
0x7c: {  	_ =	shalt  }
0x7d: {  	_ =	shalt  }
0x7e: {  	_ =	shalt  }
0x7f: {  	_ =	shalt  }
0x80: {  	_ =	shalt  }
0x81: {  	_ =	shalt  }
0x82: {  	_ =	shalt  }
0x83: {  	_ =	shalt  }
0x84: {  	_ =	shalt  }
0x85: {  	_ =	shalt  }
0x86: {  	_ =	shalt  }
0x87: {  	_ =	shalt  }
.Lfunc_end0:
.L_simem_size_0:
called_computation_lowered:
.L_overlay_start_0:
0x88: {  	s2 =	sld [smem:$0x3FD9]  }
0x89: {  	s3 =	sld [smem:$0x3FFE];
	_ =	sdelay $0x1  }
0x8a: {  	s1 =	srdreg.scid  }
0x8b: {  	s0 =	sand.u32 $0x1, s1  }
0x8c: {  	s16 =	sshll.u32 s0, $0xA;
	s2 =	sadd.s32 s3, s2  }
0x8d: {  	s2 =	sadd.s32 s2, s16  }
0x8e: {  	[smem:$0x3FC2] =	sst s2  }
0x8f: {  	_ = 	snop  }
0x90: {  	(tm) =	ssettm $0x1  }
0x91: {  	s17 =	sld [smem:$0x3FFB];
	_ =	sdelay $0x3  }
0x92: {  	_ =	strace s17  }
0x93: {  	s2 =	sld [smem:$0x3FFC];
	_ =	sdelay $0x3  }
0x94: {  	_ =	strace s2  }
0x95: {  	s2 =	sld [smem:$0x3FFD];
	_ =	sdelay $0x3  }
0x96: {  	_ =	strace s2  }
0x97: {  	_ =	strace $0x8FFFFFFF  }
0x98: {  	s18 =	sld [smem:$0x3FDB];
	_ =	sdelay $0x1  }
0x99: {  	s19 =	simm.s32 $_scs_section_size  }
0x9a: {  	s4 =	simm.s32 $_size__tile_overlayer_lowered;
	s5 =	simm.s32 $_tile_overlayer_lowered  }
0x9b: {  	s22 =	simm.s32 $0x1BFF;
	s21 =	sshll.u32 s5, $0x1;
	s2 =	sadd.s32 s19, s18  }
0x9c: {  	s6 =	simm.s32 $0x0;
	s20 =	sshll.u32 s4, $0x1;
	s4 =	sadd.s32 s21, s2  }
0x9d: {  	[timem:s6], [sflag:s22] =	dma.local [hbm:s4], s20  }
0x9e: {  	_ =	swait.ge [sflag:s22], s20  }
0x9f: {  	s3 =	ssub.s32 $0x0, s20;
	[sflag:s22] =	ssyncset.done $0x0  }
0xa0: {  	[sflag:s22] =	ssyncadd.s32 s3;
	_ =	sdelay $0x1  }
0xa1: {  	s23 =	simm.s32 $0x1B8B  }
0xa2: {  	_ =	swait.ge [sflag:s23], $0x1  }
0xa3: {  	[sflag:s23] =	ssyncset.done $0x0  }
0xa4: {  	s25 =	simm.s32 $0x1B8E;
	s24 =	sld [smem:$0x3FFE];
	[sflag:s23] =	ssyncadd.s32 $0xFFFFFFFF  }
0xa5: {  	s26 =	simm.s32 $execute0_lowered;
	[smem:$0x3FD2] =	sst s25  }
0xa6: {  	s4 =	sshll.u32 s26, $0x1;
	_ =	strace $0x80000046;
	[dreg:$0x1] =	wrdreg $0xFFFFFFFF  }
0xa7: {  	s28 =	simm.s32 $_size_execute0_lowered;
	s2 =	sadd.s32 s2, s4;
	[dreg:$0x0] =	wrdreg $0x0  }
0xa8: {  	s4 =	sshll.u32 s28, $0x1;
	[dreg:$0x2] =	wrdreg s2  }
0xa9: {  	[dreg:$0x3] =	wrdreg s4  }
0xaa: {  	[dreg:$0x4] =	wrdreg $0xC0  }
0xab: {  	_ =	task [dreg:s6], $0x5FFFF  }
0xac: {  	[dreg:$0x1] =	wrdreg $0xFFFFFFFF  }
0xad: {  	[dreg:$0x0] =	wrdreg $0x60  }
0xae: {  	[dreg:$0x2] =	wrdreg s24  }
0xaf: {  	[dreg:$0x3] =	wrdreg $0x58000  }
0xb0: {  	[dreg:$0x4] =	wrdreg $0x9  }
0xb1: {  	_ =	task.clear_ibuf [dreg:s6], $0x5FFFF;
	_ =	strace $0x90000046  }
0xb2: {  	s29 =	simm.s32 $0x9;
	_ =	strace $0x80000048  }
0xb3: {  	_ =	swait.ge [sflag:s29], $0x1  }
0xb4: {  	[sflag:s29] =	ssyncadd.s32 $0xFFFFFFFF  }
0xb5: {  	_ =	strace $0x90000048  }
0xb6: {  	_ =	sfence  }
0xb7: {  	s30 =	sld [smem:$0x0];
	_ =	sdelay $0x2  }
0xb8: {  	s31 =	sshll.u32 s1, $0xD;
	s1 =	sshrl.u32 s1, $0x2  }
0xb9: {  	s3 =	sand.u32 $0x4000, s31;
	s1 =	sadd.s32 s1, s30  }
0xba: {  	s0 =	sor.u32 s3, s0;
	s1 =	sshll.u32 s1, $0x11  }
0xbb: {  	s0 =	sor.u32 s1, s0  }
0xbc: {  	s0 =	sadd.s32 $0x8F2B, s0  }
0xbd: {  	[sflag:s0] =	ssyncadd.remote.s32 $0x1  }
0xbe: {  	_ =	sfence.sel $0xFFFF  }
0xbf: {  	[dreg:$0x0] =	wrdreg $0xFFFFFFFF;
	(pc) =	sbr.abs _section_cstart, $3  }
0xc0: {  	[dreg:$0x1] =	wrdreg $0xFFFFFFFF  }
0xc1: {  	_ =	task.clear_ibuf [dreg:s6], $0x2FFFF;
	_ =	strace $0x9FFFFFFF  }
0xc2: {  	(tm) =	ssettm $0x7FFFFFFF  }
0xc3: {  	_ =	shalt  }
tec
execute0_lowered:
.L_overlay_start_1:
0x0: {  	(tag) =	ssettag $0x1  }
0x1: {  	s4 =	rddreg [dreg:$0x0]  }
0x2: {  	s2 =	rddreg [dreg:$0x1];
	s3 =	srdreg.scid  }
0x3: {  	s1 =	stileid.u32;
	s0 =	rddreg [dreg:$0x2];
	s10 =	simm.s32 $0x80  }
0x4: {  	s11 =	simm.s32 $0x2800;
	s12 =	simm.s32 $0x100;
	s13 =	simm.s32 $0x180  }
0x5: {  	s14 =	simm.s32 $0x1;
	s15 =	simm.s32 $0x2;
	s16 =	simm.s32 $0x3  }
0x6: {  	s17 =	simm.s32 $0x4;
	s5 =	sand.u32 $0x1, s3;
	s6 =	smul.u32 $0x2800, s1  }
0x7: {  	s3 =	simm.s32 $0x0;
	s7 =	sshll.u32 s5, $0x4;
	s8 =	smul.u32 $0x28000, s5  }
0x8: {  	s18 =	simm.s32 $0x0;
	[smem:$0x7FF] =	sst s3;
	s7 =	sor.u32 s1, s7  }
0x9: {  	s5 =	ssub.s32 $0x2, s5;
	s7 =	smul.u32 $0x500, s7;
	s8 =	sadd.s32 s6, s8  }
0xa: {  	_ =	strace $0x80000047;
	s9 =	sshrl.u32 s5, $0x1;
	s8 =	sshrl.u32 s8, $0x3  }
0xb: {  	s9 =	ssub.s32 s5, s9;
	s7 =	sadd.s32 s7, s4;
	s8 =	sadd.s32 s8, s4  }
0xc: {  	s4 =	sadd.s32 s6, s2;
	s5 =	sadd.s32 $0x1A00, s7;
	s6 =	sadd.s32 $0xBA00, s8  }
0xd: {  	v0 =	vimm.f32 $1.000000000e+00;
	v1 =	vimm.f32 $0.0e+00;
	s7 =	smax.u32 s9, $0x1;
	s8 =	simm.s32 $0x3000;
	s9 =	simm.s32 $0x5  }
.LBB2_1:
0xe: {  	s19 =	simm.s32 $0x0  }
.LBB2_2:
0xf: {  	p0 =	sne.s32 s19, $0x1FC0  }
.Ltmp0:
0x10: {  	_ = 	snop;
	(pc) =	sbr.rel @p0 .LBB2_2-.Ltmp0, $3  }
0x11: {  	_ =	sdelay $0x1  }
0x12: {  	s20 =	sshra.s32 s19, $0x2  }
0x13: {  	s19 =	sadd.s32 $0x40, s19;
	[tilespmem:s20+$0x2800] =	vst v0  }
0x14: {  	s19 =	simm.s32 $0x40;
	s20 =	simm.s32 $0x0  }
.LBB2_4:
0x15: {  	p0 =	sne.s32 s19, $0x9FC0;
	[tilespmem:s20+$0x3000] =	vst v1;
	s20 =	smov.u32 s19;
	s19 =	sadd.s32 $0x40, s19  }
.Ltmp1:
0x16: {  	(pc) =	sbr.rel @p0 .LBB2_4-.Ltmp1, $2  }
0x17: {  	_ =	sdelay $0x2  }
0x18: {  	s20 =	sshra.s32 s20, $0x2  }
0x19: {  	[tilespmem:s20+$0x3000] =	vst v1  }
0x1a: {  	[spmem:s4] =	stream.linear.scatter [tilespmem:s8], [sflag:$0x5], $0x2800, $0x38;
	[tilespmem:$0x8000] =	vst v63  }
0x1b: {  	_ =	swait.ge [sflag:s9], $0x2800  }
0x1c: {  	[sflag:s9] =	ssyncset.done $0x0  }
0x1d: {  	[sflag:s9] =	ssyncadd.s32 $0xFFFFD800  }
0x1e: {  	[bflag:$0x0] =	sbarrier.arrive $0xFFFF  }
0x1f: {  	[tilespmem:s3], [sflag:$0x5] =	stream.linear.gather [hbm4b:s5+s3], $0x2800, $0x38;
	[tilespmem:$0x8000] =	vst v63  }
0x20: {  	_ =	swait.ge [sflag:s9], $0x2800  }
0x21: {  	[sflag:s9] =	ssyncset.done $0x0  }
0x22: {  	[sflag:s9] =	ssyncadd.s32 $0xFFFFD800  }
0x23: {  	[spmem:s2] =	stream.indirect.scatter.add.f32 [tilespmem:s11], [sflag:$0x1], $0x10, s3, s10, $0xb8;
	[tilespmem:$0x8000] =	vst v63  }
0x24: {  	_ = 	snop  }
0x25: {  	[spmem:s2] =	stream.indirect.scatter.add.f32 [tilespmem:s11], [sflag:$0x2], $0x10, s10, s10, $0xb8;
	[tilespmem:$0x8000] =	vst v63  }
0x26: {  	_ = 	snop  }
0x27: {  	[spmem:s2] =	stream.indirect.scatter.add.f32 [tilespmem:s11], [sflag:$0x3], $0x10, s12, s10, $0xb8;
	[tilespmem:$0x8000] =	vst v63  }
0x28: {  	_ = 	snop  }
0x29: {  	[spmem:s2] =	stream.indirect.scatter.add.f32 [tilespmem:s11], [sflag:$0x4], $0x10, s13, s10, $0xb8;
	[tilespmem:$0x8000] =	vst v63  }
0x2a: {  	_ =	swait.ge [sflag:s14], $0x800  }
0x2b: {  	[sflag:s14] =	ssyncset.done $0x0  }
0x2c: {  	s19 =	simm.s32 $0x200;
	[sflag:s14] =	ssyncadd.s32 $0xFFFFF800  }
0x2d: {  	[spmem:s2] =	stream.indirect.scatter.add.f32 [tilespmem:s11], [sflag:$0x1], $0x10, s19, s10, $0xb8;
	[tilespmem:$0x8000] =	vst v63  }
0x2e: {  	_ =	swait.ge [sflag:s15], $0x800  }
0x2f: {  	[sflag:s15] =	ssyncset.done $0x0  }
0x30: {  	s30 =	simm.s32 $0x280;
	[sflag:s15] =	ssyncadd.s32 $0xFFFFF800  }
0x31: {  	[spmem:s2] =	stream.indirect.scatter.add.f32 [tilespmem:s11], [sflag:$0x2], $0x10, s30, s10, $0xb8;
	[tilespmem:$0x8000] =	vst v63  }
0x32: {  	_ =	swait.ge [sflag:s16], $0x800  }
0x33: {  	[sflag:s16] =	ssyncset.done $0x0  }
0x34: {  	s31 =	simm.s32 $0x300;
	[sflag:s16] =	ssyncadd.s32 $0xFFFFF800  }
0x35: {  	[spmem:s2] =	stream.indirect.scatter.add.f32 [tilespmem:s11], [sflag:$0x3], $0x10, s31, s10, $0xb8;
	[tilespmem:$0x8000] =	vst v63  }
0x36: {  	_ =	swait.ge [sflag:s17], $0x800  }
0x37: {  	[sflag:s17] =	ssyncset.done $0x0  }
0x38: {  	s20 =	simm.s32 $0x380;
	s19 =	simm.s32 $0xFFFF7000;
	[sflag:s17] =	ssyncadd.s32 $0xFFFFF800  }
.LBB2_6:
0x39: {  	[spmem:s2] =	stream.indirect.scatter.add.f32 [tilespmem:s11], [sflag:$0x4], $0x10, s20, s10, $0xb8;
	[tilespmem:$0x8000] =	vst v63  }
0x3a: {  	s20 =	smov.u32 s19  }
0x3b: {  	p0 =	sne.s32 s19, $0xFFFFF800;
	s19 =	sadd.s32 $0x800, s19;
	_ =	swait.ge [sflag:s14], $0x800  }
0x3c: {  	s20 =	sshra.s32 s20, $0x2;
	[sflag:s14] =	ssyncset.done $0x0  }
0x3d: {  	s21 =	sadd.s32 $0x2800, s20;
	[sflag:s14] =	ssyncadd.s32 $0xFFFFF800  }
0x3e: {  	[spmem:s2] =	stream.indirect.scatter.add.f32 [tilespmem:s11], [sflag:$0x1], $0x10, s21, s10, $0xb8;
	[tilespmem:$0x8000] =	vst v63  }
0x3f: {  	_ =	swait.ge [sflag:s15], $0x800  }
0x40: {  	[sflag:s15] =	ssyncset.done $0x0  }
0x41: {  	s21 =	sadd.s32 $0x2880, s20;
	[sflag:s15] =	ssyncadd.s32 $0xFFFFF800  }
0x42: {  	[spmem:s2] =	stream.indirect.scatter.add.f32 [tilespmem:s11], [sflag:$0x2], $0x10, s21, s10, $0xb8;
	[tilespmem:$0x8000] =	vst v63  }
0x43: {  	_ =	swait.ge [sflag:s16], $0x800  }
0x44: {  	[sflag:s16] =	ssyncset.done $0x0  }
.Ltmp2:
0x45: {  	s21 =	sadd.s32 $0x2900, s20;
	[sflag:s16] =	ssyncadd.s32 $0xFFFFF800;
	(pc) =	sbr.rel @p0 .LBB2_6-.Ltmp2, $4  }
0x46: {  	[spmem:s2] =	stream.indirect.scatter.add.f32 [tilespmem:s11], [sflag:$0x3], $0x10, s21, s10, $0xb8;
	[tilespmem:$0x8000] =	vst v63  }
0x47: {  	_ =	swait.ge [sflag:s17], $0x800  }
0x48: {  	[sflag:s17] =	ssyncset.done $0x0  }
0x49: {  	s20 =	sadd.s32 $0x2980, s20;
	[sflag:s17] =	ssyncadd.s32 $0xFFFFF800  }
0x4a: {  	[spmem:s2] =	stream.indirect.scatter.add.f32 [tilespmem:s11], [sflag:$0x4], $0x10, s20, s10, $0xb8;
	[tilespmem:$0x8000] =	vst v63  }
0x4b: {  	_ =	swait.ge [sflag:s14], $0x800  }
0x4c: {  	[sflag:s14] =	ssyncset.done $0x0  }
0x4d: {  	[sflag:s14] =	ssyncadd.s32 $0xFFFFF800  }
0x4e: {  	_ =	swait.ge [sflag:s15], $0x800  }
0x4f: {  	[sflag:s15] =	ssyncset.done $0x0  }
0x50: {  	[sflag:s15] =	ssyncadd.s32 $0xFFFFF800  }
0x51: {  	_ =	swait.ge [sflag:s16], $0x800  }
0x52: {  	[sflag:s16] =	ssyncset.done $0x0  }
0x53: {  	[sflag:s16] =	ssyncadd.s32 $0xFFFFF800  }
0x54: {  	_ =	swait.ge [sflag:s17], $0x800  }
0x55: {  	[sflag:s17] =	ssyncset.done $0x0  }
0x56: {  	[sflag:s17] =	ssyncadd.s32 $0xFFFFF800  }
0x57: {  	[bflag:$0x0] =	sbarrier.arrive $0xFFFF  }
0x58: {  	[tilespmem:s8], [sflag:$0x5] =	stream.linear.gather [spmem:s4], $0x2800, $0x38;
	[tilespmem:$0x8000] =	vst v63  }
0x59: {  	s18 =	sadd.s32 $0x1, s18;
	_ =	swait.ge [sflag:s9], $0x2800  }
0x5a: {  	p0 =	sne.s32 s18, s7;
	[sflag:s9] =	ssyncset.done $0x0  }
.Ltmp3:
0x5b: {  	[sflag:s9] =	ssyncadd.s32 $0xFFFFD800;
	(pc) =	sbr.rel @p0 .LBB2_1-.Ltmp3, $4  }
0x5c: {  	[hbm4b:s6+s3] =	stream.linear.scatter [tilespmem:s8], [sflag:$0x5], $0x2800, $0x38;
	[tilespmem:$0x8000] =	vst v63  }
0x5d: {  	_ =	swait.ge [sflag:s9], $0x2800  }
0x5e: {  	[sflag:s9] =	ssyncset.done $0x0  }
0x5f: {  	[sflag:s9] =	ssyncadd.s32 $0xFFFFD800  }
0x60: {  	_ =	sfence.sel $0x180000  }
0x61: {  	[bflag:$0x0] =	sbarrier.arrive $0xFFFF  }
0x62: {  	p0 =	sne.s32 s1, $0x0;
	_ =	strace $0x90000047  }
0x63: {  	s0 =	sadd.s32 @!p0 $0x100000, s0;
	[bflag:$0x2] =	sbarrier.arrive $0xFFFF  }
0x64: {  	[sflag:s0] =	ssyncadd.tile.s32 @!p0 $0x1;
	_ =	shalt  }
.Lfunc_end2:
_tile_overlayer_lowered:
.L_overlay_start_2:
0x65: {  	(tag) =	ssettag $0x2  }
0x66: {  	s0 =	rddreg [dreg:$0x0];
	s2 =	stileid.u32  }
0x67: {  	s1 =	rddreg [dreg:$0x1];
	p0 =	sne.s32 s2, $0x0  }
0x68: {  	s3 =	rddreg [dreg:$0x2];
	[bflag:$0x3] =	sbarrier.arrive $0xFFFF;
	s2 =	simm.s32 @!p0 $0x1C05  }
0x69: {  	[timem:s3], [sflag:s2] =	dma.local @!p0 [hbm:s0], s1  }
0x6a: {  	s0 =	simm.s32 @!p0 $0x5  }
0x6b: {  	_ =	swait.ge @!p0 [sflag:s0], s1  }
0x6c: {  	s1 =	ssub.s32 @!p0 $0x0, s1;
	[sflag:s0] =	ssyncset.done @!p0 $0x0  }
0x6d: {  	[sflag:s0] =	ssyncadd.s32 @!p0 s1  }
0x6e: {  	[bflag:$0x3] =	sbarrier.arrive $0xFFFF  }
0x6f: {  	_ =	shalt  }

</sc_bundles>
